<compile_context>
chip_gen: v7x
topology: tpu7x:2x2x1
jax: 0.10.2.dev20260603
libtpu: 0.0.44.dev20260713+nightly
codegen_flags: <defaults>
</compile_context>

<pallas_src>
import jax
import jax.numpy as jnp
from jax import lax
from jax.experimental import pallas as pl
from jax.experimental.pallas import tpu as pltpu
from jax.experimental.pallas import tpu_sc as plsc

_N = 10000
_E = 160000
_C = 128
_K = 27

_NC = 2
_NS = 16
_NW = _NC * _NS
_G = 128
_GR = 125
_ROWS = _E // _GR
_CH = _ROWS // _NW
_NBUF = 2
_NA = 10240
_NPAD = _NA - _N
_RPT = _NA // _NS


def _sc_conv_body(y_hbm, ridx_hbm, didx_hbm, out_hbm,
                  ridx_v, didx_v, rows, zbuf, acc,
                  g0, g1, s0, s1):
    gs = [g0, g1]
    ss = [s0, s1]
    c = lax.axis_index("c")
    s = lax.axis_index("s")
    wid = s * _NC + c

    base = wid * _CH
    pltpu.sync_copy(ridx_hbm.at[pl.ds(base, _CH)], ridx_v)
    pltpu.sync_copy(didx_hbm.at[pl.ds(base, _CH)], didx_v)
    for b in range(_NBUF):
        pltpu.async_copy(y_hbm.at[ridx_v.at[b]], rows.at[b], gs[b])

    def zero_row(r, carry):
        for gg in range(_C // 16):
            zbuf[r, pl.ds(16 * gg, 16)] = jnp.zeros((16,), jnp.float32)
        return carry

    nz = zbuf.shape[0]
    lax.fori_loop(0, nz, zero_row, 0)
    for i in range(_RPT // nz):
        pltpu.sync_copy(zbuf, acc.at[pl.ds(s * _RPT + i * nz, nz)])

    plsc.subcore_barrier()

    n_grp = _CH // _NBUF

    def chunk_group(g, carry):
        for b in range(_NBUF):
            ob = 1 - b
            j = 2 * g + b

            @pl.when((g > 0) | (b == 1))
            def _drain():
                pltpu.make_async_copy(rows.at[ob], acc.at[didx_v.at[j - 1]],
                                      ss[ob]).wait()

            @pl.when(((g > 0) | (b == 1)) & ((g < n_grp - 1) | (b == 0)))
            def _refill():
                pltpu.async_copy(y_hbm.at[ridx_v.at[j + 1]], rows.at[ob],
                                 gs[ob])

            pltpu.make_async_copy(y_hbm.at[ridx_v.at[j]], rows.at[b],
                                  gs[b]).wait()
            pltpu.async_copy(rows.at[b], acc.at[didx_v.at[j]],
                             ss[b], add=True)
        return carry

    lax.fori_loop(0, n_grp, chunk_group, 0)
    pltpu.make_async_copy(rows.at[1], acc.at[didx_v.at[_CH - 1]],
                          ss[1]).wait()

    plsc.subcore_barrier()
    pltpu.sync_copy(acc.at[pl.ds(s * _RPT, _RPT)],
                    out_hbm.at[c, pl.ds(s * _RPT, _RPT)])


_sc_conv = pl.kernel(
    _sc_conv_body,
    out_type=jax.ShapeDtypeStruct((_NC, _NA, _C), jnp.float32),
    mesh=plsc.VectorSubcoreMesh(core_axis_name="c", subcore_axis_name="s"),
    scratch_types=[
        pltpu.VMEM((_CH, _G), jnp.int32),
        pltpu.VMEM((_CH, _G), jnp.int32),
        pltpu.VMEM((_NBUF, _G, _C), jnp.float32),
        pltpu.VMEM((32, _C), jnp.float32),
        pltpu.VMEM_SHARED((_NA, _C), jnp.float32),
    ] + [pltpu.SemaphoreType.DMA] * 4,
)


def _mm_body(x_ref, w_ref, y_ref):
    y_ref[0] = jnp.dot(x_ref[...], w_ref[0],
                       preferred_element_type=jnp.float32)


def _transform(x, W):
    y = pl.pallas_call(
        _mm_body,
        grid=(_K,),
        in_specs=[pl.BlockSpec((_N, _C), lambda k: (0, 0)),
                  pl.BlockSpec((1, _C, _C), lambda k: (k, 0, 0))],
        out_specs=pl.BlockSpec((1, _N, _C), lambda k: (k, 0, 0)),
        out_shape=jax.ShapeDtypeStruct((_K, _N, _C), jnp.float32),
    )(x, W)
    return y.reshape(_K * _N, _C)


def _bn_mm_body(acc_ref, g_ref, b_ref, w_ref, y_ref, h_ref):
    @pl.when(pl.program_id(0) == 0)
    def _bn():
        h = acc_ref[0, :_N] + acc_ref[1, :_N]
        mu = jnp.mean(h, axis=0, keepdims=True)
        var = jnp.mean(jnp.square(h - mu), axis=0, keepdims=True)
        h_ref[...] = jnp.maximum(
            (h - mu) * lax.rsqrt(var + 1e-4) * g_ref[...] + b_ref[...], 0.0)

    y_ref[0] = jnp.dot(h_ref[...], w_ref[0],
                       preferred_element_type=jnp.float32)


def _bn_transform(acc, g, b, W):
    y = pl.pallas_call(
        _bn_mm_body,
        grid=(_K,),
        in_specs=[pl.BlockSpec((_NC, _NA, _C), lambda k: (0, 0, 0)),
                  pl.BlockSpec((1, _C), lambda k: (0, 0)),
                  pl.BlockSpec((1, _C), lambda k: (0, 0)),
                  pl.BlockSpec((1, _C, _C), lambda k: (k, 0, 0))],
        out_specs=pl.BlockSpec((1, _N, _C), lambda k: (k, 0, 0)),
        out_shape=jax.ShapeDtypeStruct((_K, _N, _C), jnp.float32),
        scratch_shapes=[pltpu.VMEM((_N, _C), jnp.float32)],
    )(acc, g.reshape(1, _C), b.reshape(1, _C), W)
    return y.reshape(_K * _N, _C)


def _bn_res_relu_body(acc_ref, g_ref, b_ref, x_ref, o_ref):
    h = acc_ref[0, :_N] + acc_ref[1, :_N]
    mu = jnp.mean(h, axis=0, keepdims=True)
    var = jnp.mean(jnp.square(h - mu), axis=0, keepdims=True)
    o_ref[...] = jnp.maximum(
        (h - mu) * lax.rsqrt(var + 1e-4) * g_ref[...] + b_ref[...]
        + x_ref[...], 0.0)


def _bn_res_relu(acc, g, b, x):
    return pl.pallas_call(
        _bn_res_relu_body,
        out_shape=jax.ShapeDtypeStruct((_N, _C), jnp.float32),
    )(acc, g.reshape(1, _C), b.reshape(1, _C), x)


def kernel(x, W1, g1, b1, W2, g2, b2, edge_index, kernel_idx):
    src = edge_index[0].astype(jnp.int32)
    dst = edge_index[1].astype(jnp.int32)
    kidx = kernel_idx.astype(jnp.int32)

    row_id = jnp.arange(_ROWS, dtype=jnp.int32)[:, None]
    gpad = jnp.broadcast_to(row_id, (_ROWS, _G - _GR))
    dpad = _N + row_id % _NPAD
    dpad = jnp.broadcast_to(dpad, (_ROWS, _G - _GR))
    ridx = jnp.concatenate(
        [(kidx * _N + src).reshape(_ROWS, _GR), gpad], axis=1)
    didx = jnp.concatenate([dst.reshape(_ROWS, _GR), dpad], axis=1)

    y1 = _transform(x, W1)
    acc1 = _sc_conv(y1, ridx, didx)
    y2 = _bn_transform(acc1, g1, b1, W2)
    acc2 = _sc_conv(y2, ridx, didx)
    return _bn_res_relu(acc2, g2, b2, x)

# --- scband reference (transcript-rebuilt; emitter-appended) ---
"""Pipeline reference for scband-sparse-residual-block-25280177504760 (READ-ONLY COPY).

The authoritative reference and input builder live on the scoring server;
editing this copy changes nothing except your own understanding.
"""

import jax, jax.numpy as jnp
import numpy as np

N = 10000
E = 160000
C = 128
K = 27  # 3x3x3 submanifold kernel offsets


def _subconv(x, W, src, dst, kidx):
    # Submanifold sparse conv via rulebook: for each kernel offset k,
    # y_k = x @ W[k]; each edge e contributes y_{k_e}[src_e] to out[dst_e].
    n = x.shape[0]
    cout = W.shape[2]
    Y = jnp.einsum('nc,kco->kno', x, W)          # [K, N, Cout]
    flat = Y.reshape(K * n, cout)
    msg = flat[kidx * n + src]                   # gather per-edge messages
    out = jnp.zeros((n, cout), dtype=x.dtype).at[dst].add(msg)  # scatter-add
    return out


def _bn(h, gamma, beta, eps=1e-4):
    mu = jnp.mean(h, axis=0)
    var = jnp.var(h, axis=0)
    return (h - mu) * jax.lax.rsqrt(var + eps) * gamma + beta


def setup_inputs(seed: int = 0) -> dict:
    key = jax.random.key(seed)
    ks = jax.random.split(key, 6)
    x = jax.random.normal(ks[0], (N, C), dtype=jnp.float32)
    edge_index = jax.random.randint(ks[1], (2, E), 0, N)
    kernel_idx = jax.random.randint(ks[2], (E,), 0, K)
    scale = 1.0 / np.sqrt(C * K)
    W1 = jax.random.normal(ks[3], (K, C, C), dtype=jnp.float32) * scale
    W2 = jax.random.normal(ks[4], (K, C, C), dtype=jnp.float32) * scale
    g1 = jnp.ones((C,), jnp.float32)
    b1 = jnp.zeros((C,), jnp.float32)
    g2 = jnp.ones((C,), jnp.float32)
    b2 = jnp.zeros((C,), jnp.float32)
    return {"x": x, "W1": W1, "g1": g1, "b1": b1, "W2": W2, "g2": g2,
            "b2": b2, "edge_index": edge_index, "kernel_idx": kernel_idx}


def reference(x, W1, g1, b1, W2, g2, b2, edge_index, kernel_idx):
    src = edge_index[0]
    dst = edge_index[1]
    residual = x
    out = _subconv(x, W1, src, dst, kernel_idx)      # conv1 (no bias)
    out = jax.nn.relu(_bn(out, g1, b1))              # bn1 + relu (BatchNormReLU)
    out = _subconv(out, W2, src, dst, kernel_idx)    # conv2 (no bias)
    out = _bn(out, g2, b2)                           # bn2
    out = out + residual                             # AddTable
    out = jax.nn.relu(out)                           # ReLU
    return out

if __name__ == "__main__":
    import jax
    _d = setup_inputs()
    print(jax.jit(kernel)(*tuple(_d.values())))

</pallas_src>

<mosaic_0001>
#map = affine_map<(d0, d1) -> (0, 0)>
#map1 = affine_map<(d0, d1) -> (0, 0, 0)>
module attributes {stable_mosaic.version = 14 : i64} {
  func.func @_sc_conv_body(%arg0: i32, %arg1: i32, %arg2: memref<270000x128xf32, #tpu.memory_space<hbm>>, %arg3: memref<1280x128xi32, #tpu.memory_space<hbm>>, %arg4: memref<1280x128xi32, #tpu.memory_space<hbm>>, %arg5: memref<2x10240x128xf32, #tpu.memory_space<hbm>>, %arg6: memref<40x128xi32, #tpu.memory_space<vmem>>, %arg7: memref<40x128xi32, #tpu.memory_space<vmem>>, %arg8: memref<2x128x128xf32, #tpu.memory_space<vmem>>, %arg9: memref<32x128xf32, #tpu.memory_space<vmem>>, %arg10: memref<10240x128xf32, #tpu.memory_space<vmem_shared>>, %arg11: memref<!tpu.dma_semaphore, #tpu.memory_space<semaphore_mem>>, %arg12: memref<!tpu.dma_semaphore, #tpu.memory_space<semaphore_mem>>, %arg13: memref<!tpu.dma_semaphore, #tpu.memory_space<semaphore_mem>>, %arg14: memref<!tpu.dma_semaphore, #tpu.memory_space<semaphore_mem>>) attributes {dimension_semantics = [#tpu.dimension_semantics<core_parallel>, #tpu.dimension_semantics<subcore_parallel>], iteration_bounds = array<i64: 2, 16>, scalar_prefetch = 0 : i64, scratch_operands = 9 : i64, tpu.core_type = #tpu.core_type<sc_vector_subcore>, window_params = [{transform_indices = #map}, {transform_indices = #map}, {transform_indices = #map}, {transform_indices = #map1}]} {
    %mul3A = arith.constant 2 : i32
    %mul3A_0 = arith.muli %arg1, %mul3A : i32
    %add3A = arith.addi %mul3A_0, %arg0 : i32
    %mul3A_1 = arith.constant 40 : i32
    %mul3A_2 = arith.muli %add3A, %mul3A_1 : i32
    "tpu.region"() ({
      %run_scoped3A = tpu.sem_alloc : memref<!tpu.dma_semaphore, #tpu.memory_space<semaphore_mem>>
      %dma_start3A_133 = arith.constant 0 : i32
      %dma_start3A_134 = tpu.memref_slice %arg3[%mul3A_2, %dma_start3A_133] : memref<1280x128xi32, #tpu.memory_space<hbm>> -> memref<40x128xi32, #tpu.memory_space<hbm>>
      %dma_start3A_135 = arith.constant 0 : i32
      %dma_start3A_136 = tpu.memref_slice %arg3[%mul3A_2, %dma_start3A_135] : memref<1280x128xi32, #tpu.memory_space<hbm>> -> memref<40x128xi32, #tpu.memory_space<hbm>>
      tpu.enqueue_dma source(%dma_start3A_136 : memref<40x128xi32, #tpu.memory_space<hbm>>) target(%arg6 : memref<40x128xi32, #tpu.memory_space<vmem>>) target_semaphore(%run_scoped3A : memref<!tpu.dma_semaphore, #tpu.memory_space<semaphore_mem>>)
      %dma_wait3A_137 = arith.constant 0 : i32
      %dma_wait3A_138 = tpu.memref_slice %arg3[%mul3A_2, %dma_wait3A_137] : memref<1280x128xi32, #tpu.memory_space<hbm>> -> memref<40x128xi32, #tpu.memory_space<hbm>>
      %dma_wait3A_139 = arith.constant 0 : i32
      %dma_wait3A_140 = tpu.memref_slice %arg3[%mul3A_2, %dma_wait3A_139] : memref<1280x128xi32, #tpu.memory_space<hbm>> -> memref<40x128xi32, #tpu.memory_space<hbm>>
      tpu.wait_dma2 semaphore(%run_scoped3A : memref<!tpu.dma_semaphore, #tpu.memory_space<semaphore_mem>>) src(%dma_wait3A_140 : memref<40x128xi32, #tpu.memory_space<hbm>>) dst(%arg6 : memref<40x128xi32, #tpu.memory_space<vmem>>)
      tpu.yield
    }) : () -> ()
    "tpu.region"() ({
      %run_scoped3A = tpu.sem_alloc : memref<!tpu.dma_semaphore, #tpu.memory_space<semaphore_mem>>
      %dma_start3A_133 = arith.constant 0 : i32
      %dma_start3A_134 = tpu.memref_slice %arg4[%mul3A_2, %dma_start3A_133] : memref<1280x128xi32, #tpu.memory_space<hbm>> -> memref<40x128xi32, #tpu.memory_space<hbm>>
      %dma_start3A_135 = arith.constant 0 : i32
      %dma_start3A_136 = tpu.memref_slice %arg4[%mul3A_2, %dma_start3A_135] : memref<1280x128xi32, #tpu.memory_space<hbm>> -> memref<40x128xi32, #tpu.memory_space<hbm>>
      tpu.enqueue_dma source(%dma_start3A_136 : memref<40x128xi32, #tpu.memory_space<hbm>>) target(%arg7 : memref<40x128xi32, #tpu.memory_space<vmem>>) target_semaphore(%run_scoped3A : memref<!tpu.dma_semaphore, #tpu.memory_space<semaphore_mem>>)
      %dma_wait3A_137 = arith.constant 0 : i32
      %dma_wait3A_138 = tpu.memref_slice %arg4[%mul3A_2, %dma_wait3A_137] : memref<1280x128xi32, #tpu.memory_space<hbm>> -> memref<40x128xi32, #tpu.memory_space<hbm>>
      %dma_wait3A_139 = arith.constant 0 : i32
      %dma_wait3A_140 = tpu.memref_slice %arg4[%mul3A_2, %dma_wait3A_139] : memref<1280x128xi32, #tpu.memory_space<hbm>> -> memref<40x128xi32, #tpu.memory_space<hbm>>
      tpu.wait_dma2 semaphore(%run_scoped3A : memref<!tpu.dma_semaphore, #tpu.memory_space<semaphore_mem>>) src(%dma_wait3A_140 : memref<40x128xi32, #tpu.memory_space<hbm>>) dst(%arg7 : memref<40x128xi32, #tpu.memory_space<vmem>>)
      tpu.yield
    }) : () -> ()
    %dma_start3A = arith.constant 0 : i32
    %dma_start3A_3 = arith.constant 0 : i32
    %dma_start3A_4 = arith.constant 0 : i32
    %dma_start3A_5 = arith.constant 0 : i32
    %dma_start3A_6 = tpu.memref_slice %arg8[%dma_start3A_3, %dma_start3A_4, %dma_start3A_5] : memref<2x128x128xf32, #tpu.memory_space<vmem>> -> memref<1x128x128xf32, #tpu.memory_space<vmem>>
    %dma_start3A_7 = tpu.memref_squeeze %dma_start3A_6 : memref<1x128x128xf32, #tpu.memory_space<vmem>> -> memref<128x128xf32, #tpu.memory_space<vmem>>
    %dma_start3A_8 = arith.constant 0 : i32
    %dma_start3A_9 = tpu.memref_slice %arg6[%dma_start3A, %dma_start3A_8] : memref<40x128xi32, #tpu.memory_space<vmem>> -> memref<1x128xi32, #tpu.memory_space<vmem>>
    %dma_start3A_10 = tpu.memref_squeeze %dma_start3A_9 : memref<1x128xi32, #tpu.memory_space<vmem>> -> memref<128xi32, #tpu.memory_space<vmem>>
    %dma_start3A_11 = arith.constant 0 : i32
    %dma_start3A_12 = arith.constant 0 : i32
    %dma_start3A_13 = tpu.memref_slice %arg2[%dma_start3A_11, %dma_start3A_12] : memref<270000x128xf32, #tpu.memory_space<hbm>> -> memref<270000x128xf32, #tpu.memory_space<hbm>>
    tpu.enqueue_indirect_dma source(%dma_start3A_13 : memref<270000x128xf32, #tpu.memory_space<hbm>>) target(%dma_start3A_7 : memref<128x128xf32, #tpu.memory_space<vmem>>) offsets(%dma_start3A_10 : memref<128xi32, #tpu.memory_space<vmem>>) semaphore(%arg11 : memref<!tpu.dma_semaphore, #tpu.memory_space<semaphore_mem>>)
    %dma_start3A_14 = arith.constant 1 : i32
    %dma_start3A_15 = arith.constant 1 : i32
    %dma_start3A_16 = arith.constant 0 : i32
    %dma_start3A_17 = arith.constant 0 : i32
    %dma_start3A_18 = tpu.memref_slice %arg8[%dma_start3A_15, %dma_start3A_16, %dma_start3A_17] : memref<2x128x128xf32, #tpu.memory_space<vmem>> -> memref<1x128x128xf32, #tpu.memory_space<vmem>>
    %dma_start3A_19 = tpu.memref_squeeze %dma_start3A_18 : memref<1x128x128xf32, #tpu.memory_space<vmem>> -> memref<128x128xf32, #tpu.memory_space<vmem>>
    %dma_start3A_20 = arith.constant 0 : i32
    %dma_start3A_21 = tpu.memref_slice %arg6[%dma_start3A_14, %dma_start3A_20] : memref<40x128xi32, #tpu.memory_space<vmem>> -> memref<1x128xi32, #tpu.memory_space<vmem>>
    %dma_start3A_22 = tpu.memref_squeeze %dma_start3A_21 : memref<1x128xi32, #tpu.memory_space<vmem>> -> memref<128xi32, #tpu.memory_space<vmem>>
    %dma_start3A_23 = arith.constant 0 : i32
    %dma_start3A_24 = arith.constant 0 : i32
    %dma_start3A_25 = tpu.memref_slice %arg2[%dma_start3A_23, %dma_start3A_24] : memref<270000x128xf32, #tpu.memory_space<hbm>> -> memref<270000x128xf32, #tpu.memory_space<hbm>>
    tpu.enqueue_indirect_dma source(%dma_start3A_25 : memref<270000x128xf32, #tpu.memory_space<hbm>>) target(%dma_start3A_19 : memref<128x128xf32, #tpu.memory_space<vmem>>) offsets(%dma_start3A_22 : memref<128xi32, #tpu.memory_space<vmem>>) semaphore(%arg12 : memref<!tpu.dma_semaphore, #tpu.memory_space<semaphore_mem>>)
    %scan3A = arith.constant 0 : i32
    %scan3A_26 = arith.constant 0 : i32
    %scan3A_27 = arith.constant 32 : i32
    %scan3A_28 = arith.addi %scan3A_26, %scan3A_27 : i32
    %scan3A_29 = arith.constant 1 : i32
    scf.for %scan3A_133 = %scan3A_26 to %scan3A_28 step %scan3A_29  : i32 {
      %broadcast_in_dim3A = arith.constant 0.000000e+00 : f32
      %broadcast_in_dim3A_134 = vector.broadcast %broadcast_in_dim3A : f32 to vector<16xf32>
      %swap3A = arith.index_cast %scan3A_133 : i32 to index
      %swap3A_135 = arith.constant 0 : index
      %swap3A_136 = tpu.vector_load %arg9[%swap3A, %swap3A_135] {strides = array<i32>} : memref<32x128xf32, #tpu.memory_space<vmem>>, vector<1x16xf32>,
      %swap3A_137 = vector.shape_cast %swap3A_136 : vector<1x16xf32> to vector<16xf32>
      %swap3A_138 = vector.shape_cast %broadcast_in_dim3A_134 : vector<16xf32> to vector<1x16xf32>
      tpu.vector_store %arg9[%swap3A, %swap3A_135], %swap3A_138 {strides = array<i32>} : memref<32x128xf32, #tpu.memory_space<vmem>>, vector<1x16xf32>,
      %broadcast_in_dim3A_139 = arith.constant 0.000000e+00 : f32
      %broadcast_in_dim3A_140 = vector.broadcast %broadcast_in_dim3A_139 : f32 to vector<16xf32>
      %swap3A_141 = arith.index_cast %scan3A_133 : i32 to index
      %swap3A_142 = arith.constant 16 : index
      %swap3A_143 = tpu.vector_load %arg9[%swap3A_141, %swap3A_142] {strides = array<i32>} : memref<32x128xf32, #tpu.memory_space<vmem>>, vector<1x16xf32>,
      %swap3A_144 = vector.shape_cast %swap3A_143 : vector<1x16xf32> to vector<16xf32>
      %swap3A_145 = vector.shape_cast %broadcast_in_dim3A_140 : vector<16xf32> to vector<1x16xf32>
      tpu.vector_store %arg9[%swap3A_141, %swap3A_142], %swap3A_145 {strides = array<i32>} : memref<32x128xf32, #tpu.memory_space<vmem>>, vector<1x16xf32>,
      %broadcast_in_dim3A_146 = arith.constant 0.000000e+00 : f32
      %broadcast_in_dim3A_147 = vector.broadcast %broadcast_in_dim3A_146 : f32 to vector<16xf32>
      %swap3A_148 = arith.index_cast %scan3A_133 : i32 to index
      %swap3A_149 = arith.constant 32 : index
      %swap3A_150 = tpu.vector_load %arg9[%swap3A_148, %swap3A_149] {strides = array<i32>} : memref<32x128xf32, #tpu.memory_space<vmem>>, vector<1x16xf32>,
      %swap3A_151 = vector.shape_cast %swap3A_150 : vector<1x16xf32> to vector<16xf32>
      %swap3A_152 = vector.shape_cast %broadcast_in_dim3A_147 : vector<16xf32> to vector<1x16xf32>
      tpu.vector_store %arg9[%swap3A_148, %swap3A_149], %swap3A_152 {strides = array<i32>} : memref<32x128xf32, #tpu.memory_space<vmem>>, vector<1x16xf32>,
      %broadcast_in_dim3A_153 = arith.constant 0.000000e+00 : f32
      %broadcast_in_dim3A_154 = vector.broadcast %broadcast_in_dim3A_153 : f32 to vector<16xf32>
      %swap3A_155 = arith.index_cast %scan3A_133 : i32 to index
      %swap3A_156 = arith.constant 48 : index
      %swap3A_157 = tpu.vector_load %arg9[%swap3A_155, %swap3A_156] {strides = array<i32>} : memref<32x128xf32, #tpu.memory_space<vmem>>, vector<1x16xf32>,
      %swap3A_158 = vector.shape_cast %swap3A_157 : vector<1x16xf32> to vector<16xf32>
      %swap3A_159 = vector.shape_cast %broadcast_in_dim3A_154 : vector<16xf32> to vector<1x16xf32>
      tpu.vector_store %arg9[%swap3A_155, %swap3A_156], %swap3A_159 {strides = array<i32>} : memref<32x128xf32, #tpu.memory_space<vmem>>, vector<1x16xf32>,
      %broadcast_in_dim3A_160 = arith.constant 0.000000e+00 : f32
      %broadcast_in_dim3A_161 = vector.broadcast %broadcast_in_dim3A_160 : f32 to vector<16xf32>
      %swap3A_162 = arith.index_cast %scan3A_133 : i32 to index
      %swap3A_163 = arith.constant 64 : index
      %swap3A_164 = tpu.vector_load %arg9[%swap3A_162, %swap3A_163] {strides = array<i32>} : memref<32x128xf32, #tpu.memory_space<vmem>>, vector<1x16xf32>,
      %swap3A_165 = vector.shape_cast %swap3A_164 : vector<1x16xf32> to vector<16xf32>
      %swap3A_166 = vector.shape_cast %broadcast_in_dim3A_161 : vector<16xf32> to vector<1x16xf32>
      tpu.vector_store %arg9[%swap3A_162, %swap3A_163], %swap3A_166 {strides = array<i32>} : memref<32x128xf32, #tpu.memory_space<vmem>>, vector<1x16xf32>,
      %broadcast_in_dim3A_167 = arith.constant 0.000000e+00 : f32
      %broadcast_in_dim3A_168 = vector.broadcast %broadcast_in_dim3A_167 : f32 to vector<16xf32>
      %swap3A_169 = arith.index_cast %scan3A_133 : i32 to index
      %swap3A_170 = arith.constant 80 : index
      %swap3A_171 = tpu.vector_load %arg9[%swap3A_169, %swap3A_170] {strides = array<i32>} : memref<32x128xf32, #tpu.memory_space<vmem>>, vector<1x16xf32>,
      %swap3A_172 = vector.shape_cast %swap3A_171 : vector<1x16xf32> to vector<16xf32>
      %swap3A_173 = vector.shape_cast %broadcast_in_dim3A_168 : vector<16xf32> to vector<1x16xf32>
      tpu.vector_store %arg9[%swap3A_169, %swap3A_170], %swap3A_173 {strides = array<i32>} : memref<32x128xf32, #tpu.memory_space<vmem>>, vector<1x16xf32>,
      %broadcast_in_dim3A_174 = arith.constant 0.000000e+00 : f32
      %broadcast_in_dim3A_175 = vector.broadcast %broadcast_in_dim3A_174 : f32 to vector<16xf32>
      %swap3A_176 = arith.index_cast %scan3A_133 : i32 to index
      %swap3A_177 = arith.constant 96 : index
      %swap3A_178 = tpu.vector_load %arg9[%swap3A_176, %swap3A_177] {strides = array<i32>} : memref<32x128xf32, #tpu.memory_space<vmem>>, vector<1x16xf32>,
      %swap3A_179 = vector.shape_cast %swap3A_178 : vector<1x16xf32> to vector<16xf32>
      %swap3A_180 = vector.shape_cast %broadcast_in_dim3A_175 : vector<16xf32> to vector<1x16xf32>
      tpu.vector_store %arg9[%swap3A_176, %swap3A_177], %swap3A_180 {strides = array<i32>} : memref<32x128xf32, #tpu.memory_space<vmem>>, vector<1x16xf32>,
      %broadcast_in_dim3A_181 = arith.constant 0.000000e+00 : f32
      %broadcast_in_dim3A_182 = vector.broadcast %broadcast_in_dim3A_181 : f32 to vector<16xf32>
      %swap3A_183 = arith.index_cast %scan3A_133 : i32 to index
      %swap3A_184 = arith.constant 112 : index
      %swap3A_185 = tpu.vector_load %arg9[%swap3A_183, %swap3A_184] {strides = array<i32>} : memref<32x128xf32, #tpu.memory_space<vmem>>, vector<1x16xf32>,
      %swap3A_186 = vector.shape_cast %swap3A_185 : vector<1x16xf32> to vector<16xf32>
      %swap3A_187 = vector.shape_cast %broadcast_in_dim3A_182 : vector<16xf32> to vector<1x16xf32>
      tpu.vector_store %arg9[%swap3A_183, %swap3A_184], %swap3A_187 {strides = array<i32>} : memref<32x128xf32, #tpu.memory_space<vmem>>, vector<1x16xf32>,
    }
    %scan3A_30 = arith.constant 32 : i32
    %mul3A_31 = arith.constant 640 : i32
    %mul3A_32 = arith.muli %arg1, %mul3A_31 : i32
    %add3A_33 = arith.constant 0 : i32
    %add3A_34 = arith.addi %mul3A_32, %add3A_33 : i32
    "tpu.region"() ({
      %run_scoped3A = tpu.sem_alloc : memref<!tpu.dma_semaphore, #tpu.memory_space<semaphore_mem>>
      %dma_start3A_133 = arith.constant 0 : i32
      %dma_start3A_134 = tpu.memref_slice %arg10[%add3A_34, %dma_start3A_133] : memref<10240x128xf32, #tpu.memory_space<vmem_shared>> -> memref<32x128xf32, #tpu.memory_space<vmem_shared>>
      %dma_start3A_135 = arith.constant 0 : i32
      %dma_start3A_136 = tpu.memref_slice %arg10[%add3A_34, %dma_start3A_135] : memref<10240x128xf32, #tpu.memory_space<vmem_shared>> -> memref<32x128xf32, #tpu.memory_space<vmem_shared>>
      tpu.enqueue_dma source(%arg9 : memref<32x128xf32, #tpu.memory_space<vmem>>) target(%dma_start3A_136 : memref<32x128xf32, #tpu.memory_space<vmem_shared>>) target_semaphore(%run_scoped3A : memref<!tpu.dma_semaphore, #tpu.memory_space<semaphore_mem>>)
      %dma_wait3A_137 = arith.constant 0 : i32
      %dma_wait3A_138 = tpu.memref_slice %arg10[%add3A_34, %dma_wait3A_137] : memref<10240x128xf32, #tpu.memory_space<vmem_shared>> -> memref<32x128xf32, #tpu.memory_space<vmem_shared>>
      %dma_wait3A_139 = arith.constant 0 : i32
      %dma_wait3A_140 = tpu.memref_slice %arg10[%add3A_34, %dma_wait3A_139] : memref<10240x128xf32, #tpu.memory_space<vmem_shared>> -> memref<32x128xf32, #tpu.memory_space<vmem_shared>>
      tpu.wait_dma2 semaphore(%run_scoped3A : memref<!tpu.dma_semaphore, #tpu.memory_space<semaphore_mem>>) src(%arg9 : memref<32x128xf32, #tpu.memory_space<vmem>>) dst(%dma_wait3A_140 : memref<32x128xf32, #tpu.memory_space<vmem_shared>>)
      tpu.yield
    }) : () -> ()
    %mul3A_35 = arith.constant 640 : i32
    %mul3A_36 = arith.muli %arg1, %mul3A_35 : i32
    %add3A_37 = arith.constant 32 : i32
    %add3A_38 = arith.addi %mul3A_36, %add3A_37 : i32
    "tpu.region"() ({
      %run_scoped3A = tpu.sem_alloc : memref<!tpu.dma_semaphore, #tpu.memory_space<semaphore_mem>>
      %dma_start3A_133 = arith.constant 0 : i32
      %dma_start3A_134 = tpu.memref_slice %arg10[%add3A_38, %dma_start3A_133] : memref<10240x128xf32, #tpu.memory_space<vmem_shared>> -> memref<32x128xf32, #tpu.memory_space<vmem_shared>>
      %dma_start3A_135 = arith.constant 0 : i32
      %dma_start3A_136 = tpu.memref_slice %arg10[%add3A_38, %dma_start3A_135] : memref<10240x128xf32, #tpu.memory_space<vmem_shared>> -> memref<32x128xf32, #tpu.memory_space<vmem_shared>>
      tpu.enqueue_dma source(%arg9 : memref<32x128xf32, #tpu.memory_space<vmem>>) target(%dma_start3A_136 : memref<32x128xf32, #tpu.memory_space<vmem_shared>>) target_semaphore(%run_scoped3A : memref<!tpu.dma_semaphore, #tpu.memory_space<semaphore_mem>>)
      %dma_wait3A_137 = arith.constant 0 : i32
      %dma_wait3A_138 = tpu.memref_slice %arg10[%add3A_38, %dma_wait3A_137] : memref<10240x128xf32, #tpu.memory_space<vmem_shared>> -> memref<32x128xf32, #tpu.memory_space<vmem_shared>>
      %dma_wait3A_139 = arith.constant 0 : i32
      %dma_wait3A_140 = tpu.memref_slice %arg10[%add3A_38, %dma_wait3A_139] : memref<10240x128xf32, #tpu.memory_space<vmem_shared>> -> memref<32x128xf32, #tpu.memory_space<vmem_shared>>
      tpu.wait_dma2 semaphore(%run_scoped3A : memref<!tpu.dma_semaphore, #tpu.memory_space<semaphore_mem>>) src(%arg9 : memref<32x128xf32, #tpu.memory_space<vmem>>) dst(%dma_wait3A_140 : memref<32x128xf32, #tpu.memory_space<vmem_shared>>)
      tpu.yield
    }) : () -> ()
    %mul3A_39 = arith.constant 640 : i32
    %mul3A_40 = arith.muli %arg1, %mul3A_39 : i32
    %add3A_41 = arith.constant 64 : i32
    %add3A_42 = arith.addi %mul3A_40, %add3A_41 : i32
    "tpu.region"() ({
      %run_scoped3A = tpu.sem_alloc : memref<!tpu.dma_semaphore, #tpu.memory_space<semaphore_mem>>
      %dma_start3A_133 = arith.constant 0 : i32
      %dma_start3A_134 = tpu.memref_slice %arg10[%add3A_42, %dma_start3A_133] : memref<10240x128xf32, #tpu.memory_space<vmem_shared>> -> memref<32x128xf32, #tpu.memory_space<vmem_shared>>
      %dma_start3A_135 = arith.constant 0 : i32
      %dma_start3A_136 = tpu.memref_slice %arg10[%add3A_42, %dma_start3A_135] : memref<10240x128xf32, #tpu.memory_space<vmem_shared>> -> memref<32x128xf32, #tpu.memory_space<vmem_shared>>
      tpu.enqueue_dma source(%arg9 : memref<32x128xf32, #tpu.memory_space<vmem>>) target(%dma_start3A_136 : memref<32x128xf32, #tpu.memory_space<vmem_shared>>) target_semaphore(%run_scoped3A : memref<!tpu.dma_semaphore, #tpu.memory_space<semaphore_mem>>)
      %dma_wait3A_137 = arith.constant 0 : i32
      %dma_wait3A_138 = tpu.memref_slice %arg10[%add3A_42, %dma_wait3A_137] : memref<10240x128xf32, #tpu.memory_space<vmem_shared>> -> memref<32x128xf32, #tpu.memory_space<vmem_shared>>
      %dma_wait3A_139 = arith.constant 0 : i32
      %dma_wait3A_140 = tpu.memref_slice %arg10[%add3A_42, %dma_wait3A_139] : memref<10240x128xf32, #tpu.memory_space<vmem_shared>> -> memref<32x128xf32, #tpu.memory_space<vmem_shared>>
      tpu.wait_dma2 semaphore(%run_scoped3A : memref<!tpu.dma_semaphore, #tpu.memory_space<semaphore_mem>>) src(%arg9 : memref<32x128xf32, #tpu.memory_space<vmem>>) dst(%dma_wait3A_140 : memref<32x128xf32, #tpu.memory_space<vmem_shared>>)
      tpu.yield
    }) : () -> ()
    %mul3A_43 = arith.constant 640 : i32
    %mul3A_44 = arith.muli %arg1, %mul3A_43 : i32
    %add3A_45 = arith.constant 96 : i32
    %add3A_46 = arith.addi %mul3A_44, %add3A_45 : i32
    "tpu.region"() ({
      %run_scoped3A = tpu.sem_alloc : memref<!tpu.dma_semaphore, #tpu.memory_space<semaphore_mem>>
      %dma_start3A_133 = arith.constant 0 : i32
      %dma_start3A_134 = tpu.memref_slice %arg10[%add3A_46, %dma_start3A_133] : memref<10240x128xf32, #tpu.memory_space<vmem_shared>> -> memref<32x128xf32, #tpu.memory_space<vmem_shared>>
      %dma_start3A_135 = arith.constant 0 : i32
      %dma_start3A_136 = tpu.memref_slice %arg10[%add3A_46, %dma_start3A_135] : memref<10240x128xf32, #tpu.memory_space<vmem_shared>> -> memref<32x128xf32, #tpu.memory_space<vmem_shared>>
      tpu.enqueue_dma source(%arg9 : memref<32x128xf32, #tpu.memory_space<vmem>>) target(%dma_start3A_136 : memref<32x128xf32, #tpu.memory_space<vmem_shared>>) target_semaphore(%run_scoped3A : memref<!tpu.dma_semaphore, #tpu.memory_space<semaphore_mem>>)
      %dma_wait3A_137 = arith.constant 0 : i32
      %dma_wait3A_138 = tpu.memref_slice %arg10[%add3A_46, %dma_wait3A_137] : memref<10240x128xf32, #tpu.memory_space<vmem_shared>> -> memref<32x128xf32, #tpu.memory_space<vmem_shared>>
      %dma_wait3A_139 = arith.constant 0 : i32
      %dma_wait3A_140 = tpu.memref_slice %arg10[%add3A_46, %dma_wait3A_139] : memref<10240x128xf32, #tpu.memory_space<vmem_shared>> -> memref<32x128xf32, #tpu.memory_space<vmem_shared>>
      tpu.wait_dma2 semaphore(%run_scoped3A : memref<!tpu.dma_semaphore, #tpu.memory_space<semaphore_mem>>) src(%arg9 : memref<32x128xf32, #tpu.memory_space<vmem>>) dst(%dma_wait3A_140 : memref<32x128xf32, #tpu.memory_space<vmem_shared>>)
      tpu.yield
    }) : () -> ()
    %mul3A_47 = arith.constant 640 : i32
    %mul3A_48 = arith.muli %arg1, %mul3A_47 : i32
    %add3A_49 = arith.constant 128 : i32
    %add3A_50 = arith.addi %mul3A_48, %add3A_49 : i32
    "tpu.region"() ({
      %run_scoped3A = tpu.sem_alloc : memref<!tpu.dma_semaphore, #tpu.memory_space<semaphore_mem>>
      %dma_start3A_133 = arith.constant 0 : i32
      %dma_start3A_134 = tpu.memref_slice %arg10[%add3A_50, %dma_start3A_133] : memref<10240x128xf32, #tpu.memory_space<vmem_shared>> -> memref<32x128xf32, #tpu.memory_space<vmem_shared>>
      %dma_start3A_135 = arith.constant 0 : i32
      %dma_start3A_136 = tpu.memref_slice %arg10[%add3A_50, %dma_start3A_135] : memref<10240x128xf32, #tpu.memory_space<vmem_shared>> -> memref<32x128xf32, #tpu.memory_space<vmem_shared>>
      tpu.enqueue_dma source(%arg9 : memref<32x128xf32, #tpu.memory_space<vmem>>) target(%dma_start3A_136 : memref<32x128xf32, #tpu.memory_space<vmem_shared>>) target_semaphore(%run_scoped3A : memref<!tpu.dma_semaphore, #tpu.memory_space<semaphore_mem>>)
      %dma_wait3A_137 = arith.constant 0 : i32
      %dma_wait3A_138 = tpu.memref_slice %arg10[%add3A_50, %dma_wait3A_137] : memref<10240x128xf32, #tpu.memory_space<vmem_shared>> -> memref<32x128xf32, #tpu.memory_space<vmem_shared>>
      %dma_wait3A_139 = arith.constant 0 : i32
      %dma_wait3A_140 = tpu.memref_slice %arg10[%add3A_50, %dma_wait3A_139] : memref<10240x128xf32, #tpu.memory_space<vmem_shared>> -> memref<32x128xf32, #tpu.memory_space<vmem_shared>>
      tpu.wait_dma2 semaphore(%run_scoped3A : memref<!tpu.dma_semaphore, #tpu.memory_space<semaphore_mem>>) src(%arg9 : memref<32x128xf32, #tpu.memory_space<vmem>>) dst(%dma_wait3A_140 : memref<32x128xf32, #tpu.memory_space<vmem_shared>>)
      tpu.yield
    }) : () -> ()
    %mul3A_51 = arith.constant 640 : i32
    %mul3A_52 = arith.muli %arg1, %mul3A_51 : i32
    %add3A_53 = arith.constant 160 : i32
    %add3A_54 = arith.addi %mul3A_52, %add3A_53 : i32
    "tpu.region"() ({
      %run_scoped3A = tpu.sem_alloc : memref<!tpu.dma_semaphore, #tpu.memory_space<semaphore_mem>>
      %dma_start3A_133 = arith.constant 0 : i32
      %dma_start3A_134 = tpu.memref_slice %arg10[%add3A_54, %dma_start3A_133] : memref<10240x128xf32, #tpu.memory_space<vmem_shared>> -> memref<32x128xf32, #tpu.memory_space<vmem_shared>>
      %dma_start3A_135 = arith.constant 0 : i32
      %dma_start3A_136 = tpu.memref_slice %arg10[%add3A_54, %dma_start3A_135] : memref<10240x128xf32, #tpu.memory_space<vmem_shared>> -> memref<32x128xf32, #tpu.memory_space<vmem_shared>>
      tpu.enqueue_dma source(%arg9 : memref<32x128xf32, #tpu.memory_space<vmem>>) target(%dma_start3A_136 : memref<32x128xf32, #tpu.memory_space<vmem_shared>>) target_semaphore(%run_scoped3A : memref<!tpu.dma_semaphore, #tpu.memory_space<semaphore_mem>>)
      %dma_wait3A_137 = arith.constant 0 : i32
      %dma_wait3A_138 = tpu.memref_slice %arg10[%add3A_54, %dma_wait3A_137] : memref<10240x128xf32, #tpu.memory_space<vmem_shared>> -> memref<32x128xf32, #tpu.memory_space<vmem_shared>>
      %dma_wait3A_139 = arith.constant 0 : i32
      %dma_wait3A_140 = tpu.memref_slice %arg10[%add3A_54, %dma_wait3A_139] : memref<10240x128xf32, #tpu.memory_space<vmem_shared>> -> memref<32x128xf32, #tpu.memory_space<vmem_shared>>
      tpu.wait_dma2 semaphore(%run_scoped3A : memref<!tpu.dma_semaphore, #tpu.memory_space<semaphore_mem>>) src(%arg9 : memref<32x128xf32, #tpu.memory_space<vmem>>) dst(%dma_wait3A_140 : memref<32x128xf32, #tpu.memory_space<vmem_shared>>)
      tpu.yield
    }) : () -> ()
    %mul3A_55 = arith.constant 640 : i32
    %mul3A_56 = arith.muli %arg1, %mul3A_55 : i32
    %add3A_57 = arith.constant 192 : i32
    %add3A_58 = arith.addi %mul3A_56, %add3A_57 : i32
    "tpu.region"() ({
      %run_scoped3A = tpu.sem_alloc : memref<!tpu.dma_semaphore, #tpu.memory_space<semaphore_mem>>
      %dma_start3A_133 = arith.constant 0 : i32
      %dma_start3A_134 = tpu.memref_slice %arg10[%add3A_58, %dma_start3A_133] : memref<10240x128xf32, #tpu.memory_space<vmem_shared>> -> memref<32x128xf32, #tpu.memory_space<vmem_shared>>
      %dma_start3A_135 = arith.constant 0 : i32
      %dma_start3A_136 = tpu.memref_slice %arg10[%add3A_58, %dma_start3A_135] : memref<10240x128xf32, #tpu.memory_space<vmem_shared>> -> memref<32x128xf32, #tpu.memory_space<vmem_shared>>
      tpu.enqueue_dma source(%arg9 : memref<32x128xf32, #tpu.memory_space<vmem>>) target(%dma_start3A_136 : memref<32x128xf32, #tpu.memory_space<vmem_shared>>) target_semaphore(%run_scoped3A : memref<!tpu.dma_semaphore, #tpu.memory_space<semaphore_mem>>)
      %dma_wait3A_137 = arith.constant 0 : i32
      %dma_wait3A_138 = tpu.memref_slice %arg10[%add3A_58, %dma_wait3A_137] : memref<10240x128xf32, #tpu.memory_space<vmem_shared>> -> memref<32x128xf32, #tpu.memory_space<vmem_shared>>
      %dma_wait3A_139 = arith.constant 0 : i32
      %dma_wait3A_140 = tpu.memref_slice %arg10[%add3A_58, %dma_wait3A_139] : memref<10240x128xf32, #tpu.memory_space<vmem_shared>> -> memref<32x128xf32, #tpu.memory_space<vmem_shared>>
      tpu.wait_dma2 semaphore(%run_scoped3A : memref<!tpu.dma_semaphore, #tpu.memory_space<semaphore_mem>>) src(%arg9 : memref<32x128xf32, #tpu.memory_space<vmem>>) dst(%dma_wait3A_140 : memref<32x128xf32, #tpu.memory_space<vmem_shared>>)
      tpu.yield
    }) : () -> ()
    %mul3A_59 = arith.constant 640 : i32
    %mul3A_60 = arith.muli %arg1, %mul3A_59 : i32
    %add3A_61 = arith.constant 224 : i32
    %add3A_62 = arith.addi %mul3A_60, %add3A_61 : i32
    "tpu.region"() ({
      %run_scoped3A = tpu.sem_alloc : memref<!tpu.dma_semaphore, #tpu.memory_space<semaphore_mem>>
      %dma_start3A_133 = arith.constant 0 : i32
      %dma_start3A_134 = tpu.memref_slice %arg10[%add3A_62, %dma_start3A_133] : memref<10240x128xf32, #tpu.memory_space<vmem_shared>> -> memref<32x128xf32, #tpu.memory_space<vmem_shared>>
      %dma_start3A_135 = arith.constant 0 : i32
      %dma_start3A_136 = tpu.memref_slice %arg10[%add3A_62, %dma_start3A_135] : memref<10240x128xf32, #tpu.memory_space<vmem_shared>> -> memref<32x128xf32, #tpu.memory_space<vmem_shared>>
      tpu.enqueue_dma source(%arg9 : memref<32x128xf32, #tpu.memory_space<vmem>>) target(%dma_start3A_136 : memref<32x128xf32, #tpu.memory_space<vmem_shared>>) target_semaphore(%run_scoped3A : memref<!tpu.dma_semaphore, #tpu.memory_space<semaphore_mem>>)
      %dma_wait3A_137 = arith.constant 0 : i32
      %dma_wait3A_138 = tpu.memref_slice %arg10[%add3A_62, %dma_wait3A_137] : memref<10240x128xf32, #tpu.memory_space<vmem_shared>> -> memref<32x128xf32, #tpu.memory_space<vmem_shared>>
      %dma_wait3A_139 = arith.constant 0 : i32
      %dma_wait3A_140 = tpu.memref_slice %arg10[%add3A_62, %dma_wait3A_139] : memref<10240x128xf32, #tpu.memory_space<vmem_shared>> -> memref<32x128xf32, #tpu.memory_space<vmem_shared>>
      tpu.wait_dma2 semaphore(%run_scoped3A : memref<!tpu.dma_semaphore, #tpu.memory_space<semaphore_mem>>) src(%arg9 : memref<32x128xf32, #tpu.memory_space<vmem>>) dst(%dma_wait3A_140 : memref<32x128xf32, #tpu.memory_space<vmem_shared>>)
      tpu.yield
    }) : () -> ()
    %mul3A_63 = arith.constant 640 : i32
    %mul3A_64 = arith.muli %arg1, %mul3A_63 : i32
    %add3A_65 = arith.constant 256 : i32
    %add3A_66 = arith.addi %mul3A_64, %add3A_65 : i32
    "tpu.region"() ({
      %run_scoped3A = tpu.sem_alloc : memref<!tpu.dma_semaphore, #tpu.memory_space<semaphore_mem>>
      %dma_start3A_133 = arith.constant 0 : i32
      %dma_start3A_134 = tpu.memref_slice %arg10[%add3A_66, %dma_start3A_133] : memref<10240x128xf32, #tpu.memory_space<vmem_shared>> -> memref<32x128xf32, #tpu.memory_space<vmem_shared>>
      %dma_start3A_135 = arith.constant 0 : i32
      %dma_start3A_136 = tpu.memref_slice %arg10[%add3A_66, %dma_start3A_135] : memref<10240x128xf32, #tpu.memory_space<vmem_shared>> -> memref<32x128xf32, #tpu.memory_space<vmem_shared>>
      tpu.enqueue_dma source(%arg9 : memref<32x128xf32, #tpu.memory_space<vmem>>) target(%dma_start3A_136 : memref<32x128xf32, #tpu.memory_space<vmem_shared>>) target_semaphore(%run_scoped3A : memref<!tpu.dma_semaphore, #tpu.memory_space<semaphore_mem>>)
      %dma_wait3A_137 = arith.constant 0 : i32
      %dma_wait3A_138 = tpu.memref_slice %arg10[%add3A_66, %dma_wait3A_137] : memref<10240x128xf32, #tpu.memory_space<vmem_shared>> -> memref<32x128xf32, #tpu.memory_space<vmem_shared>>
      %dma_wait3A_139 = arith.constant 0 : i32
      %dma_wait3A_140 = tpu.memref_slice %arg10[%add3A_66, %dma_wait3A_139] : memref<10240x128xf32, #tpu.memory_space<vmem_shared>> -> memref<32x128xf32, #tpu.memory_space<vmem_shared>>
      tpu.wait_dma2 semaphore(%run_scoped3A : memref<!tpu.dma_semaphore, #tpu.memory_space<semaphore_mem>>) src(%arg9 : memref<32x128xf32, #tpu.memory_space<vmem>>) dst(%dma_wait3A_140 : memref<32x128xf32, #tpu.memory_space<vmem_shared>>)
      tpu.yield
    }) : () -> ()
    %mul3A_67 = arith.constant 640 : i32
    %mul3A_68 = arith.muli %arg1, %mul3A_67 : i32
    %add3A_69 = arith.constant 288 : i32
    %add3A_70 = arith.addi %mul3A_68, %add3A_69 : i32
    "tpu.region"() ({
      %run_scoped3A = tpu.sem_alloc : memref<!tpu.dma_semaphore, #tpu.memory_space<semaphore_mem>>
      %dma_start3A_133 = arith.constant 0 : i32
      %dma_start3A_134 = tpu.memref_slice %arg10[%add3A_70, %dma_start3A_133] : memref<10240x128xf32, #tpu.memory_space<vmem_shared>> -> memref<32x128xf32, #tpu.memory_space<vmem_shared>>
      %dma_start3A_135 = arith.constant 0 : i32
      %dma_start3A_136 = tpu.memref_slice %arg10[%add3A_70, %dma_start3A_135] : memref<10240x128xf32, #tpu.memory_space<vmem_shared>> -> memref<32x128xf32, #tpu.memory_space<vmem_shared>>
      tpu.enqueue_dma source(%arg9 : memref<32x128xf32, #tpu.memory_space<vmem>>) target(%dma_start3A_136 : memref<32x128xf32, #tpu.memory_space<vmem_shared>>) target_semaphore(%run_scoped3A : memref<!tpu.dma_semaphore, #tpu.memory_space<semaphore_mem>>)
      %dma_wait3A_137 = arith.constant 0 : i32
      %dma_wait3A_138 = tpu.memref_slice %arg10[%add3A_70, %dma_wait3A_137] : memref<10240x128xf32, #tpu.memory_space<vmem_shared>> -> memref<32x128xf32, #tpu.memory_space<vmem_shared>>
      %dma_wait3A_139 = arith.constant 0 : i32
      %dma_wait3A_140 = tpu.memref_slice %arg10[%add3A_70, %dma_wait3A_139] : memref<10240x128xf32, #tpu.memory_space<vmem_shared>> -> memref<32x128xf32, #tpu.memory_space<vmem_shared>>
      tpu.wait_dma2 semaphore(%run_scoped3A : memref<!tpu.dma_semaphore, #tpu.memory_space<semaphore_mem>>) src(%arg9 : memref<32x128xf32, #tpu.memory_space<vmem>>) dst(%dma_wait3A_140 : memref<32x128xf32, #tpu.memory_space<vmem_shared>>)
      tpu.yield
    }) : () -> ()
    %mul3A_71 = arith.constant 640 : i32
    %mul3A_72 = arith.muli %arg1, %mul3A_71 : i32
    %add3A_73 = arith.constant 320 : i32
    %add3A_74 = arith.addi %mul3A_72, %add3A_73 : i32
    "tpu.region"() ({
      %run_scoped3A = tpu.sem_alloc : memref<!tpu.dma_semaphore, #tpu.memory_space<semaphore_mem>>
      %dma_start3A_133 = arith.constant 0 : i32
      %dma_start3A_134 = tpu.memref_slice %arg10[%add3A_74, %dma_start3A_133] : memref<10240x128xf32, #tpu.memory_space<vmem_shared>> -> memref<32x128xf32, #tpu.memory_space<vmem_shared>>
      %dma_start3A_135 = arith.constant 0 : i32
      %dma_start3A_136 = tpu.memref_slice %arg10[%add3A_74, %dma_start3A_135] : memref<10240x128xf32, #tpu.memory_space<vmem_shared>> -> memref<32x128xf32, #tpu.memory_space<vmem_shared>>
      tpu.enqueue_dma source(%arg9 : memref<32x128xf32, #tpu.memory_space<vmem>>) target(%dma_start3A_136 : memref<32x128xf32, #tpu.memory_space<vmem_shared>>) target_semaphore(%run_scoped3A : memref<!tpu.dma_semaphore, #tpu.memory_space<semaphore_mem>>)
      %dma_wait3A_137 = arith.constant 0 : i32
      %dma_wait3A_138 = tpu.memref_slice %arg10[%add3A_74, %dma_wait3A_137] : memref<10240x128xf32, #tpu.memory_space<vmem_shared>> -> memref<32x128xf32, #tpu.memory_space<vmem_shared>>
      %dma_wait3A_139 = arith.constant 0 : i32
      %dma_wait3A_140 = tpu.memref_slice %arg10[%add3A_74, %dma_wait3A_139] : memref<10240x128xf32, #tpu.memory_space<vmem_shared>> -> memref<32x128xf32, #tpu.memory_space<vmem_shared>>
      tpu.wait_dma2 semaphore(%run_scoped3A : memref<!tpu.dma_semaphore, #tpu.memory_space<semaphore_mem>>) src(%arg9 : memref<32x128xf32, #tpu.memory_space<vmem>>) dst(%dma_wait3A_140 : memref<32x128xf32, #tpu.memory_space<vmem_shared>>)
      tpu.yield
    }) : () -> ()
    %mul3A_75 = arith.constant 640 : i32
    %mul3A_76 = arith.muli %arg1, %mul3A_75 : i32
    %add3A_77 = arith.constant 352 : i32
    %add3A_78 = arith.addi %mul3A_76, %add3A_77 : i32
    "tpu.region"() ({
      %run_scoped3A = tpu.sem_alloc : memref<!tpu.dma_semaphore, #tpu.memory_space<semaphore_mem>>
      %dma_start3A_133 = arith.constant 0 : i32
      %dma_start3A_134 = tpu.memref_slice %arg10[%add3A_78, %dma_start3A_133] : memref<10240x128xf32, #tpu.memory_space<vmem_shared>> -> memref<32x128xf32, #tpu.memory_space<vmem_shared>>
      %dma_start3A_135 = arith.constant 0 : i32
      %dma_start3A_136 = tpu.memref_slice %arg10[%add3A_78, %dma_start3A_135] : memref<10240x128xf32, #tpu.memory_space<vmem_shared>> -> memref<32x128xf32, #tpu.memory_space<vmem_shared>>
      tpu.enqueue_dma source(%arg9 : memref<32x128xf32, #tpu.memory_space<vmem>>) target(%dma_start3A_136 : memref<32x128xf32, #tpu.memory_space<vmem_shared>>) target_semaphore(%run_scoped3A : memref<!tpu.dma_semaphore, #tpu.memory_space<semaphore_mem>>)
      %dma_wait3A_137 = arith.constant 0 : i32
      %dma_wait3A_138 = tpu.memref_slice %arg10[%add3A_78, %dma_wait3A_137] : memref<10240x128xf32, #tpu.memory_space<vmem_shared>> -> memref<32x128xf32, #tpu.memory_space<vmem_shared>>
      %dma_wait3A_139 = arith.constant 0 : i32
      %dma_wait3A_140 = tpu.memref_slice %arg10[%add3A_78, %dma_wait3A_139] : memref<10240x128xf32, #tpu.memory_space<vmem_shared>> -> memref<32x128xf32, #tpu.memory_space<vmem_shared>>
      tpu.wait_dma2 semaphore(%run_scoped3A : memref<!tpu.dma_semaphore, #tpu.memory_space<semaphore_mem>>) src(%arg9 : memref<32x128xf32, #tpu.memory_space<vmem>>) dst(%dma_wait3A_140 : memref<32x128xf32, #tpu.memory_space<vmem_shared>>)
      tpu.yield
    }) : () -> ()
    %mul3A_79 = arith.constant 640 : i32
    %mul3A_80 = arith.muli %arg1, %mul3A_79 : i32
    %add3A_81 = arith.constant 384 : i32
    %add3A_82 = arith.addi %mul3A_80, %add3A_81 : i32
    "tpu.region"() ({
      %run_scoped3A = tpu.sem_alloc : memref<!tpu.dma_semaphore, #tpu.memory_space<semaphore_mem>>
      %dma_start3A_133 = arith.constant 0 : i32
      %dma_start3A_134 = tpu.memref_slice %arg10[%add3A_82, %dma_start3A_133] : memref<10240x128xf32, #tpu.memory_space<vmem_shared>> -> memref<32x128xf32, #tpu.memory_space<vmem_shared>>
      %dma_start3A_135 = arith.constant 0 : i32
      %dma_start3A_136 = tpu.memref_slice %arg10[%add3A_82, %dma_start3A_135] : memref<10240x128xf32, #tpu.memory_space<vmem_shared>> -> memref<32x128xf32, #tpu.memory_space<vmem_shared>>
      tpu.enqueue_dma source(%arg9 : memref<32x128xf32, #tpu.memory_space<vmem>>) target(%dma_start3A_136 : memref<32x128xf32, #tpu.memory_space<vmem_shared>>) target_semaphore(%run_scoped3A : memref<!tpu.dma_semaphore, #tpu.memory_space<semaphore_mem>>)
      %dma_wait3A_137 = arith.constant 0 : i32
      %dma_wait3A_138 = tpu.memref_slice %arg10[%add3A_82, %dma_wait3A_137] : memref<10240x128xf32, #tpu.memory_space<vmem_shared>> -> memref<32x128xf32, #tpu.memory_space<vmem_shared>>
      %dma_wait3A_139 = arith.constant 0 : i32
      %dma_wait3A_140 = tpu.memref_slice %arg10[%add3A_82, %dma_wait3A_139] : memref<10240x128xf32, #tpu.memory_space<vmem_shared>> -> memref<32x128xf32, #tpu.memory_space<vmem_shared>>
      tpu.wait_dma2 semaphore(%run_scoped3A : memref<!tpu.dma_semaphore, #tpu.memory_space<semaphore_mem>>) src(%arg9 : memref<32x128xf32, #tpu.memory_space<vmem>>) dst(%dma_wait3A_140 : memref<32x128xf32, #tpu.memory_space<vmem_shared>>)
      tpu.yield
    }) : () -> ()
    %mul3A_83 = arith.constant 640 : i32
    %mul3A_84 = arith.muli %arg1, %mul3A_83 : i32
    %add3A_85 = arith.constant 416 : i32
    %add3A_86 = arith.addi %mul3A_84, %add3A_85 : i32
    "tpu.region"() ({
      %run_scoped3A = tpu.sem_alloc : memref<!tpu.dma_semaphore, #tpu.memory_space<semaphore_mem>>
      %dma_start3A_133 = arith.constant 0 : i32
      %dma_start3A_134 = tpu.memref_slice %arg10[%add3A_86, %dma_start3A_133] : memref<10240x128xf32, #tpu.memory_space<vmem_shared>> -> memref<32x128xf32, #tpu.memory_space<vmem_shared>>
      %dma_start3A_135 = arith.constant 0 : i32
      %dma_start3A_136 = tpu.memref_slice %arg10[%add3A_86, %dma_start3A_135] : memref<10240x128xf32, #tpu.memory_space<vmem_shared>> -> memref<32x128xf32, #tpu.memory_space<vmem_shared>>
      tpu.enqueue_dma source(%arg9 : memref<32x128xf32, #tpu.memory_space<vmem>>) target(%dma_start3A_136 : memref<32x128xf32, #tpu.memory_space<vmem_shared>>) target_semaphore(%run_scoped3A : memref<!tpu.dma_semaphore, #tpu.memory_space<semaphore_mem>>)
      %dma_wait3A_137 = arith.constant 0 : i32
      %dma_wait3A_138 = tpu.memref_slice %arg10[%add3A_86, %dma_wait3A_137] : memref<10240x128xf32, #tpu.memory_space<vmem_shared>> -> memref<32x128xf32, #tpu.memory_space<vmem_shared>>
      %dma_wait3A_139 = arith.constant 0 : i32
      %dma_wait3A_140 = tpu.memref_slice %arg10[%add3A_86, %dma_wait3A_139] : memref<10240x128xf32, #tpu.memory_space<vmem_shared>> -> memref<32x128xf32, #tpu.memory_space<vmem_shared>>
      tpu.wait_dma2 semaphore(%run_scoped3A : memref<!tpu.dma_semaphore, #tpu.memory_space<semaphore_mem>>) src(%arg9 : memref<32x128xf32, #tpu.memory_space<vmem>>) dst(%dma_wait3A_140 : memref<32x128xf32, #tpu.memory_space<vmem_shared>>)
      tpu.yield
    }) : () -> ()
    %mul3A_87 = arith.constant 640 : i32
    %mul3A_88 = arith.muli %arg1, %mul3A_87 : i32
    %add3A_89 = arith.constant 448 : i32
    %add3A_90 = arith.addi %mul3A_88, %add3A_89 : i32
    "tpu.region"() ({
      %run_scoped3A = tpu.sem_alloc : memref<!tpu.dma_semaphore, #tpu.memory_space<semaphore_mem>>
      %dma_start3A_133 = arith.constant 0 : i32
      %dma_start3A_134 = tpu.memref_slice %arg10[%add3A_90, %dma_start3A_133] : memref<10240x128xf32, #tpu.memory_space<vmem_shared>> -> memref<32x128xf32, #tpu.memory_space<vmem_shared>>
      %dma_start3A_135 = arith.constant 0 : i32
      %dma_start3A_136 = tpu.memref_slice %arg10[%add3A_90, %dma_start3A_135] : memref<10240x128xf32, #tpu.memory_space<vmem_shared>> -> memref<32x128xf32, #tpu.memory_space<vmem_shared>>
      tpu.enqueue_dma source(%arg9 : memref<32x128xf32, #tpu.memory_space<vmem>>) target(%dma_start3A_136 : memref<32x128xf32, #tpu.memory_space<vmem_shared>>) target_semaphore(%run_scoped3A : memref<!tpu.dma_semaphore, #tpu.memory_space<semaphore_mem>>)
      %dma_wait3A_137 = arith.constant 0 : i32
      %dma_wait3A_138 = tpu.memref_slice %arg10[%add3A_90, %dma_wait3A_137] : memref<10240x128xf32, #tpu.memory_space<vmem_shared>> -> memref<32x128xf32, #tpu.memory_space<vmem_shared>>
      %dma_wait3A_139 = arith.constant 0 : i32
      %dma_wait3A_140 = tpu.memref_slice %arg10[%add3A_90, %dma_wait3A_139] : memref<10240x128xf32, #tpu.memory_space<vmem_shared>> -> memref<32x128xf32, #tpu.memory_space<vmem_shared>>
      tpu.wait_dma2 semaphore(%run_scoped3A : memref<!tpu.dma_semaphore, #tpu.memory_space<semaphore_mem>>) src(%arg9 : memref<32x128xf32, #tpu.memory_space<vmem>>) dst(%dma_wait3A_140 : memref<32x128xf32, #tpu.memory_space<vmem_shared>>)
      tpu.yield
    }) : () -> ()
    %mul3A_91 = arith.constant 640 : i32
    %mul3A_92 = arith.muli %arg1, %mul3A_91 : i32
    %add3A_93 = arith.constant 480 : i32
    %add3A_94 = arith.addi %mul3A_92, %add3A_93 : i32
    "tpu.region"() ({
      %run_scoped3A = tpu.sem_alloc : memref<!tpu.dma_semaphore, #tpu.memory_space<semaphore_mem>>
      %dma_start3A_133 = arith.constant 0 : i32
      %dma_start3A_134 = tpu.memref_slice %arg10[%add3A_94, %dma_start3A_133] : memref<10240x128xf32, #tpu.memory_space<vmem_shared>> -> memref<32x128xf32, #tpu.memory_space<vmem_shared>>
      %dma_start3A_135 = arith.constant 0 : i32
      %dma_start3A_136 = tpu.memref_slice %arg10[%add3A_94, %dma_start3A_135] : memref<10240x128xf32, #tpu.memory_space<vmem_shared>> -> memref<32x128xf32, #tpu.memory_space<vmem_shared>>
      tpu.enqueue_dma source(%arg9 : memref<32x128xf32, #tpu.memory_space<vmem>>) target(%dma_start3A_136 : memref<32x128xf32, #tpu.memory_space<vmem_shared>>) target_semaphore(%run_scoped3A : memref<!tpu.dma_semaphore, #tpu.memory_space<semaphore_mem>>)
      %dma_wait3A_137 = arith.constant 0 : i32
      %dma_wait3A_138 = tpu.memref_slice %arg10[%add3A_94, %dma_wait3A_137] : memref<10240x128xf32, #tpu.memory_space<vmem_shared>> -> memref<32x128xf32, #tpu.memory_space<vmem_shared>>
      %dma_wait3A_139 = arith.constant 0 : i32
      %dma_wait3A_140 = tpu.memref_slice %arg10[%add3A_94, %dma_wait3A_139] : memref<10240x128xf32, #tpu.memory_space<vmem_shared>> -> memref<32x128xf32, #tpu.memory_space<vmem_shared>>
      tpu.wait_dma2 semaphore(%run_scoped3A : memref<!tpu.dma_semaphore, #tpu.memory_space<semaphore_mem>>) src(%arg9 : memref<32x128xf32, #tpu.memory_space<vmem>>) dst(%dma_wait3A_140 : memref<32x128xf32, #tpu.memory_space<vmem_shared>>)
      tpu.yield
    }) : () -> ()
    %mul3A_95 = arith.constant 640 : i32
    %mul3A_96 = arith.muli %arg1, %mul3A_95 : i32
    %add3A_97 = arith.constant 512 : i32
    %add3A_98 = arith.addi %mul3A_96, %add3A_97 : i32
    "tpu.region"() ({
      %run_scoped3A = tpu.sem_alloc : memref<!tpu.dma_semaphore, #tpu.memory_space<semaphore_mem>>
      %dma_start3A_133 = arith.constant 0 : i32
      %dma_start3A_134 = tpu.memref_slice %arg10[%add3A_98, %dma_start3A_133] : memref<10240x128xf32, #tpu.memory_space<vmem_shared>> -> memref<32x128xf32, #tpu.memory_space<vmem_shared>>
      %dma_start3A_135 = arith.constant 0 : i32
      %dma_start3A_136 = tpu.memref_slice %arg10[%add3A_98, %dma_start3A_135] : memref<10240x128xf32, #tpu.memory_space<vmem_shared>> -> memref<32x128xf32, #tpu.memory_space<vmem_shared>>
      tpu.enqueue_dma source(%arg9 : memref<32x128xf32, #tpu.memory_space<vmem>>) target(%dma_start3A_136 : memref<32x128xf32, #tpu.memory_space<vmem_shared>>) target_semaphore(%run_scoped3A : memref<!tpu.dma_semaphore, #tpu.memory_space<semaphore_mem>>)
      %dma_wait3A_137 = arith.constant 0 : i32
      %dma_wait3A_138 = tpu.memref_slice %arg10[%add3A_98, %dma_wait3A_137] : memref<10240x128xf32, #tpu.memory_space<vmem_shared>> -> memref<32x128xf32, #tpu.memory_space<vmem_shared>>
      %dma_wait3A_139 = arith.constant 0 : i32
      %dma_wait3A_140 = tpu.memref_slice %arg10[%add3A_98, %dma_wait3A_139] : memref<10240x128xf32, #tpu.memory_space<vmem_shared>> -> memref<32x128xf32, #tpu.memory_space<vmem_shared>>
      tpu.wait_dma2 semaphore(%run_scoped3A : memref<!tpu.dma_semaphore, #tpu.memory_space<semaphore_mem>>) src(%arg9 : memref<32x128xf32, #tpu.memory_space<vmem>>) dst(%dma_wait3A_140 : memref<32x128xf32, #tpu.memory_space<vmem_shared>>)
      tpu.yield
    }) : () -> ()
    %mul3A_99 = arith.constant 640 : i32
    %mul3A_100 = arith.muli %arg1, %mul3A_99 : i32
    %add3A_101 = arith.constant 544 : i32
    %add3A_102 = arith.addi %mul3A_100, %add3A_101 : i32
    "tpu.region"() ({
      %run_scoped3A = tpu.sem_alloc : memref<!tpu.dma_semaphore, #tpu.memory_space<semaphore_mem>>
      %dma_start3A_133 = arith.constant 0 : i32
      %dma_start3A_134 = tpu.memref_slice %arg10[%add3A_102, %dma_start3A_133] : memref<10240x128xf32, #tpu.memory_space<vmem_shared>> -> memref<32x128xf32, #tpu.memory_space<vmem_shared>>
      %dma_start3A_135 = arith.constant 0 : i32
      %dma_start3A_136 = tpu.memref_slice %arg10[%add3A_102, %dma_start3A_135] : memref<10240x128xf32, #tpu.memory_space<vmem_shared>> -> memref<32x128xf32, #tpu.memory_space<vmem_shared>>
      tpu.enqueue_dma source(%arg9 : memref<32x128xf32, #tpu.memory_space<vmem>>) target(%dma_start3A_136 : memref<32x128xf32, #tpu.memory_space<vmem_shared>>) target_semaphore(%run_scoped3A : memref<!tpu.dma_semaphore, #tpu.memory_space<semaphore_mem>>)
      %dma_wait3A_137 = arith.constant 0 : i32
      %dma_wait3A_138 = tpu.memref_slice %arg10[%add3A_102, %dma_wait3A_137] : memref<10240x128xf32, #tpu.memory_space<vmem_shared>> -> memref<32x128xf32, #tpu.memory_space<vmem_shared>>
      %dma_wait3A_139 = arith.constant 0 : i32
      %dma_wait3A_140 = tpu.memref_slice %arg10[%add3A_102, %dma_wait3A_139] : memref<10240x128xf32, #tpu.memory_space<vmem_shared>> -> memref<32x128xf32, #tpu.memory_space<vmem_shared>>
      tpu.wait_dma2 semaphore(%run_scoped3A : memref<!tpu.dma_semaphore, #tpu.memory_space<semaphore_mem>>) src(%arg9 : memref<32x128xf32, #tpu.memory_space<vmem>>) dst(%dma_wait3A_140 : memref<32x128xf32, #tpu.memory_space<vmem_shared>>)
      tpu.yield
    }) : () -> ()
    %mul3A_103 = arith.constant 640 : i32
    %mul3A_104 = arith.muli %arg1, %mul3A_103 : i32
    %add3A_105 = arith.constant 576 : i32
    %add3A_106 = arith.addi %mul3A_104, %add3A_105 : i32
    "tpu.region"() ({
      %run_scoped3A = tpu.sem_alloc : memref<!tpu.dma_semaphore, #tpu.memory_space<semaphore_mem>>
      %dma_start3A_133 = arith.constant 0 : i32
      %dma_start3A_134 = tpu.memref_slice %arg10[%add3A_106, %dma_start3A_133] : memref<10240x128xf32, #tpu.memory_space<vmem_shared>> -> memref<32x128xf32, #tpu.memory_space<vmem_shared>>
      %dma_start3A_135 = arith.constant 0 : i32
      %dma_start3A_136 = tpu.memref_slice %arg10[%add3A_106, %dma_start3A_135] : memref<10240x128xf32, #tpu.memory_space<vmem_shared>> -> memref<32x128xf32, #tpu.memory_space<vmem_shared>>
      tpu.enqueue_dma source(%arg9 : memref<32x128xf32, #tpu.memory_space<vmem>>) target(%dma_start3A_136 : memref<32x128xf32, #tpu.memory_space<vmem_shared>>) target_semaphore(%run_scoped3A : memref<!tpu.dma_semaphore, #tpu.memory_space<semaphore_mem>>)
      %dma_wait3A_137 = arith.constant 0 : i32
      %dma_wait3A_138 = tpu.memref_slice %arg10[%add3A_106, %dma_wait3A_137] : memref<10240x128xf32, #tpu.memory_space<vmem_shared>> -> memref<32x128xf32, #tpu.memory_space<vmem_shared>>
      %dma_wait3A_139 = arith.constant 0 : i32
      %dma_wait3A_140 = tpu.memref_slice %arg10[%add3A_106, %dma_wait3A_139] : memref<10240x128xf32, #tpu.memory_space<vmem_shared>> -> memref<32x128xf32, #tpu.memory_space<vmem_shared>>
      tpu.wait_dma2 semaphore(%run_scoped3A : memref<!tpu.dma_semaphore, #tpu.memory_space<semaphore_mem>>) src(%arg9 : memref<32x128xf32, #tpu.memory_space<vmem>>) dst(%dma_wait3A_140 : memref<32x128xf32, #tpu.memory_space<vmem_shared>>)
      tpu.yield
    }) : () -> ()
    %mul3A_107 = arith.constant 640 : i32
    %mul3A_108 = arith.muli %arg1, %mul3A_107 : i32
    %add3A_109 = arith.constant 608 : i32
    %add3A_110 = arith.addi %mul3A_108, %add3A_109 : i32
    "tpu.region"() ({
      %run_scoped3A = tpu.sem_alloc : memref<!tpu.dma_semaphore, #tpu.memory_space<semaphore_mem>>
      %dma_start3A_133 = arith.constant 0 : i32
      %dma_start3A_134 = tpu.memref_slice %arg10[%add3A_110, %dma_start3A_133] : memref<10240x128xf32, #tpu.memory_space<vmem_shared>> -> memref<32x128xf32, #tpu.memory_space<vmem_shared>>
      %dma_start3A_135 = arith.constant 0 : i32
      %dma_start3A_136 = tpu.memref_slice %arg10[%add3A_110, %dma_start3A_135] : memref<10240x128xf32, #tpu.memory_space<vmem_shared>> -> memref<32x128xf32, #tpu.memory_space<vmem_shared>>
      tpu.enqueue_dma source(%arg9 : memref<32x128xf32, #tpu.memory_space<vmem>>) target(%dma_start3A_136 : memref<32x128xf32, #tpu.memory_space<vmem_shared>>) target_semaphore(%run_scoped3A : memref<!tpu.dma_semaphore, #tpu.memory_space<semaphore_mem>>)
      %dma_wait3A_137 = arith.constant 0 : i32
      %dma_wait3A_138 = tpu.memref_slice %arg10[%add3A_110, %dma_wait3A_137] : memref<10240x128xf32, #tpu.memory_space<vmem_shared>> -> memref<32x128xf32, #tpu.memory_space<vmem_shared>>
      %dma_wait3A_139 = arith.constant 0 : i32
      %dma_wait3A_140 = tpu.memref_slice %arg10[%add3A_110, %dma_wait3A_139] : memref<10240x128xf32, #tpu.memory_space<vmem_shared>> -> memref<32x128xf32, #tpu.memory_space<vmem_shared>>
      tpu.wait_dma2 semaphore(%run_scoped3A : memref<!tpu.dma_semaphore, #tpu.memory_space<semaphore_mem>>) src(%arg9 : memref<32x128xf32, #tpu.memory_space<vmem>>) dst(%dma_wait3A_140 : memref<32x128xf32, #tpu.memory_space<vmem_shared>>)
      tpu.yield
    }) : () -> ()
    %barrier3A = arith.constant 0 : index
    tpu.barrier barrier_id(%barrier3A)
    %scan3A_111 = arith.constant 0 : i32
    %scan3A_112 = arith.constant 0 : i32
    %scan3A_113 = arith.constant 20 : i32
    %scan3A_114 = arith.addi %scan3A_112, %scan3A_113 : i32
    %scan3A_115 = arith.constant 1 : i32
    scf.for %scan3A_133 = %scan3A_112 to %scan3A_114 step %scan3A_115  : i32 {
      %mul3A_134 = arith.constant 2 : i32
      %mul3A_135 = arith.muli %mul3A_134, %scan3A_133 : i32
      %add3A_136 = arith.constant 0 : i32
      %add3A_137 = arith.addi %mul3A_135, %add3A_136 : i32
      %gt3A = arith.constant 0 : i32
      %gt3A_138 = arith.cmpi sgt, %scan3A_133, %gt3A : i32
      %or3A = arith.constant false
      %or3A_139 = arith.ori %gt3A_138, %or3A : i1
      %convert_element_type3A = arith.extui %or3A_139 : i1 to i32
      %cond3A = arith.constant 0 : i32
      %cond3A_140 = arith.cmpi ne, %convert_element_type3A, %cond3A : i32
      scf.if %cond3A_140 {
        %sub3A = arith.constant 1 : i32
        %sub3A_218 = arith.subi %add3A_137, %sub3A : i32
        %dma_wait3A_219 = arith.constant 1 : i32
        %dma_wait3A_220 = arith.constant 0 : i32
        %dma_wait3A_221 = arith.constant 0 : i32
        %dma_wait3A_222 = tpu.memref_slice %arg8[%dma_wait3A_219, %dma_wait3A_220, %dma_wait3A_221] : memref<2x128x128xf32, #tpu.memory_space<vmem>> -> memref<1x128x128xf32, #tpu.memory_space<vmem>>
        %dma_wait3A_223 = tpu.memref_squeeze %dma_wait3A_222 : memref<1x128x128xf32, #tpu.memory_space<vmem>> -> memref<128x128xf32, #tpu.memory_space<vmem>>
        %dma_wait3A_224 = arith.constant 0 : i32
        %dma_wait3A_225 = tpu.memref_slice %arg7[%sub3A_218, %dma_wait3A_224] : memref<40x128xi32, #tpu.memory_space<vmem>> -> memref<1x128xi32, #tpu.memory_space<vmem>>
        %dma_wait3A_226 = tpu.memref_squeeze %dma_wait3A_225 : memref<1x128xi32, #tpu.memory_space<vmem>> -> memref<128xi32, #tpu.memory_space<vmem>>
        %dma_wait3A_227 = arith.constant 0 : i32
        %dma_wait3A_228 = arith.constant 0 : i32
        %dma_wait3A_229 = tpu.memref_slice %arg10[%dma_wait3A_227, %dma_wait3A_228] : memref<10240x128xf32, #tpu.memory_space<vmem_shared>> -> memref<10240x128xf32, #tpu.memory_space<vmem_shared>>
        tpu.wait_indirect_dma semaphore(%arg14 : memref<!tpu.dma_semaphore, #tpu.memory_space<semaphore_mem>>) src(%dma_wait3A_223 : memref<128x128xf32, #tpu.memory_space<vmem>>) dst(%dma_wait3A_229 : memref<10240x128xf32, #tpu.memory_space<vmem_shared>>)
      } else {
      }
      %gt3A_141 = arith.constant 0 : i32
      %gt3A_142 = arith.cmpi sgt, %scan3A_133, %gt3A_141 : i32
      %or3A_143 = arith.constant false
      %or3A_144 = arith.ori %gt3A_142, %or3A_143 : i1
      %lt3A = arith.constant 19 : i32
      %lt3A_145 = arith.cmpi slt, %scan3A_133, %lt3A : i32
      %or3A_146 = arith.constant true
      %or3A_147 = arith.ori %lt3A_145, %or3A_146 : i1
      %and3A = arith.andi %or3A_144, %or3A_147 : i1
      %convert_element_type3A_148 = arith.extui %and3A : i1 to i32
      %cond3A_149 = arith.constant 0 : i32
      %cond3A_150 = arith.cmpi ne, %convert_element_type3A_148, %cond3A_149 : i32
      scf.if %cond3A_150 {
        %add3A_218 = arith.constant 1 : i32
        %add3A_219 = arith.addi %add3A_137, %add3A_218 : i32
        %dma_start3A_220 = arith.constant 1 : i32
        %dma_start3A_221 = arith.constant 0 : i32
        %dma_start3A_222 = arith.constant 0 : i32
        %dma_start3A_223 = tpu.memref_slice %arg8[%dma_start3A_220, %dma_start3A_221, %dma_start3A_222] : memref<2x128x128xf32, #tpu.memory_space<vmem>> -> memref<1x128x128xf32, #tpu.memory_space<vmem>>
        %dma_start3A_224 = tpu.memref_squeeze %dma_start3A_223 : memref<1x128x128xf32, #tpu.memory_space<vmem>> -> memref<128x128xf32, #tpu.memory_space<vmem>>
        %dma_start3A_225 = arith.constant 0 : i32
        %dma_start3A_226 = tpu.memref_slice %arg6[%add3A_219, %dma_start3A_225] : memref<40x128xi32, #tpu.memory_space<vmem>> -> memref<1x128xi32, #tpu.memory_space<vmem>>
        %dma_start3A_227 = tpu.memref_squeeze %dma_start3A_226 : memref<1x128xi32, #tpu.memory_space<vmem>> -> memref<128xi32, #tpu.memory_space<vmem>>
        %dma_start3A_228 = arith.constant 0 : i32
        %dma_start3A_229 = arith.constant 0 : i32
        %dma_start3A_230 = tpu.memref_slice %arg2[%dma_start3A_228, %dma_start3A_229] : memref<270000x128xf32, #tpu.memory_space<hbm>> -> memref<270000x128xf32, #tpu.memory_space<hbm>>
        tpu.enqueue_indirect_dma source(%dma_start3A_230 : memref<270000x128xf32, #tpu.memory_space<hbm>>) target(%dma_start3A_224 : memref<128x128xf32, #tpu.memory_space<vmem>>) offsets(%dma_start3A_227 : memref<128xi32, #tpu.memory_space<vmem>>) semaphore(%arg12 : memref<!tpu.dma_semaphore, #tpu.memory_space<semaphore_mem>>)
      } else {
      }
      %dma_wait3A_151 = arith.constant 0 : i32
      %dma_wait3A_152 = arith.constant 0 : i32
      %dma_wait3A_153 = arith.constant 0 : i32
      %dma_wait3A_154 = tpu.memref_slice %arg8[%dma_wait3A_151, %dma_wait3A_152, %dma_wait3A_153] : memref<2x128x128xf32, #tpu.memory_space<vmem>> -> memref<1x128x128xf32, #tpu.memory_space<vmem>>
      %dma_wait3A_155 = tpu.memref_squeeze %dma_wait3A_154 : memref<1x128x128xf32, #tpu.memory_space<vmem>> -> memref<128x128xf32, #tpu.memory_space<vmem>>
      %dma_wait3A_156 = arith.constant 0 : i32
      %dma_wait3A_157 = tpu.memref_slice %arg6[%add3A_137, %dma_wait3A_156] : memref<40x128xi32, #tpu.memory_space<vmem>> -> memref<1x128xi32, #tpu.memory_space<vmem>>
      %dma_wait3A_158 = tpu.memref_squeeze %dma_wait3A_157 : memref<1x128xi32, #tpu.memory_space<vmem>> -> memref<128xi32, #tpu.memory_space<vmem>>
      %dma_wait3A_159 = arith.constant 0 : i32
      %dma_wait3A_160 = arith.constant 0 : i32
      %dma_wait3A_161 = tpu.memref_slice %arg2[%dma_wait3A_159, %dma_wait3A_160] : memref<270000x128xf32, #tpu.memory_space<hbm>> -> memref<270000x128xf32, #tpu.memory_space<hbm>>
      tpu.wait_indirect_dma semaphore(%arg11 : memref<!tpu.dma_semaphore, #tpu.memory_space<semaphore_mem>>) src(%dma_wait3A_161 : memref<270000x128xf32, #tpu.memory_space<hbm>>) dst(%dma_wait3A_155 : memref<128x128xf32, #tpu.memory_space<vmem>>)
      %dma_start3A_162 = arith.constant 0 : i32
      %dma_start3A_163 = arith.constant 0 : i32
      %dma_start3A_164 = arith.constant 0 : i32
      %dma_start3A_165 = tpu.memref_slice %arg8[%dma_start3A_162, %dma_start3A_163, %dma_start3A_164] : memref<2x128x128xf32, #tpu.memory_space<vmem>> -> memref<1x128x128xf32, #tpu.memory_space<vmem>>
      %dma_start3A_166 = tpu.memref_squeeze %dma_start3A_165 : memref<1x128x128xf32, #tpu.memory_space<vmem>> -> memref<128x128xf32, #tpu.memory_space<vmem>>
      %dma_start3A_167 = arith.constant 0 : i32
      %dma_start3A_168 = tpu.memref_slice %arg7[%add3A_137, %dma_start3A_167] : memref<40x128xi32, #tpu.memory_space<vmem>> -> memref<1x128xi32, #tpu.memory_space<vmem>>
      %dma_start3A_169 = tpu.memref_squeeze %dma_start3A_168 : memref<1x128xi32, #tpu.memory_space<vmem>> -> memref<128xi32, #tpu.memory_space<vmem>>
      %dma_start3A_170 = arith.constant 0 : i32
      %dma_start3A_171 = arith.constant 0 : i32
      %dma_start3A_172 = tpu.memref_slice %arg10[%dma_start3A_170, %dma_start3A_171] : memref<10240x128xf32, #tpu.memory_space<vmem_shared>> -> memref<10240x128xf32, #tpu.memory_space<vmem_shared>>
      tpu.enqueue_indirect_dma source(%dma_start3A_166 : memref<128x128xf32, #tpu.memory_space<vmem>>) target(%dma_start3A_172 : memref<10240x128xf32, #tpu.memory_space<vmem_shared>>) offsets(%dma_start3A_169 : memref<128xi32, #tpu.memory_space<vmem>>) semaphore(%arg13 : memref<!tpu.dma_semaphore, #tpu.memory_space<semaphore_mem>>) {add = true}
      %mul3A_173 = arith.constant 2 : i32
      %mul3A_174 = arith.muli %mul3A_173, %scan3A_133 : i32
      %add3A_175 = arith.constant 1 : i32
      %add3A_176 = arith.addi %mul3A_174, %add3A_175 : i32
      %gt3A_177 = arith.constant 0 : i32
      %gt3A_178 = arith.cmpi sgt, %scan3A_133, %gt3A_177 : i32
      %or3A_179 = arith.constant true
      %or3A_180 = arith.ori %gt3A_178, %or3A_179 : i1
      %convert_element_type3A_181 = arith.extui %or3A_180 : i1 to i32
      %cond3A_182 = arith.constant 0 : i32
      %cond3A_183 = arith.cmpi ne, %convert_element_type3A_181, %cond3A_182 : i32
      scf.if %cond3A_183 {
        %sub3A = arith.constant 1 : i32
        %sub3A_218 = arith.subi %add3A_176, %sub3A : i32
        %dma_wait3A_219 = arith.constant 0 : i32
        %dma_wait3A_220 = arith.constant 0 : i32
        %dma_wait3A_221 = arith.constant 0 : i32
        %dma_wait3A_222 = tpu.memref_slice %arg8[%dma_wait3A_219, %dma_wait3A_220, %dma_wait3A_221] : memref<2x128x128xf32, #tpu.memory_space<vmem>> -> memref<1x128x128xf32, #tpu.memory_space<vmem>>
        %dma_wait3A_223 = tpu.memref_squeeze %dma_wait3A_222 : memref<1x128x128xf32, #tpu.memory_space<vmem>> -> memref<128x128xf32, #tpu.memory_space<vmem>>
        %dma_wait3A_224 = arith.constant 0 : i32
        %dma_wait3A_225 = tpu.memref_slice %arg7[%sub3A_218, %dma_wait3A_224] : memref<40x128xi32, #tpu.memory_space<vmem>> -> memref<1x128xi32, #tpu.memory_space<vmem>>
        %dma_wait3A_226 = tpu.memref_squeeze %dma_wait3A_225 : memref<1x128xi32, #tpu.memory_space<vmem>> -> memref<128xi32, #tpu.memory_space<vmem>>
        %dma_wait3A_227 = arith.constant 0 : i32
        %dma_wait3A_228 = arith.constant 0 : i32
        %dma_wait3A_229 = tpu.memref_slice %arg10[%dma_wait3A_227, %dma_wait3A_228] : memref<10240x128xf32, #tpu.memory_space<vmem_shared>> -> memref<10240x128xf32, #tpu.memory_space<vmem_shared>>
        tpu.wait_indirect_dma semaphore(%arg13 : memref<!tpu.dma_semaphore, #tpu.memory_space<semaphore_mem>>) src(%dma_wait3A_223 : memref<128x128xf32, #tpu.memory_space<vmem>>) dst(%dma_wait3A_229 : memref<10240x128xf32, #tpu.memory_space<vmem_shared>>)
      } else {
      }
      %gt3A_184 = arith.constant 0 : i32
      %gt3A_185 = arith.cmpi sgt, %scan3A_133, %gt3A_184 : i32
      %or3A_186 = arith.constant true
      %or3A_187 = arith.ori %gt3A_185, %or3A_186 : i1
      %lt3A_188 = arith.constant 19 : i32
      %lt3A_189 = arith.cmpi slt, %scan3A_133, %lt3A_188 : i32
      %or3A_190 = arith.constant false
      %or3A_191 = arith.ori %lt3A_189, %or3A_190 : i1
      %and3A_192 = arith.andi %or3A_187, %or3A_191 : i1
      %convert_element_type3A_193 = arith.extui %and3A_192 : i1 to i32
      %cond3A_194 = arith.constant 0 : i32
      %cond3A_195 = arith.cmpi ne, %convert_element_type3A_193, %cond3A_194 : i32
      scf.if %cond3A_195 {
        %add3A_218 = arith.constant 1 : i32
        %add3A_219 = arith.addi %add3A_176, %add3A_218 : i32
        %dma_start3A_220 = arith.constant 0 : i32
        %dma_start3A_221 = arith.constant 0 : i32
        %dma_start3A_222 = arith.constant 0 : i32
        %dma_start3A_223 = tpu.memref_slice %arg8[%dma_start3A_220, %dma_start3A_221, %dma_start3A_222] : memref<2x128x128xf32, #tpu.memory_space<vmem>> -> memref<1x128x128xf32, #tpu.memory_space<vmem>>
        %dma_start3A_224 = tpu.memref_squeeze %dma_start3A_223 : memref<1x128x128xf32, #tpu.memory_space<vmem>> -> memref<128x128xf32, #tpu.memory_space<vmem>>
        %dma_start3A_225 = arith.constant 0 : i32
        %dma_start3A_226 = tpu.memref_slice %arg6[%add3A_219, %dma_start3A_225] : memref<40x128xi32, #tpu.memory_space<vmem>> -> memref<1x128xi32, #tpu.memory_space<vmem>>
        %dma_start3A_227 = tpu.memref_squeeze %dma_start3A_226 : memref<1x128xi32, #tpu.memory_space<vmem>> -> memref<128xi32, #tpu.memory_space<vmem>>
        %dma_start3A_228 = arith.constant 0 : i32
        %dma_start3A_229 = arith.constant 0 : i32
        %dma_start3A_230 = tpu.memref_slice %arg2[%dma_start3A_228, %dma_start3A_229] : memref<270000x128xf32, #tpu.memory_space<hbm>> -> memref<270000x128xf32, #tpu.memory_space<hbm>>
        tpu.enqueue_indirect_dma source(%dma_start3A_230 : memref<270000x128xf32, #tpu.memory_space<hbm>>) target(%dma_start3A_224 : memref<128x128xf32, #tpu.memory_space<vmem>>) offsets(%dma_start3A_227 : memref<128xi32, #tpu.memory_space<vmem>>) semaphore(%arg11 : memref<!tpu.dma_semaphore, #tpu.memory_space<semaphore_mem>>)
      } else {
      }
      %dma_wait3A_196 = arith.constant 1 : i32
      %dma_wait3A_197 = arith.constant 0 : i32
      %dma_wait3A_198 = arith.constant 0 : i32
      %dma_wait3A_199 = tpu.memref_slice %arg8[%dma_wait3A_196, %dma_wait3A_197, %dma_wait3A_198] : memref<2x128x128xf32, #tpu.memory_space<vmem>> -> memref<1x128x128xf32, #tpu.memory_space<vmem>>
      %dma_wait3A_200 = tpu.memref_squeeze %dma_wait3A_199 : memref<1x128x128xf32, #tpu.memory_space<vmem>> -> memref<128x128xf32, #tpu.memory_space<vmem>>
      %dma_wait3A_201 = arith.constant 0 : i32
      %dma_wait3A_202 = tpu.memref_slice %arg6[%add3A_176, %dma_wait3A_201] : memref<40x128xi32, #tpu.memory_space<vmem>> -> memref<1x128xi32, #tpu.memory_space<vmem>>
      %dma_wait3A_203 = tpu.memref_squeeze %dma_wait3A_202 : memref<1x128xi32, #tpu.memory_space<vmem>> -> memref<128xi32, #tpu.memory_space<vmem>>
      %dma_wait3A_204 = arith.constant 0 : i32
      %dma_wait3A_205 = arith.constant 0 : i32
      %dma_wait3A_206 = tpu.memref_slice %arg2[%dma_wait3A_204, %dma_wait3A_205] : memref<270000x128xf32, #tpu.memory_space<hbm>> -> memref<270000x128xf32, #tpu.memory_space<hbm>>
      tpu.wait_indirect_dma semaphore(%arg12 : memref<!tpu.dma_semaphore, #tpu.memory_space<semaphore_mem>>) src(%dma_wait3A_206 : memref<270000x128xf32, #tpu.memory_space<hbm>>) dst(%dma_wait3A_200 : memref<128x128xf32, #tpu.memory_space<vmem>>)
      %dma_start3A_207 = arith.constant 1 : i32
      %dma_start3A_208 = arith.constant 0 : i32
      %dma_start3A_209 = arith.constant 0 : i32
      %dma_start3A_210 = tpu.memref_slice %arg8[%dma_start3A_207, %dma_start3A_208, %dma_start3A_209] : memref<2x128x128xf32, #tpu.memory_space<vmem>> -> memref<1x128x128xf32, #tpu.memory_space<vmem>>
      %dma_start3A_211 = tpu.memref_squeeze %dma_start3A_210 : memref<1x128x128xf32, #tpu.memory_space<vmem>> -> memref<128x128xf32, #tpu.memory_space<vmem>>
      %dma_start3A_212 = arith.constant 0 : i32
      %dma_start3A_213 = tpu.memref_slice %arg7[%add3A_176, %dma_start3A_212] : memref<40x128xi32, #tpu.memory_space<vmem>> -> memref<1x128xi32, #tpu.memory_space<vmem>>
      %dma_start3A_214 = tpu.memref_squeeze %dma_start3A_213 : memref<1x128xi32, #tpu.memory_space<vmem>> -> memref<128xi32, #tpu.memory_space<vmem>>
      %dma_start3A_215 = arith.constant 0 : i32
      %dma_start3A_216 = arith.constant 0 : i32
      %dma_start3A_217 = tpu.memref_slice %arg10[%dma_start3A_215, %dma_start3A_216] : memref<10240x128xf32, #tpu.memory_space<vmem_shared>> -> memref<10240x128xf32, #tpu.memory_space<vmem_shared>>
      tpu.enqueue_indirect_dma source(%dma_start3A_211 : memref<128x128xf32, #tpu.memory_space<vmem>>) target(%dma_start3A_217 : memref<10240x128xf32, #tpu.memory_space<vmem_shared>>) offsets(%dma_start3A_214 : memref<128xi32, #tpu.memory_space<vmem>>) semaphore(%arg14 : memref<!tpu.dma_semaphore, #tpu.memory_space<semaphore_mem>>) {add = true}
    }
    %scan3A_116 = arith.constant 20 : i32
    %dma_wait3A = arith.constant 1 : i32
    %dma_wait3A_117 = arith.constant 39 : i32
    %dma_wait3A_118 = arith.constant 0 : i32
    %dma_wait3A_119 = arith.constant 0 : i32
    %dma_wait3A_120 = tpu.memref_slice %arg8[%dma_wait3A, %dma_wait3A_118, %dma_wait3A_119] : memref<2x128x128xf32, #tpu.memory_space<vmem>> -> memref<1x128x128xf32, #tpu.memory_space<vmem>>
    %dma_wait3A_121 = tpu.memref_squeeze %dma_wait3A_120 : memref<1x128x128xf32, #tpu.memory_space<vmem>> -> memref<128x128xf32, #tpu.memory_space<vmem>>
    %dma_wait3A_122 = arith.constant 0 : i32
    %dma_wait3A_123 = tpu.memref_slice %arg7[%dma_wait3A_117, %dma_wait3A_122] : memref<40x128xi32, #tpu.memory_space<vmem>> -> memref<1x128xi32, #tpu.memory_space<vmem>>
    %dma_wait3A_124 = tpu.memref_squeeze %dma_wait3A_123 : memref<1x128xi32, #tpu.memory_space<vmem>> -> memref<128xi32, #tpu.memory_space<vmem>>
    %dma_wait3A_125 = arith.constant 0 : i32
    %dma_wait3A_126 = arith.constant 0 : i32
    %dma_wait3A_127 = tpu.memref_slice %arg10[%dma_wait3A_125, %dma_wait3A_126] : memref<10240x128xf32, #tpu.memory_space<vmem_shared>> -> memref<10240x128xf32, #tpu.memory_space<vmem_shared>>
    tpu.wait_indirect_dma semaphore(%arg14 : memref<!tpu.dma_semaphore, #tpu.memory_space<semaphore_mem>>) src(%dma_wait3A_121 : memref<128x128xf32, #tpu.memory_space<vmem>>) dst(%dma_wait3A_127 : memref<10240x128xf32, #tpu.memory_space<vmem_shared>>)
    %barrier3A_128 = arith.constant 0 : index
    tpu.barrier barrier_id(%barrier3A_128)
    %mul3A_129 = arith.constant 640 : i32
    %mul3A_130 = arith.muli %arg1, %mul3A_129 : i32
    %mul3A_131 = arith.constant 640 : i32
    %mul3A_132 = arith.muli %arg1, %mul3A_131 : i32
    "tpu.region"() ({
      %run_scoped3A = tpu.sem_alloc : memref<!tpu.dma_semaphore, #tpu.memory_space<semaphore_mem>>
      %dma_start3A_133 = arith.constant 0 : i32
      %dma_start3A_134 = tpu.memref_slice %arg5[%arg0, %mul3A_132, %dma_start3A_133] : memref<2x10240x128xf32, #tpu.memory_space<hbm>> -> memref<1x640x128xf32, #tpu.memory_space<hbm>>
      %dma_start3A_135 = tpu.memref_squeeze %dma_start3A_134 : memref<1x640x128xf32, #tpu.memory_space<hbm>> -> memref<640x128xf32, #tpu.memory_space<hbm>>
      %dma_start3A_136 = arith.constant 0 : i32
      %dma_start3A_137 = tpu.memref_slice %arg10[%mul3A_130, %dma_start3A_136] : memref<10240x128xf32, #tpu.memory_space<vmem_shared>> -> memref<640x128xf32, #tpu.memory_space<vmem_shared>>
      tpu.enqueue_dma source(%dma_start3A_137 : memref<640x128xf32, #tpu.memory_space<vmem_shared>>) target(%dma_start3A_135 : memref<640x128xf32, #tpu.memory_space<hbm>>) target_semaphore(%run_scoped3A : memref<!tpu.dma_semaphore, #tpu.memory_space<semaphore_mem>>)
      %dma_wait3A_138 = arith.constant 0 : i32
      %dma_wait3A_139 = tpu.memref_slice %arg5[%arg0, %mul3A_132, %dma_wait3A_138] : memref<2x10240x128xf32, #tpu.memory_space<hbm>> -> memref<1x640x128xf32, #tpu.memory_space<hbm>>
      %dma_wait3A_140 = tpu.memref_squeeze %dma_wait3A_139 : memref<1x640x128xf32, #tpu.memory_space<hbm>> -> memref<640x128xf32, #tpu.memory_space<hbm>>
      %dma_wait3A_141 = arith.constant 0 : i32
      %dma_wait3A_142 = tpu.memref_slice %arg10[%mul3A_130, %dma_wait3A_141] : memref<10240x128xf32, #tpu.memory_space<vmem_shared>> -> memref<640x128xf32, #tpu.memory_space<vmem_shared>>
      tpu.wait_dma2 semaphore(%run_scoped3A : memref<!tpu.dma_semaphore, #tpu.memory_space<semaphore_mem>>) src(%dma_wait3A_142 : memref<640x128xf32, #tpu.memory_space<vmem_shared>>) dst(%dma_wait3A_140 : memref<640x128xf32, #tpu.memory_space<hbm>>)
      tpu.yield
    }) : () -> ()
    return
  }
}

#map = affine_map<(d0, d1) -> (0, 0)>
#map1 = affine_map<(d0, d1) -> (0, 0, 0)>
module attributes {stable_mosaic.version = 14 : i64} {
  func.func @_sc_conv_body(%arg0: i32, %arg1: i32, %arg2: memref<270000x128xf32, #tpu.memory_space<hbm>>, %arg3: memref<1280x128xi32, #tpu.memory_space<hbm>>, %arg4: memref<1280x128xi32, #tpu.memory_space<hbm>>, %arg5: memref<2x10240x128xf32, #tpu.memory_space<hbm>>, %arg6: memref<40x128xi32, #tpu.memory_space<vmem>>, %arg7: memref<40x128xi32, #tpu.memory_space<vmem>>, %arg8: memref<2x128x128xf32, #tpu.memory_space<vmem>>, %arg9: memref<32x128xf32, #tpu.memory_space<vmem>>, %arg10: memref<10240x128xf32, #tpu.memory_space<vmem_shared>>, %arg11: memref<!tpu.dma_semaphore, #tpu.memory_space<semaphore_mem>>, %arg12: memref<!tpu.dma_semaphore, #tpu.memory_space<semaphore_mem>>, %arg13: memref<!tpu.dma_semaphore, #tpu.memory_space<semaphore_mem>>, %arg14: memref<!tpu.dma_semaphore, #tpu.memory_space<semaphore_mem>>) attributes {dimension_semantics = [#tpu.dimension_semantics<core_parallel>, #tpu.dimension_semantics<subcore_parallel>], iteration_bounds = array<i64: 2, 16>, scalar_prefetch = 0 : i64, scratch_operands = 9 : i64, tpu.core_type = #tpu.core_type<sc_vector_subcore>, window_params = [{transform_indices = #map}, {transform_indices = #map}, {transform_indices = #map}, {transform_indices = #map1}]} {
    %mul3A = arith.constant 2 : i32
    %mul3A_0 = arith.muli %arg1, %mul3A : i32
    %add3A = arith.addi %mul3A_0, %arg0 : i32
    %mul3A_1 = arith.constant 40 : i32
    %mul3A_2 = arith.muli %add3A, %mul3A_1 : i32
    "tpu.region"() ({
      %run_scoped3A = tpu.sem_alloc : memref<!tpu.dma_semaphore, #tpu.memory_space<semaphore_mem>>
      %dma_start3A_133 = arith.constant 0 : i32
      %dma_start3A_134 = tpu.memref_slice %arg3[%mul3A_2, %dma_start3A_133] : memref<1280x128xi32, #tpu.memory_space<hbm>> -> memref<40x128xi32, #tpu.memory_space<hbm>>
      %dma_start3A_135 = arith.constant 0 : i32
      %dma_start3A_136 = tpu.memref_slice %arg3[%mul3A_2, %dma_start3A_135] : memref<1280x128xi32, #tpu.memory_space<hbm>> -> memref<40x128xi32, #tpu.memory_space<hbm>>
      tpu.enqueue_dma source(%dma_start3A_136 : memref<40x128xi32, #tpu.memory_space<hbm>>) target(%arg6 : memref<40x128xi32, #tpu.memory_space<vmem>>) target_semaphore(%run_scoped3A : memref<!tpu.dma_semaphore, #tpu.memory_space<semaphore_mem>>)
      %dma_wait3A_137 = arith.constant 0 : i32
      %dma_wait3A_138 = tpu.memref_slice %arg3[%mul3A_2, %dma_wait3A_137] : memref<1280x128xi32, #tpu.memory_space<hbm>> -> memref<40x128xi32, #tpu.memory_space<hbm>>
      %dma_wait3A_139 = arith.constant 0 : i32
      %dma_wait3A_140 = tpu.memref_slice %arg3[%mul3A_2, %dma_wait3A_139] : memref<1280x128xi32, #tpu.memory_space<hbm>> -> memref<40x128xi32, #tpu.memory_space<hbm>>
      tpu.wait_dma2 semaphore(%run_scoped3A : memref<!tpu.dma_semaphore, #tpu.memory_space<semaphore_mem>>) src(%dma_wait3A_140 : memref<40x128xi32, #tpu.memory_space<hbm>>) dst(%arg6 : memref<40x128xi32, #tpu.memory_space<vmem>>)
      tpu.yield
    }) : () -> ()
    "tpu.region"() ({
      %run_scoped3A = tpu.sem_alloc : memref<!tpu.dma_semaphore, #tpu.memory_space<semaphore_mem>>
      %dma_start3A_133 = arith.constant 0 : i32
      %dma_start3A_134 = tpu.memref_slice %arg4[%mul3A_2, %dma_start3A_133] : memref<1280x128xi32, #tpu.memory_space<hbm>> -> memref<40x128xi32, #tpu.memory_space<hbm>>
      %dma_start3A_135 = arith.constant 0 : i32
      %dma_start3A_136 = tpu.memref_slice %arg4[%mul3A_2, %dma_start3A_135] : memref<1280x128xi32, #tpu.memory_space<hbm>> -> memref<40x128xi32, #tpu.memory_space<hbm>>
      tpu.enqueue_dma source(%dma_start3A_136 : memref<40x128xi32, #tpu.memory_space<hbm>>) target(%arg7 : memref<40x128xi32, #tpu.memory_space<vmem>>) target_semaphore(%run_scoped3A : memref<!tpu.dma_semaphore, #tpu.memory_space<semaphore_mem>>)
      %dma_wait3A_137 = arith.constant 0 : i32
      %dma_wait3A_138 = tpu.memref_slice %arg4[%mul3A_2, %dma_wait3A_137] : memref<1280x128xi32, #tpu.memory_space<hbm>> -> memref<40x128xi32, #tpu.memory_space<hbm>>
      %dma_wait3A_139 = arith.constant 0 : i32
      %dma_wait3A_140 = tpu.memref_slice %arg4[%mul3A_2, %dma_wait3A_139] : memref<1280x128xi32, #tpu.memory_space<hbm>> -> memref<40x128xi32, #tpu.memory_space<hbm>>
      tpu.wait_dma2 semaphore(%run_scoped3A : memref<!tpu.dma_semaphore, #tpu.memory_space<semaphore_mem>>) src(%dma_wait3A_140 : memref<40x128xi32, #tpu.memory_space<hbm>>) dst(%arg7 : memref<40x128xi32, #tpu.memory_space<vmem>>)
      tpu.yield
    }) : () -> ()
    %dma_start3A = arith.constant 0 : i32
    %dma_start3A_3 = arith.constant 0 : i32
    %dma_start3A_4 = arith.constant 0 : i32
    %dma_start3A_5 = arith.constant 0 : i32
    %dma_start3A_6 = tpu.memref_slice %arg8[%dma_start3A_3, %dma_start3A_4, %dma_start3A_5] : memref<2x128x128xf32, #tpu.memory_space<vmem>> -> memref<1x128x128xf32, #tpu.memory_space<vmem>>
    %dma_start3A_7 = tpu.memref_squeeze %dma_start3A_6 : memref<1x128x128xf32, #tpu.memory_space<vmem>> -> memref<128x128xf32, #tpu.memory_space<vmem>>
    %dma_start3A_8 = arith.constant 0 : i32
    %dma_start3A_9 = tpu.memref_slice %arg6[%dma_start3A, %dma_start3A_8] : memref<40x128xi32, #tpu.memory_space<vmem>> -> memref<1x128xi32, #tpu.memory_space<vmem>>
    %dma_start3A_10 = tpu.memref_squeeze %dma_start3A_9 : memref<1x128xi32, #tpu.memory_space<vmem>> -> memref<128xi32, #tpu.memory_space<vmem>>
    %dma_start3A_11 = arith.constant 0 : i32
    %dma_start3A_12 = arith.constant 0 : i32
    %dma_start3A_13 = tpu.memref_slice %arg2[%dma_start3A_11, %dma_start3A_12] : memref<270000x128xf32, #tpu.memory_space<hbm>> -> memref<270000x128xf32, #tpu.memory_space<hbm>>
    tpu.enqueue_indirect_dma source(%dma_start3A_13 : memref<270000x128xf32, #tpu.memory_space<hbm>>) target(%dma_start3A_7 : memref<128x128xf32, #tpu.memory_space<vmem>>) offsets(%dma_start3A_10 : memref<128xi32, #tpu.memory_space<vmem>>) semaphore(%arg11 : memref<!tpu.dma_semaphore, #tpu.memory_space<semaphore_mem>>)
    %dma_start3A_14 = arith.constant 1 : i32
    %dma_start3A_15 = arith.constant 1 : i32
    %dma_start3A_16 = arith.constant 0 : i32
    %dma_start3A_17 = arith.constant 0 : i32
    %dma_start3A_18 = tpu.memref_slice %arg8[%dma_start3A_15, %dma_start3A_16, %dma_start3A_17] : memref<2x128x128xf32, #tpu.memory_space<vmem>> -> memref<1x128x128xf32, #tpu.memory_space<vmem>>
    %dma_start3A_19 = tpu.memref_squeeze %dma_start3A_18 : memref<1x128x128xf32, #tpu.memory_space<vmem>> -> memref<128x128xf32, #tpu.memory_space<vmem>>
    %dma_start3A_20 = arith.constant 0 : i32
    %dma_start3A_21 = tpu.memref_slice %arg6[%dma_start3A_14, %dma_start3A_20] : memref<40x128xi32, #tpu.memory_space<vmem>> -> memref<1x128xi32, #tpu.memory_space<vmem>>
    %dma_start3A_22 = tpu.memref_squeeze %dma_start3A_21 : memref<1x128xi32, #tpu.memory_space<vmem>> -> memref<128xi32, #tpu.memory_space<vmem>>
    %dma_start3A_23 = arith.constant 0 : i32
    %dma_start3A_24 = arith.constant 0 : i32
    %dma_start3A_25 = tpu.memref_slice %arg2[%dma_start3A_23, %dma_start3A_24] : memref<270000x128xf32, #tpu.memory_space<hbm>> -> memref<270000x128xf32, #tpu.memory_space<hbm>>
    tpu.enqueue_indirect_dma source(%dma_start3A_25 : memref<270000x128xf32, #tpu.memory_space<hbm>>) target(%dma_start3A_19 : memref<128x128xf32, #tpu.memory_space<vmem>>) offsets(%dma_start3A_22 : memref<128xi32, #tpu.memory_space<vmem>>) semaphore(%arg12 : memref<!tpu.dma_semaphore, #tpu.memory_space<semaphore_mem>>)
    %scan3A = arith.constant 0 : i32
    %scan3A_26 = arith.constant 0 : i32
    %scan3A_27 = arith.constant 32 : i32
    %scan3A_28 = arith.addi %scan3A_26, %scan3A_27 : i32
    %scan3A_29 = arith.constant 1 : i32
    scf.for %scan3A_133 = %scan3A_26 to %scan3A_28 step %scan3A_29  : i32 {
      %broadcast_in_dim3A = arith.constant 0.000000e+00 : f32
      %broadcast_in_dim3A_134 = vector.broadcast %broadcast_in_dim3A : f32 to vector<16xf32>
      %swap3A = arith.index_cast %scan3A_133 : i32 to index
      %swap3A_135 = arith.constant 0 : index
      %swap3A_136 = tpu.vector_load %arg9[%swap3A, %swap3A_135] {strides = array<i32>} : memref<32x128xf32, #tpu.memory_space<vmem>>, vector<1x16xf32>,
      %swap3A_137 = vector.shape_cast %swap3A_136 : vector<1x16xf32> to vector<16xf32>
      %swap3A_138 = vector.shape_cast %broadcast_in_dim3A_134 : vector<16xf32> to vector<1x16xf32>
      tpu.vector_store %arg9[%swap3A, %swap3A_135], %swap3A_138 {strides = array<i32>} : memref<32x128xf32, #tpu.memory_space<vmem>>, vector<1x16xf32>,
      %broadcast_in_dim3A_139 = arith.constant 0.000000e+00 : f32
      %broadcast_in_dim3A_140 = vector.broadcast %broadcast_in_dim3A_139 : f32 to vector<16xf32>
      %swap3A_141 = arith.index_cast %scan3A_133 : i32 to index
      %swap3A_142 = arith.constant 16 : index
      %swap3A_143 = tpu.vector_load %arg9[%swap3A_141, %swap3A_142] {strides = array<i32>} : memref<32x128xf32, #tpu.memory_space<vmem>>, vector<1x16xf32>,
      %swap3A_144 = vector.shape_cast %swap3A_143 : vector<1x16xf32> to vector<16xf32>
      %swap3A_145 = vector.shape_cast %broadcast_in_dim3A_140 : vector<16xf32> to vector<1x16xf32>
      tpu.vector_store %arg9[%swap3A_141, %swap3A_142], %swap3A_145 {strides = array<i32>} : memref<32x128xf32, #tpu.memory_space<vmem>>, vector<1x16xf32>,
      %broadcast_in_dim3A_146 = arith.constant 0.000000e+00 : f32
      %broadcast_in_dim3A_147 = vector.broadcast %broadcast_in_dim3A_146 : f32 to vector<16xf32>
      %swap3A_148 = arith.index_cast %scan3A_133 : i32 to index
      %swap3A_149 = arith.constant 32 : index
      %swap3A_150 = tpu.vector_load %arg9[%swap3A_148, %swap3A_149] {strides = array<i32>} : memref<32x128xf32, #tpu.memory_space<vmem>>, vector<1x16xf32>,
      %swap3A_151 = vector.shape_cast %swap3A_150 : vector<1x16xf32> to vector<16xf32>
      %swap3A_152 = vector.shape_cast %broadcast_in_dim3A_147 : vector<16xf32> to vector<1x16xf32>
      tpu.vector_store %arg9[%swap3A_148, %swap3A_149], %swap3A_152 {strides = array<i32>} : memref<32x128xf32, #tpu.memory_space<vmem>>, vector<1x16xf32>,
      %broadcast_in_dim3A_153 = arith.constant 0.000000e+00 : f32
      %broadcast_in_dim3A_154 = vector.broadcast %broadcast_in_dim3A_153 : f32 to vector<16xf32>
      %swap3A_155 = arith.index_cast %scan3A_133 : i32 to index
      %swap3A_156 = arith.constant 48 : index
      %swap3A_157 = tpu.vector_load %arg9[%swap3A_155, %swap3A_156] {strides = array<i32>} : memref<32x128xf32, #tpu.memory_space<vmem>>, vector<1x16xf32>,
      %swap3A_158 = vector.shape_cast %swap3A_157 : vector<1x16xf32> to vector<16xf32>
      %swap3A_159 = vector.shape_cast %broadcast_in_dim3A_154 : vector<16xf32> to vector<1x16xf32>
      tpu.vector_store %arg9[%swap3A_155, %swap3A_156], %swap3A_159 {strides = array<i32>} : memref<32x128xf32, #tpu.memory_space<vmem>>, vector<1x16xf32>,
      %broadcast_in_dim3A_160 = arith.constant 0.000000e+00 : f32
      %broadcast_in_dim3A_161 = vector.broadcast %broadcast_in_dim3A_160 : f32 to vector<16xf32>
      %swap3A_162 = arith.index_cast %scan3A_133 : i32 to index
      %swap3A_163 = arith.constant 64 : index
      %swap3A_164 = tpu.vector_load %arg9[%swap3A_162, %swap3A_163] {strides = array<i32>} : memref<32x128xf32, #tpu.memory_space<vmem>>, vector<1x16xf32>,
      %swap3A_165 = vector.shape_cast %swap3A_164 : vector<1x16xf32> to vector<16xf32>
      %swap3A_166 = vector.shape_cast %broadcast_in_dim3A_161 : vector<16xf32> to vector<1x16xf32>
      tpu.vector_store %arg9[%swap3A_162, %swap3A_163], %swap3A_166 {strides = array<i32>} : memref<32x128xf32, #tpu.memory_space<vmem>>, vector<1x16xf32>,
      %broadcast_in_dim3A_167 = arith.constant 0.000000e+00 : f32
      %broadcast_in_dim3A_168 = vector.broadcast %broadcast_in_dim3A_167 : f32 to vector<16xf32>
      %swap3A_169 = arith.index_cast %scan3A_133 : i32 to index
      %swap3A_170 = arith.constant 80 : index
      %swap3A_171 = tpu.vector_load %arg9[%swap3A_169, %swap3A_170] {strides = array<i32>} : memref<32x128xf32, #tpu.memory_space<vmem>>, vector<1x16xf32>,
      %swap3A_172 = vector.shape_cast %swap3A_171 : vector<1x16xf32> to vector<16xf32>
      %swap3A_173 = vector.shape_cast %broadcast_in_dim3A_168 : vector<16xf32> to vector<1x16xf32>
      tpu.vector_store %arg9[%swap3A_169, %swap3A_170], %swap3A_173 {strides = array<i32>} : memref<32x128xf32, #tpu.memory_space<vmem>>, vector<1x16xf32>,
      %broadcast_in_dim3A_174 = arith.constant 0.000000e+00 : f32
      %broadcast_in_dim3A_175 = vector.broadcast %broadcast_in_dim3A_174 : f32 to vector<16xf32>
      %swap3A_176 = arith.index_cast %scan3A_133 : i32 to index
      %swap3A_177 = arith.constant 96 : index
      %swap3A_178 = tpu.vector_load %arg9[%swap3A_176, %swap3A_177] {strides = array<i32>} : memref<32x128xf32, #tpu.memory_space<vmem>>, vector<1x16xf32>,
      %swap3A_179 = vector.shape_cast %swap3A_178 : vector<1x16xf32> to vector<16xf32>
      %swap3A_180 = vector.shape_cast %broadcast_in_dim3A_175 : vector<16xf32> to vector<1x16xf32>
      tpu.vector_store %arg9[%swap3A_176, %swap3A_177], %swap3A_180 {strides = array<i32>} : memref<32x128xf32, #tpu.memory_space<vmem>>, vector<1x16xf32>,
      %broadcast_in_dim3A_181 = arith.constant 0.000000e+00 : f32
      %broadcast_in_dim3A_182 = vector.broadcast %broadcast_in_dim3A_181 : f32 to vector<16xf32>
      %swap3A_183 = arith.index_cast %scan3A_133 : i32 to index
      %swap3A_184 = arith.constant 112 : index
      %swap3A_185 = tpu.vector_load %arg9[%swap3A_183, %swap3A_184] {strides = array<i32>} : memref<32x128xf32, #tpu.memory_space<vmem>>, vector<1x16xf32>,
      %swap3A_186 = vector.shape_cast %swap3A_185 : vector<1x16xf32> to vector<16xf32>
      %swap3A_187 = vector.shape_cast %broadcast_in_dim3A_182 : vector<16xf32> to vector<1x16xf32>
      tpu.vector_store %arg9[%swap3A_183, %swap3A_184], %swap3A_187 {strides = array<i32>} : memref<32x128xf32, #tpu.memory_space<vmem>>, vector<1x16xf32>,
    }
    %scan3A_30 = arith.constant 32 : i32
    %mul3A_31 = arith.constant 640 : i32
    %mul3A_32 = arith.muli %arg1, %mul3A_31 : i32
    %add3A_33 = arith.constant 0 : i32
    %add3A_34 = arith.addi %mul3A_32, %add3A_33 : i32
    "tpu.region"() ({
      %run_scoped3A = tpu.sem_alloc : memref<!tpu.dma_semaphore, #tpu.memory_space<semaphore_mem>>
      %dma_start3A_133 = arith.constant 0 : i32
      %dma_start3A_134 = tpu.memref_slice %arg10[%add3A_34, %dma_start3A_133] : memref<10240x128xf32, #tpu.memory_space<vmem_shared>> -> memref<32x128xf32, #tpu.memory_space<vmem_shared>>
      %dma_start3A_135 = arith.constant 0 : i32
      %dma_start3A_136 = tpu.memref_slice %arg10[%add3A_34, %dma_start3A_135] : memref<10240x128xf32, #tpu.memory_space<vmem_shared>> -> memref<32x128xf32, #tpu.memory_space<vmem_shared>>
      tpu.enqueue_dma source(%arg9 : memref<32x128xf32, #tpu.memory_space<vmem>>) target(%dma_start3A_136 : memref<32x128xf32, #tpu.memory_space<vmem_shared>>) target_semaphore(%run_scoped3A : memref<!tpu.dma_semaphore, #tpu.memory_space<semaphore_mem>>)
      %dma_wait3A_137 = arith.constant 0 : i32
      %dma_wait3A_138 = tpu.memref_slice %arg10[%add3A_34, %dma_wait3A_137] : memref<10240x128xf32, #tpu.memory_space<vmem_shared>> -> memref<32x128xf32, #tpu.memory_space<vmem_shared>>
      %dma_wait3A_139 = arith.constant 0 : i32
      %dma_wait3A_140 = tpu.memref_slice %arg10[%add3A_34, %dma_wait3A_139] : memref<10240x128xf32, #tpu.memory_space<vmem_shared>> -> memref<32x128xf32, #tpu.memory_space<vmem_shared>>
      tpu.wait_dma2 semaphore(%run_scoped3A : memref<!tpu.dma_semaphore, #tpu.memory_space<semaphore_mem>>) src(%arg9 : memref<32x128xf32, #tpu.memory_space<vmem>>) dst(%dma_wait3A_140 : memref<32x128xf32, #tpu.memory_space<vmem_shared>>)
      tpu.yield
    }) : () -> ()
    %mul3A_35 = arith.constant 640 : i32
    %mul3A_36 = arith.muli %arg1, %mul3A_35 : i32
    %add3A_37 = arith.constant 32 : i32
    %add3A_38 = arith.addi %mul3A_36, %add3A_37 : i32
    "tpu.region"() ({
      %run_scoped3A = tpu.sem_alloc : memref<!tpu.dma_semaphore, #tpu.memory_space<semaphore_mem>>
      %dma_start3A_133 = arith.constant 0 : i32
      %dma_start3A_134 = tpu.memref_slice %arg10[%add3A_38, %dma_start3A_133] : memref<10240x128xf32, #tpu.memory_space<vmem_shared>> -> memref<32x128xf32, #tpu.memory_space<vmem_shared>>
      %dma_start3A_135 = arith.constant 0 : i32
      %dma_start3A_136 = tpu.memref_slice %arg10[%add3A_38, %dma_start3A_135] : memref<10240x128xf32, #tpu.memory_space<vmem_shared>> -> memref<32x128xf32, #tpu.memory_space<vmem_shared>>
      tpu.enqueue_dma source(%arg9 : memref<32x128xf32, #tpu.memory_space<vmem>>) target(%dma_start3A_136 : memref<32x128xf32, #tpu.memory_space<vmem_shared>>) target_semaphore(%run_scoped3A : memref<!tpu.dma_semaphore, #tpu.memory_space<semaphore_mem>>)
      %dma_wait3A_137 = arith.constant 0 : i32
      %dma_wait3A_138 = tpu.memref_slice %arg10[%add3A_38, %dma_wait3A_137] : memref<10240x128xf32, #tpu.memory_space<vmem_shared>> -> memref<32x128xf32, #tpu.memory_space<vmem_shared>>
      %dma_wait3A_139 = arith.constant 0 : i32
      %dma_wait3A_140 = tpu.memref_slice %arg10[%add3A_38, %dma_wait3A_139] : memref<10240x128xf32, #tpu.memory_space<vmem_shared>> -> memref<32x128xf32, #tpu.memory_space<vmem_shared>>
      tpu.wait_dma2 semaphore(%run_scoped3A : memref<!tpu.dma_semaphore, #tpu.memory_space<semaphore_mem>>) src(%arg9 : memref<32x128xf32, #tpu.memory_space<vmem>>) dst(%dma_wait3A_140 : memref<32x128xf32, #tpu.memory_space<vmem_shared>>)
      tpu.yield
    }) : () -> ()
    %mul3A_39 = arith.constant 640 : i32
    %mul3A_40 = arith.muli %arg1, %mul3A_39 : i32
    %add3A_41 = arith.constant 64 : i32
    %add3A_42 = arith.addi %mul3A_40, %add3A_41 : i32
    "tpu.region"() ({
      %run_scoped3A = tpu.sem_alloc : memref<!tpu.dma_semaphore, #tpu.memory_space<semaphore_mem>>
      %dma_start3A_133 = arith.constant 0 : i32
      %dma_start3A_134 = tpu.memref_slice %arg10[%add3A_42, %dma_start3A_133] : memref<10240x128xf32, #tpu.memory_space<vmem_shared>> -> memref<32x128xf32, #tpu.memory_space<vmem_shared>>
      %dma_start3A_135 = arith.constant 0 : i32
      %dma_start3A_136 = tpu.memref_slice %arg10[%add3A_42, %dma_start3A_135] : memref<10240x128xf32, #tpu.memory_space<vmem_shared>> -> memref<32x128xf32, #tpu.memory_space<vmem_shared>>
      tpu.enqueue_dma source(%arg9 : memref<32x128xf32, #tpu.memory_space<vmem>>) target(%dma_start3A_136 : memref<32x128xf32, #tpu.memory_space<vmem_shared>>) target_semaphore(%run_scoped3A : memref<!tpu.dma_semaphore, #tpu.memory_space<semaphore_mem>>)
      %dma_wait3A_137 = arith.constant 0 : i32
      %dma_wait3A_138 = tpu.memref_slice %arg10[%add3A_42, %dma_wait3A_137] : memref<10240x128xf32, #tpu.memory_space<vmem_shared>> -> memref<32x128xf32, #tpu.memory_space<vmem_shared>>
      %dma_wait3A_139 = arith.constant 0 : i32
      %dma_wait3A_140 = tpu.memref_slice %arg10[%add3A_42, %dma_wait3A_139] : memref<10240x128xf32, #tpu.memory_space<vmem_shared>> -> memref<32x128xf32, #tpu.memory_space<vmem_shared>>
      tpu.wait_dma2 semaphore(%run_scoped3A : memref<!tpu.dma_semaphore, #tpu.memory_space<semaphore_mem>>) src(%arg9 : memref<32x128xf32, #tpu.memory_space<vmem>>) dst(%dma_wait3A_140 : memref<32x128xf32, #tpu.memory_space<vmem_shared>>)
      tpu.yield
    }) : () -> ()
    %mul3A_43 = arith.constant 640 : i32
    %mul3A_44 = arith.muli %arg1, %mul3A_43 : i32
    %add3A_45 = arith.constant 96 : i32
    %add3A_46 = arith.addi %mul3A_44, %add3A_45 : i32
    "tpu.region"() ({
      %run_scoped3A = tpu.sem_alloc : memref<!tpu.dma_semaphore, #tpu.memory_space<semaphore_mem>>
      %dma_start3A_133 = arith.constant 0 : i32
      %dma_start3A_134 = tpu.memref_slice %arg10[%add3A_46, %dma_start3A_133] : memref<10240x128xf32, #tpu.memory_space<vmem_shared>> -> memref<32x128xf32, #tpu.memory_space<vmem_shared>>
      %dma_start3A_135 = arith.constant 0 : i32
      %dma_start3A_136 = tpu.memref_slice %arg10[%add3A_46, %dma_start3A_135] : memref<10240x128xf32, #tpu.memory_space<vmem_shared>> -> memref<32x128xf32, #tpu.memory_space<vmem_shared>>
      tpu.enqueue_dma source(%arg9 : memref<32x128xf32, #tpu.memory_space<vmem>>) target(%dma_start3A_136 : memref<32x128xf32, #tpu.memory_space<vmem_shared>>) target_semaphore(%run_scoped3A : memref<!tpu.dma_semaphore, #tpu.memory_space<semaphore_mem>>)
      %dma_wait3A_137 = arith.constant 0 : i32
      %dma_wait3A_138 = tpu.memref_slice %arg10[%add3A_46, %dma_wait3A_137] : memref<10240x128xf32, #tpu.memory_space<vmem_shared>> -> memref<32x128xf32, #tpu.memory_space<vmem_shared>>
      %dma_wait3A_139 = arith.constant 0 : i32
      %dma_wait3A_140 = tpu.memref_slice %arg10[%add3A_46, %dma_wait3A_139] : memref<10240x128xf32, #tpu.memory_space<vmem_shared>> -> memref<32x128xf32, #tpu.memory_space<vmem_shared>>
      tpu.wait_dma2 semaphore(%run_scoped3A : memref<!tpu.dma_semaphore, #tpu.memory_space<semaphore_mem>>) src(%arg9 : memref<32x128xf32, #tpu.memory_space<vmem>>) dst(%dma_wait3A_140 : memref<32x128xf32, #tpu.memory_space<vmem_shared>>)
      tpu.yield
    }) : () -> ()
    %mul3A_47 = arith.constant 640 : i32
    %mul3A_48 = arith.muli %arg1, %mul3A_47 : i32
    %add3A_49 = arith.constant 128 : i32
    %add3A_50 = arith.addi %mul3A_48, %add3A_49 : i32
    "tpu.region"() ({
      %run_scoped3A = tpu.sem_alloc : memref<!tpu.dma_semaphore, #tpu.memory_space<semaphore_mem>>
      %dma_start3A_133 = arith.constant 0 : i32
      %dma_start3A_134 = tpu.memref_slice %arg10[%add3A_50, %dma_start3A_133] : memref<10240x128xf32, #tpu.memory_space<vmem_shared>> -> memref<32x128xf32, #tpu.memory_space<vmem_shared>>
      %dma_start3A_135 = arith.constant 0 : i32
      %dma_start3A_136 = tpu.memref_slice %arg10[%add3A_50, %dma_start3A_135] : memref<10240x128xf32, #tpu.memory_space<vmem_shared>> -> memref<32x128xf32, #tpu.memory_space<vmem_shared>>
      tpu.enqueue_dma source(%arg9 : memref<32x128xf32, #tpu.memory_space<vmem>>) target(%dma_start3A_136 : memref<32x128xf32, #tpu.memory_space<vmem_shared>>) target_semaphore(%run_scoped3A : memref<!tpu.dma_semaphore, #tpu.memory_space<semaphore_mem>>)
      %dma_wait3A_137 = arith.constant 0 : i32
      %dma_wait3A_138 = tpu.memref_slice %arg10[%add3A_50, %dma_wait3A_137] : memref<10240x128xf32, #tpu.memory_space<vmem_shared>> -> memref<32x128xf32, #tpu.memory_space<vmem_shared>>
      %dma_wait3A_139 = arith.constant 0 : i32
      %dma_wait3A_140 = tpu.memref_slice %arg10[%add3A_50, %dma_wait3A_139] : memref<10240x128xf32, #tpu.memory_space<vmem_shared>> -> memref<32x128xf32, #tpu.memory_space<vmem_shared>>
      tpu.wait_dma2 semaphore(%run_scoped3A : memref<!tpu.dma_semaphore, #tpu.memory_space<semaphore_mem>>) src(%arg9 : memref<32x128xf32, #tpu.memory_space<vmem>>) dst(%dma_wait3A_140 : memref<32x128xf32, #tpu.memory_space<vmem_shared>>)
      tpu.yield
    }) : () -> ()
    %mul3A_51 = arith.constant 640 : i32
    %mul3A_52 = arith.muli %arg1, %mul3A_51 : i32
    %add3A_53 = arith.constant 160 : i32
    %add3A_54 = arith.addi %mul3A_52, %add3A_53 : i32
    "tpu.region"() ({
      %run_scoped3A = tpu.sem_alloc : memref<!tpu.dma_semaphore, #tpu.memory_space<semaphore_mem>>
      %dma_start3A_133 = arith.constant 0 : i32
      %dma_start3A_134 = tpu.memref_slice %arg10[%add3A_54, %dma_start3A_133] : memref<10240x128xf32, #tpu.memory_space<vmem_shared>> -> memref<32x128xf32, #tpu.memory_space<vmem_shared>>
      %dma_start3A_135 = arith.constant 0 : i32
      %dma_start3A_136 = tpu.memref_slice %arg10[%add3A_54, %dma_start3A_135] : memref<10240x128xf32, #tpu.memory_space<vmem_shared>> -> memref<32x128xf32, #tpu.memory_space<vmem_shared>>
      tpu.enqueue_dma source(%arg9 : memref<32x128xf32, #tpu.memory_space<vmem>>) target(%dma_start3A_136 : memref<32x128xf32, #tpu.memory_space<vmem_shared>>) target_semaphore(%run_scoped3A : memref<!tpu.dma_semaphore, #tpu.memory_space<semaphore_mem>>)
      %dma_wait3A_137 = arith.constant 0 : i32
      %dma_wait3A_138 = tpu.memref_slice %arg10[%add3A_54, %dma_wait3A_137] : memref<10240x128xf32, #tpu.memory_space<vmem_shared>> -> memref<32x128xf32, #tpu.memory_space<vmem_shared>>
      %dma_wait3A_139 = arith.constant 0 : i32
      %dma_wait3A_140 = tpu.memref_slice %arg10[%add3A_54, %dma_wait3A_139] : memref<10240x128xf32, #tpu.memory_space<vmem_shared>> -> memref<32x128xf32, #tpu.memory_space<vmem_shared>>
      tpu.wait_dma2 semaphore(%run_scoped3A : memref<!tpu.dma_semaphore, #tpu.memory_space<semaphore_mem>>) src(%arg9 : memref<32x128xf32, #tpu.memory_space<vmem>>) dst(%dma_wait3A_140 : memref<32x128xf32, #tpu.memory_space<vmem_shared>>)
      tpu.yield
    }) : () -> ()
    %mul3A_55 = arith.constant 640 : i32
    %mul3A_56 = arith.muli %arg1, %mul3A_55 : i32
    %add3A_57 = arith.constant 192 : i32
    %add3A_58 = arith.addi %mul3A_56, %add3A_57 : i32
    "tpu.region"() ({
      %run_scoped3A = tpu.sem_alloc : memref<!tpu.dma_semaphore, #tpu.memory_space<semaphore_mem>>
      %dma_start3A_133 = arith.constant 0 : i32
      %dma_start3A_134 = tpu.memref_slice %arg10[%add3A_58, %dma_start3A_133] : memref<10240x128xf32, #tpu.memory_space<vmem_shared>> -> memref<32x128xf32, #tpu.memory_space<vmem_shared>>
      %dma_start3A_135 = arith.constant 0 : i32
      %dma_start3A_136 = tpu.memref_slice %arg10[%add3A_58, %dma_start3A_135] : memref<10240x128xf32, #tpu.memory_space<vmem_shared>> -> memref<32x128xf32, #tpu.memory_space<vmem_shared>>
      tpu.enqueue_dma source(%arg9 : memref<32x128xf32, #tpu.memory_space<vmem>>) target(%dma_start3A_136 : memref<32x128xf32, #tpu.memory_space<vmem_shared>>) target_semaphore(%run_scoped3A : memref<!tpu.dma_semaphore, #tpu.memory_space<semaphore_mem>>)
      %dma_wait3A_137 = arith.constant 0 : i32
      %dma_wait3A_138 = tpu.memref_slice %arg10[%add3A_58, %dma_wait3A_137] : memref<10240x128xf32, #tpu.memory_space<vmem_shared>> -> memref<32x128xf32, #tpu.memory_space<vmem_shared>>
      %dma_wait3A_139 = arith.constant 0 : i32
      %dma_wait3A_140 = tpu.memref_slice %arg10[%add3A_58, %dma_wait3A_139] : memref<10240x128xf32, #tpu.memory_space<vmem_shared>> -> memref<32x128xf32, #tpu.memory_space<vmem_shared>>
      tpu.wait_dma2 semaphore(%run_scoped3A : memref<!tpu.dma_semaphore, #tpu.memory_space<semaphore_mem>>) src(%arg9 : memref<32x128xf32, #tpu.memory_space<vmem>>) dst(%dma_wait3A_140 : memref<32x128xf32, #tpu.memory_space<vmem_shared>>)
      tpu.yield
    }) : () -> ()
    %mul3A_59 = arith.constant 640 : i32
    %mul3A_60 = arith.muli %arg1, %mul3A_59 : i32
    %add3A_61 = arith.constant 224 : i32
    %add3A_62 = arith.addi %mul3A_60, %add3A_61 : i32
    "tpu.region"() ({
      %run_scoped3A = tpu.sem_alloc : memref<!tpu.dma_semaphore, #tpu.memory_space<semaphore_mem>>
      %dma_start3A_133 = arith.constant 0 : i32
      %dma_start3A_134 = tpu.memref_slice %arg10[%add3A_62, %dma_start3A_133] : memref<10240x128xf32, #tpu.memory_space<vmem_shared>> -> memref<32x128xf32, #tpu.memory_space<vmem_shared>>
      %dma_start3A_135 = arith.constant 0 : i32
      %dma_start3A_136 = tpu.memref_slice %arg10[%add3A_62, %dma_start3A_135] : memref<10240x128xf32, #tpu.memory_space<vmem_shared>> -> memref<32x128xf32, #tpu.memory_space<vmem_shared>>
      tpu.enqueue_dma source(%arg9 : memref<32x128xf32, #tpu.memory_space<vmem>>) target(%dma_start3A_136 : memref<32x128xf32, #tpu.memory_space<vmem_shared>>) target_semaphore(%run_scoped3A : memref<!tpu.dma_semaphore, #tpu.memory_space<semaphore_mem>>)
      %dma_wait3A_137 = arith.constant 0 : i32
      %dma_wait3A_138 = tpu.memref_slice %arg10[%add3A_62, %dma_wait3A_137] : memref<10240x128xf32, #tpu.memory_space<vmem_shared>> -> memref<32x128xf32, #tpu.memory_space<vmem_shared>>
      %dma_wait3A_139 = arith.constant 0 : i32
      %dma_wait3A_140 = tpu.memref_slice %arg10[%add3A_62, %dma_wait3A_139] : memref<10240x128xf32, #tpu.memory_space<vmem_shared>> -> memref<32x128xf32, #tpu.memory_space<vmem_shared>>
      tpu.wait_dma2 semaphore(%run_scoped3A : memref<!tpu.dma_semaphore, #tpu.memory_space<semaphore_mem>>) src(%arg9 : memref<32x128xf32, #tpu.memory_space<vmem>>) dst(%dma_wait3A_140 : memref<32x128xf32, #tpu.memory_space<vmem_shared>>)
      tpu.yield
    }) : () -> ()
    %mul3A_63 = arith.constant 640 : i32
    %mul3A_64 = arith.muli %arg1, %mul3A_63 : i32
    %add3A_65 = arith.constant 256 : i32
    %add3A_66 = arith.addi %mul3A_64, %add3A_65 : i32
    "tpu.region"() ({
      %run_scoped3A = tpu.sem_alloc : memref<!tpu.dma_semaphore, #tpu.memory_space<semaphore_mem>>
      %dma_start3A_133 = arith.constant 0 : i32
      %dma_start3A_134 = tpu.memref_slice %arg10[%add3A_66, %dma_start3A_133] : memref<10240x128xf32, #tpu.memory_space<vmem_shared>> -> memref<32x128xf32, #tpu.memory_space<vmem_shared>>
      %dma_start3A_135 = arith.constant 0 : i32
      %dma_start3A_136 = tpu.memref_slice %arg10[%add3A_66, %dma_start3A_135] : memref<10240x128xf32, #tpu.memory_space<vmem_shared>> -> memref<32x128xf32, #tpu.memory_space<vmem_shared>>
      tpu.enqueue_dma source(%arg9 : memref<32x128xf32, #tpu.memory_space<vmem>>) target(%dma_start3A_136 : memref<32x128xf32, #tpu.memory_space<vmem_shared>>) target_semaphore(%run_scoped3A : memref<!tpu.dma_semaphore, #tpu.memory_space<semaphore_mem>>)
      %dma_wait3A_137 = arith.constant 0 : i32
      %dma_wait3A_138 = tpu.memref_slice %arg10[%add3A_66, %dma_wait3A_137] : memref<10240x128xf32, #tpu.memory_space<vmem_shared>> -> memref<32x128xf32, #tpu.memory_space<vmem_shared>>
      %dma_wait3A_139 = arith.constant 0 : i32
      %dma_wait3A_140 = tpu.memref_slice %arg10[%add3A_66, %dma_wait3A_139] : memref<10240x128xf32, #tpu.memory_space<vmem_shared>> -> memref<32x128xf32, #tpu.memory_space<vmem_shared>>
      tpu.wait_dma2 semaphore(%run_scoped3A : memref<!tpu.dma_semaphore, #tpu.memory_space<semaphore_mem>>) src(%arg9 : memref<32x128xf32, #tpu.memory_space<vmem>>) dst(%dma_wait3A_140 : memref<32x128xf32, #tpu.memory_space<vmem_shared>>)
      tpu.yield
    }) : () -> ()
    %mul3A_67 = arith.constant 640 : i32
    %mul3A_68 = arith.muli %arg1, %mul3A_67 : i32
    %add3A_69 = arith.constant 288 : i32
    %add3A_70 = arith.addi %mul3A_68, %add3A_69 : i32
    "tpu.region"() ({
      %run_scoped3A = tpu.sem_alloc : memref<!tpu.dma_semaphore, #tpu.memory_space<semaphore_mem>>
      %dma_start3A_133 = arith.constant 0 : i32
      %dma_start3A_134 = tpu.memref_slice %arg10[%add3A_70, %dma_start3A_133] : memref<10240x128xf32, #tpu.memory_space<vmem_shared>> -> memref<32x128xf32, #tpu.memory_space<vmem_shared>>
      %dma_start3A_135 = arith.constant 0 : i32
      %dma_start3A_136 = tpu.memref_slice %arg10[%add3A_70, %dma_start3A_135] : memref<10240x128xf32, #tpu.memory_space<vmem_shared>> -> memref<32x128xf32, #tpu.memory_space<vmem_shared>>
      tpu.enqueue_dma source(%arg9 : memref<32x128xf32, #tpu.memory_space<vmem>>) target(%dma_start3A_136 : memref<32x128xf32, #tpu.memory_space<vmem_shared>>) target_semaphore(%run_scoped3A : memref<!tpu.dma_semaphore, #tpu.memory_space<semaphore_mem>>)
      %dma_wait3A_137 = arith.constant 0 : i32
      %dma_wait3A_138 = tpu.memref_slice %arg10[%add3A_70, %dma_wait3A_137] : memref<10240x128xf32, #tpu.memory_space<vmem_shared>> -> memref<32x128xf32, #tpu.memory_space<vmem_shared>>
      %dma_wait3A_139 = arith.constant 0 : i32
      %dma_wait3A_140 = tpu.memref_slice %arg10[%add3A_70, %dma_wait3A_139] : memref<10240x128xf32, #tpu.memory_space<vmem_shared>> -> memref<32x128xf32, #tpu.memory_space<vmem_shared>>
      tpu.wait_dma2 semaphore(%run_scoped3A : memref<!tpu.dma_semaphore, #tpu.memory_space<semaphore_mem>>) src(%arg9 : memref<32x128xf32, #tpu.memory_space<vmem>>) dst(%dma_wait3A_140 : memref<32x128xf32, #tpu.memory_space<vmem_shared>>)
      tpu.yield
    }) : () -> ()
    %mul3A_71 = arith.constant 640 : i32
    %mul3A_72 = arith.muli %arg1, %mul3A_71 : i32
    %add3A_73 = arith.constant 320 : i32
    %add3A_74 = arith.addi %mul3A_72, %add3A_73 : i32
    "tpu.region"() ({
      %run_scoped3A = tpu.sem_alloc : memref<!tpu.dma_semaphore, #tpu.memory_space<semaphore_mem>>
      %dma_start3A_133 = arith.constant 0 : i32
      %dma_start3A_134 = tpu.memref_slice %arg10[%add3A_74, %dma_start3A_133] : memref<10240x128xf32, #tpu.memory_space<vmem_shared>> -> memref<32x128xf32, #tpu.memory_space<vmem_shared>>
      %dma_start3A_135 = arith.constant 0 : i32
      %dma_start3A_136 = tpu.memref_slice %arg10[%add3A_74, %dma_start3A_135] : memref<10240x128xf32, #tpu.memory_space<vmem_shared>> -> memref<32x128xf32, #tpu.memory_space<vmem_shared>>
      tpu.enqueue_dma source(%arg9 : memref<32x128xf32, #tpu.memory_space<vmem>>) target(%dma_start3A_136 : memref<32x128xf32, #tpu.memory_space<vmem_shared>>) target_semaphore(%run_scoped3A : memref<!tpu.dma_semaphore, #tpu.memory_space<semaphore_mem>>)
      %dma_wait3A_137 = arith.constant 0 : i32
      %dma_wait3A_138 = tpu.memref_slice %arg10[%add3A_74, %dma_wait3A_137] : memref<10240x128xf32, #tpu.memory_space<vmem_shared>> -> memref<32x128xf32, #tpu.memory_space<vmem_shared>>
      %dma_wait3A_139 = arith.constant 0 : i32
      %dma_wait3A_140 = tpu.memref_slice %arg10[%add3A_74, %dma_wait3A_139] : memref<10240x128xf32, #tpu.memory_space<vmem_shared>> -> memref<32x128xf32, #tpu.memory_space<vmem_shared>>
      tpu.wait_dma2 semaphore(%run_scoped3A : memref<!tpu.dma_semaphore, #tpu.memory_space<semaphore_mem>>) src(%arg9 : memref<32x128xf32, #tpu.memory_space<vmem>>) dst(%dma_wait3A_140 : memref<32x128xf32, #tpu.memory_space<vmem_shared>>)
      tpu.yield
    }) : () -> ()
    %mul3A_75 = arith.constant 640 : i32
    %mul3A_76 = arith.muli %arg1, %mul3A_75 : i32
    %add3A_77 = arith.constant 352 : i32
    %add3A_78 = arith.addi %mul3A_76, %add3A_77 : i32
    "tpu.region"() ({
      %run_scoped3A = tpu.sem_alloc : memref<!tpu.dma_semaphore, #tpu.memory_space<semaphore_mem>>
      %dma_start3A_133 = arith.constant 0 : i32
      %dma_start3A_134 = tpu.memref_slice %arg10[%add3A_78, %dma_start3A_133] : memref<10240x128xf32, #tpu.memory_space<vmem_shared>> -> memref<32x128xf32, #tpu.memory_space<vmem_shared>>
      %dma_start3A_135 = arith.constant 0 : i32
      %dma_start3A_136 = tpu.memref_slice %arg10[%add3A_78, %dma_start3A_135] : memref<10240x128xf32, #tpu.memory_space<vmem_shared>> -> memref<32x128xf32, #tpu.memory_space<vmem_shared>>
      tpu.enqueue_dma source(%arg9 : memref<32x128xf32, #tpu.memory_space<vmem>>) target(%dma_start3A_136 : memref<32x128xf32, #tpu.memory_space<vmem_shared>>) target_semaphore(%run_scoped3A : memref<!tpu.dma_semaphore, #tpu.memory_space<semaphore_mem>>)
      %dma_wait3A_137 = arith.constant 0 : i32
      %dma_wait3A_138 = tpu.memref_slice %arg10[%add3A_78, %dma_wait3A_137] : memref<10240x128xf32, #tpu.memory_space<vmem_shared>> -> memref<32x128xf32, #tpu.memory_space<vmem_shared>>
      %dma_wait3A_139 = arith.constant 0 : i32
      %dma_wait3A_140 = tpu.memref_slice %arg10[%add3A_78, %dma_wait3A_139] : memref<10240x128xf32, #tpu.memory_space<vmem_shared>> -> memref<32x128xf32, #tpu.memory_space<vmem_shared>>
      tpu.wait_dma2 semaphore(%run_scoped3A : memref<!tpu.dma_semaphore, #tpu.memory_space<semaphore_mem>>) src(%arg9 : memref<32x128xf32, #tpu.memory_space<vmem>>) dst(%dma_wait3A_140 : memref<32x128xf32, #tpu.memory_space<vmem_shared>>)
      tpu.yield
    }) : () -> ()
    %mul3A_79 = arith.constant 640 : i32
    %mul3A_80 = arith.muli %arg1, %mul3A_79 : i32
    %add3A_81 = arith.constant 384 : i32
    %add3A_82 = arith.addi %mul3A_80, %add3A_81 : i32
    "tpu.region"() ({
      %run_scoped3A = tpu.sem_alloc : memref<!tpu.dma_semaphore, #tpu.memory_space<semaphore_mem>>
      %dma_start3A_133 = arith.constant 0 : i32
      %dma_start3A_134 = tpu.memref_slice %arg10[%add3A_82, %dma_start3A_133] : memref<10240x128xf32, #tpu.memory_space<vmem_shared>> -> memref<32x128xf32, #tpu.memory_space<vmem_shared>>
      %dma_start3A_135 = arith.constant 0 : i32
      %dma_start3A_136 = tpu.memref_slice %arg10[%add3A_82, %dma_start3A_135] : memref<10240x128xf32, #tpu.memory_space<vmem_shared>> -> memref<32x128xf32, #tpu.memory_space<vmem_shared>>
      tpu.enqueue_dma source(%arg9 : memref<32x128xf32, #tpu.memory_space<vmem>>) target(%dma_start3A_136 : memref<32x128xf32, #tpu.memory_space<vmem_shared>>) target_semaphore(%run_scoped3A : memref<!tpu.dma_semaphore, #tpu.memory_space<semaphore_mem>>)
      %dma_wait3A_137 = arith.constant 0 : i32
      %dma_wait3A_138 = tpu.memref_slice %arg10[%add3A_82, %dma_wait3A_137] : memref<10240x128xf32, #tpu.memory_space<vmem_shared>> -> memref<32x128xf32, #tpu.memory_space<vmem_shared>>
      %dma_wait3A_139 = arith.constant 0 : i32
      %dma_wait3A_140 = tpu.memref_slice %arg10[%add3A_82, %dma_wait3A_139] : memref<10240x128xf32, #tpu.memory_space<vmem_shared>> -> memref<32x128xf32, #tpu.memory_space<vmem_shared>>
      tpu.wait_dma2 semaphore(%run_scoped3A : memref<!tpu.dma_semaphore, #tpu.memory_space<semaphore_mem>>) src(%arg9 : memref<32x128xf32, #tpu.memory_space<vmem>>) dst(%dma_wait3A_140 : memref<32x128xf32, #tpu.memory_space<vmem_shared>>)
      tpu.yield
    }) : () -> ()
    %mul3A_83 = arith.constant 640 : i32
    %mul3A_84 = arith.muli %arg1, %mul3A_83 : i32
    %add3A_85 = arith.constant 416 : i32
    %add3A_86 = arith.addi %mul3A_84, %add3A_85 : i32
    "tpu.region"() ({
      %run_scoped3A = tpu.sem_alloc : memref<!tpu.dma_semaphore, #tpu.memory_space<semaphore_mem>>
      %dma_start3A_133 = arith.constant 0 : i32
      %dma_start3A_134 = tpu.memref_slice %arg10[%add3A_86, %dma_start3A_133] : memref<10240x128xf32, #tpu.memory_space<vmem_shared>> -> memref<32x128xf32, #tpu.memory_space<vmem_shared>>
      %dma_start3A_135 = arith.constant 0 : i32
      %dma_start3A_136 = tpu.memref_slice %arg10[%add3A_86, %dma_start3A_135] : memref<10240x128xf32, #tpu.memory_space<vmem_shared>> -> memref<32x128xf32, #tpu.memory_space<vmem_shared>>
      tpu.enqueue_dma source(%arg9 : memref<32x128xf32, #tpu.memory_space<vmem>>) target(%dma_start3A_136 : memref<32x128xf32, #tpu.memory_space<vmem_shared>>) target_semaphore(%run_scoped3A : memref<!tpu.dma_semaphore, #tpu.memory_space<semaphore_mem>>)
      %dma_wait3A_137 = arith.constant 0 : i32
      %dma_wait3A_138 = tpu.memref_slice %arg10[%add3A_86, %dma_wait3A_137] : memref<10240x128xf32, #tpu.memory_space<vmem_shared>> -> memref<32x128xf32, #tpu.memory_space<vmem_shared>>
      %dma_wait3A_139 = arith.constant 0 : i32
      %dma_wait3A_140 = tpu.memref_slice %arg10[%add3A_86, %dma_wait3A_139] : memref<10240x128xf32, #tpu.memory_space<vmem_shared>> -> memref<32x128xf32, #tpu.memory_space<vmem_shared>>
      tpu.wait_dma2 semaphore(%run_scoped3A : memref<!tpu.dma_semaphore, #tpu.memory_space<semaphore_mem>>) src(%arg9 : memref<32x128xf32, #tpu.memory_space<vmem>>) dst(%dma_wait3A_140 : memref<32x128xf32, #tpu.memory_space<vmem_shared>>)
      tpu.yield
    }) : () -> ()
    %mul3A_87 = arith.constant 640 : i32
    %mul3A_88 = arith.muli %arg1, %mul3A_87 : i32
    %add3A_89 = arith.constant 448 : i32
    %add3A_90 = arith.addi %mul3A_88, %add3A_89 : i32
    "tpu.region"() ({
      %run_scoped3A = tpu.sem_alloc : memref<!tpu.dma_semaphore, #tpu.memory_space<semaphore_mem>>
      %dma_start3A_133 = arith.constant 0 : i32
      %dma_start3A_134 = tpu.memref_slice %arg10[%add3A_90, %dma_start3A_133] : memref<10240x128xf32, #tpu.memory_space<vmem_shared>> -> memref<32x128xf32, #tpu.memory_space<vmem_shared>>
      %dma_start3A_135 = arith.constant 0 : i32
      %dma_start3A_136 = tpu.memref_slice %arg10[%add3A_90, %dma_start3A_135] : memref<10240x128xf32, #tpu.memory_space<vmem_shared>> -> memref<32x128xf32, #tpu.memory_space<vmem_shared>>
      tpu.enqueue_dma source(%arg9 : memref<32x128xf32, #tpu.memory_space<vmem>>) target(%dma_start3A_136 : memref<32x128xf32, #tpu.memory_space<vmem_shared>>) target_semaphore(%run_scoped3A : memref<!tpu.dma_semaphore, #tpu.memory_space<semaphore_mem>>)
      %dma_wait3A_137 = arith.constant 0 : i32
      %dma_wait3A_138 = tpu.memref_slice %arg10[%add3A_90, %dma_wait3A_137] : memref<10240x128xf32, #tpu.memory_space<vmem_shared>> -> memref<32x128xf32, #tpu.memory_space<vmem_shared>>
      %dma_wait3A_139 = arith.constant 0 : i32
      %dma_wait3A_140 = tpu.memref_slice %arg10[%add3A_90, %dma_wait3A_139] : memref<10240x128xf32, #tpu.memory_space<vmem_shared>> -> memref<32x128xf32, #tpu.memory_space<vmem_shared>>
      tpu.wait_dma2 semaphore(%run_scoped3A : memref<!tpu.dma_semaphore, #tpu.memory_space<semaphore_mem>>) src(%arg9 : memref<32x128xf32, #tpu.memory_space<vmem>>) dst(%dma_wait3A_140 : memref<32x128xf32, #tpu.memory_space<vmem_shared>>)
      tpu.yield
    }) : () -> ()
    %mul3A_91 = arith.constant 640 : i32
    %mul3A_92 = arith.muli %arg1, %mul3A_91 : i32
    %add3A_93 = arith.constant 480 : i32
    %add3A_94 = arith.addi %mul3A_92, %add3A_93 : i32
    "tpu.region"() ({
      %run_scoped3A = tpu.sem_alloc : memref<!tpu.dma_semaphore, #tpu.memory_space<semaphore_mem>>
      %dma_start3A_133 = arith.constant 0 : i32
      %dma_start3A_134 = tpu.memref_slice %arg10[%add3A_94, %dma_start3A_133] : memref<10240x128xf32, #tpu.memory_space<vmem_shared>> -> memref<32x128xf32, #tpu.memory_space<vmem_shared>>
      %dma_start3A_135 = arith.constant 0 : i32
      %dma_start3A_136 = tpu.memref_slice %arg10[%add3A_94, %dma_start3A_135] : memref<10240x128xf32, #tpu.memory_space<vmem_shared>> -> memref<32x128xf32, #tpu.memory_space<vmem_shared>>
      tpu.enqueue_dma source(%arg9 : memref<32x128xf32, #tpu.memory_space<vmem>>) target(%dma_start3A_136 : memref<32x128xf32, #tpu.memory_space<vmem_shared>>) target_semaphore(%run_scoped3A : memref<!tpu.dma_semaphore, #tpu.memory_space<semaphore_mem>>)
      %dma_wait3A_137 = arith.constant 0 : i32
      %dma_wait3A_138 = tpu.memref_slice %arg10[%add3A_94, %dma_wait3A_137] : memref<10240x128xf32, #tpu.memory_space<vmem_shared>> -> memref<32x128xf32, #tpu.memory_space<vmem_shared>>
      %dma_wait3A_139 = arith.constant 0 : i32
      %dma_wait3A_140 = tpu.memref_slice %arg10[%add3A_94, %dma_wait3A_139] : memref<10240x128xf32, #tpu.memory_space<vmem_shared>> -> memref<32x128xf32, #tpu.memory_space<vmem_shared>>
      tpu.wait_dma2 semaphore(%run_scoped3A : memref<!tpu.dma_semaphore, #tpu.memory_space<semaphore_mem>>) src(%arg9 : memref<32x128xf32, #tpu.memory_space<vmem>>) dst(%dma_wait3A_140 : memref<32x128xf32, #tpu.memory_space<vmem_shared>>)
      tpu.yield
    }) : () -> ()
    %mul3A_95 = arith.constant 640 : i32
    %mul3A_96 = arith.muli %arg1, %mul3A_95 : i32
    %add3A_97 = arith.constant 512 : i32
    %add3A_98 = arith.addi %mul3A_96, %add3A_97 : i32
    "tpu.region"() ({
      %run_scoped3A = tpu.sem_alloc : memref<!tpu.dma_semaphore, #tpu.memory_space<semaphore_mem>>
      %dma_start3A_133 = arith.constant 0 : i32
      %dma_start3A_134 = tpu.memref_slice %arg10[%add3A_98, %dma_start3A_133] : memref<10240x128xf32, #tpu.memory_space<vmem_shared>> -> memref<32x128xf32, #tpu.memory_space<vmem_shared>>
      %dma_start3A_135 = arith.constant 0 : i32
      %dma_start3A_136 = tpu.memref_slice %arg10[%add3A_98, %dma_start3A_135] : memref<10240x128xf32, #tpu.memory_space<vmem_shared>> -> memref<32x128xf32, #tpu.memory_space<vmem_shared>>
      tpu.enqueue_dma source(%arg9 : memref<32x128xf32, #tpu.memory_space<vmem>>) target(%dma_start3A_136 : memref<32x128xf32, #tpu.memory_space<vmem_shared>>) target_semaphore(%run_scoped3A : memref<!tpu.dma_semaphore, #tpu.memory_space<semaphore_mem>>)
      %dma_wait3A_137 = arith.constant 0 : i32
      %dma_wait3A_138 = tpu.memref_slice %arg10[%add3A_98, %dma_wait3A_137] : memref<10240x128xf32, #tpu.memory_space<vmem_shared>> -> memref<32x128xf32, #tpu.memory_space<vmem_shared>>
      %dma_wait3A_139 = arith.constant 0 : i32
      %dma_wait3A_140 = tpu.memref_slice %arg10[%add3A_98, %dma_wait3A_139] : memref<10240x128xf32, #tpu.memory_space<vmem_shared>> -> memref<32x128xf32, #tpu.memory_space<vmem_shared>>
      tpu.wait_dma2 semaphore(%run_scoped3A : memref<!tpu.dma_semaphore, #tpu.memory_space<semaphore_mem>>) src(%arg9 : memref<32x128xf32, #tpu.memory_space<vmem>>) dst(%dma_wait3A_140 : memref<32x128xf32, #tpu.memory_space<vmem_shared>>)
      tpu.yield
    }) : () -> ()
    %mul3A_99 = arith.constant 640 : i32
    %mul3A_100 = arith.muli %arg1, %mul3A_99 : i32
    %add3A_101 = arith.constant 544 : i32
    %add3A_102 = arith.addi %mul3A_100, %add3A_101 : i32
    "tpu.region"() ({
      %run_scoped3A = tpu.sem_alloc : memref<!tpu.dma_semaphore, #tpu.memory_space<semaphore_mem>>
      %dma_start3A_133 = arith.constant 0 : i32
      %dma_start3A_134 = tpu.memref_slice %arg10[%add3A_102, %dma_start3A_133] : memref<10240x128xf32, #tpu.memory_space<vmem_shared>> -> memref<32x128xf32, #tpu.memory_space<vmem_shared>>
      %dma_start3A_135 = arith.constant 0 : i32
      %dma_start3A_136 = tpu.memref_slice %arg10[%add3A_102, %dma_start3A_135] : memref<10240x128xf32, #tpu.memory_space<vmem_shared>> -> memref<32x128xf32, #tpu.memory_space<vmem_shared>>
      tpu.enqueue_dma source(%arg9 : memref<32x128xf32, #tpu.memory_space<vmem>>) target(%dma_start3A_136 : memref<32x128xf32, #tpu.memory_space<vmem_shared>>) target_semaphore(%run_scoped3A : memref<!tpu.dma_semaphore, #tpu.memory_space<semaphore_mem>>)
      %dma_wait3A_137 = arith.constant 0 : i32
      %dma_wait3A_138 = tpu.memref_slice %arg10[%add3A_102, %dma_wait3A_137] : memref<10240x128xf32, #tpu.memory_space<vmem_shared>> -> memref<32x128xf32, #tpu.memory_space<vmem_shared>>
      %dma_wait3A_139 = arith.constant 0 : i32
      %dma_wait3A_140 = tpu.memref_slice %arg10[%add3A_102, %dma_wait3A_139] : memref<10240x128xf32, #tpu.memory_space<vmem_shared>> -> memref<32x128xf32, #tpu.memory_space<vmem_shared>>
      tpu.wait_dma2 semaphore(%run_scoped3A : memref<!tpu.dma_semaphore, #tpu.memory_space<semaphore_mem>>) src(%arg9 : memref<32x128xf32, #tpu.memory_space<vmem>>) dst(%dma_wait3A_140 : memref<32x128xf32, #tpu.memory_space<vmem_shared>>)
      tpu.yield
    }) : () -> ()
    %mul3A_103 = arith.constant 640 : i32
    %mul3A_104 = arith.muli %arg1, %mul3A_103 : i32
    %add3A_105 = arith.constant 576 : i32
    %add3A_106 = arith.addi %mul3A_104, %add3A_105 : i32
    "tpu.region"() ({
      %run_scoped3A = tpu.sem_alloc : memref<!tpu.dma_semaphore, #tpu.memory_space<semaphore_mem>>
      %dma_start3A_133 = arith.constant 0 : i32
      %dma_start3A_134 = tpu.memref_slice %arg10[%add3A_106, %dma_start3A_133] : memref<10240x128xf32, #tpu.memory_space<vmem_shared>> -> memref<32x128xf32, #tpu.memory_space<vmem_shared>>
      %dma_start3A_135 = arith.constant 0 : i32
      %dma_start3A_136 = tpu.memref_slice %arg10[%add3A_106, %dma_start3A_135] : memref<10240x128xf32, #tpu.memory_space<vmem_shared>> -> memref<32x128xf32, #tpu.memory_space<vmem_shared>>
      tpu.enqueue_dma source(%arg9 : memref<32x128xf32, #tpu.memory_space<vmem>>) target(%dma_start3A_136 : memref<32x128xf32, #tpu.memory_space<vmem_shared>>) target_semaphore(%run_scoped3A : memref<!tpu.dma_semaphore, #tpu.memory_space<semaphore_mem>>)
      %dma_wait3A_137 = arith.constant 0 : i32
      %dma_wait3A_138 = tpu.memref_slice %arg10[%add3A_106, %dma_wait3A_137] : memref<10240x128xf32, #tpu.memory_space<vmem_shared>> -> memref<32x128xf32, #tpu.memory_space<vmem_shared>>
      %dma_wait3A_139 = arith.constant 0 : i32
      %dma_wait3A_140 = tpu.memref_slice %arg10[%add3A_106, %dma_wait3A_139] : memref<10240x128xf32, #tpu.memory_space<vmem_shared>> -> memref<32x128xf32, #tpu.memory_space<vmem_shared>>
      tpu.wait_dma2 semaphore(%run_scoped3A : memref<!tpu.dma_semaphore, #tpu.memory_space<semaphore_mem>>) src(%arg9 : memref<32x128xf32, #tpu.memory_space<vmem>>) dst(%dma_wait3A_140 : memref<32x128xf32, #tpu.memory_space<vmem_shared>>)
      tpu.yield
    }) : () -> ()
    %mul3A_107 = arith.constant 640 : i32
    %mul3A_108 = arith.muli %arg1, %mul3A_107 : i32
    %add3A_109 = arith.constant 608 : i32
    %add3A_110 = arith.addi %mul3A_108, %add3A_109 : i32
    "tpu.region"() ({
      %run_scoped3A = tpu.sem_alloc : memref<!tpu.dma_semaphore, #tpu.memory_space<semaphore_mem>>
      %dma_start3A_133 = arith.constant 0 : i32
      %dma_start3A_134 = tpu.memref_slice %arg10[%add3A_110, %dma_start3A_133] : memref<10240x128xf32, #tpu.memory_space<vmem_shared>> -> memref<32x128xf32, #tpu.memory_space<vmem_shared>>
      %dma_start3A_135 = arith.constant 0 : i32
      %dma_start3A_136 = tpu.memref_slice %arg10[%add3A_110, %dma_start3A_135] : memref<10240x128xf32, #tpu.memory_space<vmem_shared>> -> memref<32x128xf32, #tpu.memory_space<vmem_shared>>
      tpu.enqueue_dma source(%arg9 : memref<32x128xf32, #tpu.memory_space<vmem>>) target(%dma_start3A_136 : memref<32x128xf32, #tpu.memory_space<vmem_shared>>) target_semaphore(%run_scoped3A : memref<!tpu.dma_semaphore, #tpu.memory_space<semaphore_mem>>)
      %dma_wait3A_137 = arith.constant 0 : i32
      %dma_wait3A_138 = tpu.memref_slice %arg10[%add3A_110, %dma_wait3A_137] : memref<10240x128xf32, #tpu.memory_space<vmem_shared>> -> memref<32x128xf32, #tpu.memory_space<vmem_shared>>
      %dma_wait3A_139 = arith.constant 0 : i32
      %dma_wait3A_140 = tpu.memref_slice %arg10[%add3A_110, %dma_wait3A_139] : memref<10240x128xf32, #tpu.memory_space<vmem_shared>> -> memref<32x128xf32, #tpu.memory_space<vmem_shared>>
      tpu.wait_dma2 semaphore(%run_scoped3A : memref<!tpu.dma_semaphore, #tpu.memory_space<semaphore_mem>>) src(%arg9 : memref<32x128xf32, #tpu.memory_space<vmem>>) dst(%dma_wait3A_140 : memref<32x128xf32, #tpu.memory_space<vmem_shared>>)
      tpu.yield
    }) : () -> ()
    %barrier3A = arith.constant 0 : index
    tpu.barrier barrier_id(%barrier3A)
    %scan3A_111 = arith.constant 0 : i32
    %scan3A_112 = arith.constant 0 : i32
    %scan3A_113 = arith.constant 20 : i32
    %scan3A_114 = arith.addi %scan3A_112, %scan3A_113 : i32
    %scan3A_115 = arith.constant 1 : i32
    scf.for %scan3A_133 = %scan3A_112 to %scan3A_114 step %scan3A_115  : i32 {
      %mul3A_134 = arith.constant 2 : i32
      %mul3A_135 = arith.muli %mul3A_134, %scan3A_133 : i32
      %add3A_136 = arith.constant 0 : i32
      %add3A_137 = arith.addi %mul3A_135, %add3A_136 : i32
      %gt3A = arith.constant 0 : i32
      %gt3A_138 = arith.cmpi sgt, %scan3A_133, %gt3A : i32
      %or3A = arith.constant false
      %or3A_139 = arith.ori %gt3A_138, %or3A : i1
      %convert_element_type3A = arith.extui %or3A_139 : i1 to i32
      %cond3A = arith.constant 0 : i32
      %cond3A_140 = arith.cmpi ne, %convert_element_type3A, %cond3A : i32
      scf.if %cond3A_140 {
        %sub3A = arith.constant 1 : i32
        %sub3A_218 = arith.subi %add3A_137, %sub3A : i32
        %dma_wait3A_219 = arith.constant 1 : i32
        %dma_wait3A_220 = arith.constant 0 : i32
        %dma_wait3A_221 = arith.constant 0 : i32
        %dma_wait3A_222 = tpu.memref_slice %arg8[%dma_wait3A_219, %dma_wait3A_220, %dma_wait3A_221] : memref<2x128x128xf32, #tpu.memory_space<vmem>> -> memref<1x128x128xf32, #tpu.memory_space<vmem>>
        %dma_wait3A_223 = tpu.memref_squeeze %dma_wait3A_222 : memref<1x128x128xf32, #tpu.memory_space<vmem>> -> memref<128x128xf32, #tpu.memory_space<vmem>>
        %dma_wait3A_224 = arith.constant 0 : i32
        %dma_wait3A_225 = tpu.memref_slice %arg7[%sub3A_218, %dma_wait3A_224] : memref<40x128xi32, #tpu.memory_space<vmem>> -> memref<1x128xi32, #tpu.memory_space<vmem>>
        %dma_wait3A_226 = tpu.memref_squeeze %dma_wait3A_225 : memref<1x128xi32, #tpu.memory_space<vmem>> -> memref<128xi32, #tpu.memory_space<vmem>>
        %dma_wait3A_227 = arith.constant 0 : i32
        %dma_wait3A_228 = arith.constant 0 : i32
        %dma_wait3A_229 = tpu.memref_slice %arg10[%dma_wait3A_227, %dma_wait3A_228] : memref<10240x128xf32, #tpu.memory_space<vmem_shared>> -> memref<10240x128xf32, #tpu.memory_space<vmem_shared>>
        tpu.wait_indirect_dma semaphore(%arg14 : memref<!tpu.dma_semaphore, #tpu.memory_space<semaphore_mem>>) src(%dma_wait3A_223 : memref<128x128xf32, #tpu.memory_space<vmem>>) dst(%dma_wait3A_229 : memref<10240x128xf32, #tpu.memory_space<vmem_shared>>)
      } else {
      }
      %gt3A_141 = arith.constant 0 : i32
      %gt3A_142 = arith.cmpi sgt, %scan3A_133, %gt3A_141 : i32
      %or3A_143 = arith.constant false
      %or3A_144 = arith.ori %gt3A_142, %or3A_143 : i1
      %lt3A = arith.constant 19 : i32
      %lt3A_145 = arith.cmpi slt, %scan3A_133, %lt3A : i32
      %or3A_146 = arith.constant true
      %or3A_147 = arith.ori %lt3A_145, %or3A_146 : i1
      %and3A = arith.andi %or3A_144, %or3A_147 : i1
      %convert_element_type3A_148 = arith.extui %and3A : i1 to i32
      %cond3A_149 = arith.constant 0 : i32
      %cond3A_150 = arith.cmpi ne, %convert_element_type3A_148, %cond3A_149 : i32
      scf.if %cond3A_150 {
        %add3A_218 = arith.constant 1 : i32
        %add3A_219 = arith.addi %add3A_137, %add3A_218 : i32
        %dma_start3A_220 = arith.constant 1 : i32
        %dma_start3A_221 = arith.constant 0 : i32
        %dma_start3A_222 = arith.constant 0 : i32
        %dma_start3A_223 = tpu.memref_slice %arg8[%dma_start3A_220, %dma_start3A_221, %dma_start3A_222] : memref<2x128x128xf32, #tpu.memory_space<vmem>> -> memref<1x128x128xf32, #tpu.memory_space<vmem>>
        %dma_start3A_224 = tpu.memref_squeeze %dma_start3A_223 : memref<1x128x128xf32, #tpu.memory_space<vmem>> -> memref<128x128xf32, #tpu.memory_space<vmem>>
        %dma_start3A_225 = arith.constant 0 : i32
        %dma_start3A_226 = tpu.memref_slice %arg6[%add3A_219, %dma_start3A_225] : memref<40x128xi32, #tpu.memory_space<vmem>> -> memref<1x128xi32, #tpu.memory_space<vmem>>
        %dma_start3A_227 = tpu.memref_squeeze %dma_start3A_226 : memref<1x128xi32, #tpu.memory_space<vmem>> -> memref<128xi32, #tpu.memory_space<vmem>>
        %dma_start3A_228 = arith.constant 0 : i32
        %dma_start3A_229 = arith.constant 0 : i32
        %dma_start3A_230 = tpu.memref_slice %arg2[%dma_start3A_228, %dma_start3A_229] : memref<270000x128xf32, #tpu.memory_space<hbm>> -> memref<270000x128xf32, #tpu.memory_space<hbm>>
        tpu.enqueue_indirect_dma source(%dma_start3A_230 : memref<270000x128xf32, #tpu.memory_space<hbm>>) target(%dma_start3A_224 : memref<128x128xf32, #tpu.memory_space<vmem>>) offsets(%dma_start3A_227 : memref<128xi32, #tpu.memory_space<vmem>>) semaphore(%arg12 : memref<!tpu.dma_semaphore, #tpu.memory_space<semaphore_mem>>)
      } else {
      }
      %dma_wait3A_151 = arith.constant 0 : i32
      %dma_wait3A_152 = arith.constant 0 : i32
      %dma_wait3A_153 = arith.constant 0 : i32
      %dma_wait3A_154 = tpu.memref_slice %arg8[%dma_wait3A_151, %dma_wait3A_152, %dma_wait3A_153] : memref<2x128x128xf32, #tpu.memory_space<vmem>> -> memref<1x128x128xf32, #tpu.memory_space<vmem>>
      %dma_wait3A_155 = tpu.memref_squeeze %dma_wait3A_154 : memref<1x128x128xf32, #tpu.memory_space<vmem>> -> memref<128x128xf32, #tpu.memory_space<vmem>>
      %dma_wait3A_156 = arith.constant 0 : i32
      %dma_wait3A_157 = tpu.memref_slice %arg6[%add3A_137, %dma_wait3A_156] : memref<40x128xi32, #tpu.memory_space<vmem>> -> memref<1x128xi32, #tpu.memory_space<vmem>>
      %dma_wait3A_158 = tpu.memref_squeeze %dma_wait3A_157 : memref<1x128xi32, #tpu.memory_space<vmem>> -> memref<128xi32, #tpu.memory_space<vmem>>
      %dma_wait3A_159 = arith.constant 0 : i32
      %dma_wait3A_160 = arith.constant 0 : i32
      %dma_wait3A_161 = tpu.memref_slice %arg2[%dma_wait3A_159, %dma_wait3A_160] : memref<270000x128xf32, #tpu.memory_space<hbm>> -> memref<270000x128xf32, #tpu.memory_space<hbm>>
      tpu.wait_indirect_dma semaphore(%arg11 : memref<!tpu.dma_semaphore, #tpu.memory_space<semaphore_mem>>) src(%dma_wait3A_161 : memref<270000x128xf32, #tpu.memory_space<hbm>>) dst(%dma_wait3A_155 : memref<128x128xf32, #tpu.memory_space<vmem>>)
      %dma_start3A_162 = arith.constant 0 : i32
      %dma_start3A_163 = arith.constant 0 : i32
      %dma_start3A_164 = arith.constant 0 : i32
      %dma_start3A_165 = tpu.memref_slice %arg8[%dma_start3A_162, %dma_start3A_163, %dma_start3A_164] : memref<2x128x128xf32, #tpu.memory_space<vmem>> -> memref<1x128x128xf32, #tpu.memory_space<vmem>>
      %dma_start3A_166 = tpu.memref_squeeze %dma_start3A_165 : memref<1x128x128xf32, #tpu.memory_space<vmem>> -> memref<128x128xf32, #tpu.memory_space<vmem>>
      %dma_start3A_167 = arith.constant 0 : i32
      %dma_start3A_168 = tpu.memref_slice %arg7[%add3A_137, %dma_start3A_167] : memref<40x128xi32, #tpu.memory_space<vmem>> -> memref<1x128xi32, #tpu.memory_space<vmem>>
      %dma_start3A_169 = tpu.memref_squeeze %dma_start3A_168 : memref<1x128xi32, #tpu.memory_space<vmem>> -> memref<128xi32, #tpu.memory_space<vmem>>
      %dma_start3A_170 = arith.constant 0 : i32
      %dma_start3A_171 = arith.constant 0 : i32
      %dma_start3A_172 = tpu.memref_slice %arg10[%dma_start3A_170, %dma_start3A_171] : memref<10240x128xf32, #tpu.memory_space<vmem_shared>> -> memref<10240x128xf32, #tpu.memory_space<vmem_shared>>
      tpu.enqueue_indirect_dma source(%dma_start3A_166 : memref<128x128xf32, #tpu.memory_space<vmem>>) target(%dma_start3A_172 : memref<10240x128xf32, #tpu.memory_space<vmem_shared>>) offsets(%dma_start3A_169 : memref<128xi32, #tpu.memory_space<vmem>>) semaphore(%arg13 : memref<!tpu.dma_semaphore, #tpu.memory_space<semaphore_mem>>) {add = true}
      %mul3A_173 = arith.constant 2 : i32
      %mul3A_174 = arith.muli %mul3A_173, %scan3A_133 : i32
      %add3A_175 = arith.constant 1 : i32
      %add3A_176 = arith.addi %mul3A_174, %add3A_175 : i32
      %gt3A_177 = arith.constant 0 : i32
      %gt3A_178 = arith.cmpi sgt, %scan3A_133, %gt3A_177 : i32
      %or3A_179 = arith.constant true
      %or3A_180 = arith.ori %gt3A_178, %or3A_179 : i1
      %convert_element_type3A_181 = arith.extui %or3A_180 : i1 to i32
      %cond3A_182 = arith.constant 0 : i32
      %cond3A_183 = arith.cmpi ne, %convert_element_type3A_181, %cond3A_182 : i32
      scf.if %cond3A_183 {
        %sub3A = arith.constant 1 : i32
        %sub3A_218 = arith.subi %add3A_176, %sub3A : i32
        %dma_wait3A_219 = arith.constant 0 : i32
        %dma_wait3A_220 = arith.constant 0 : i32
        %dma_wait3A_221 = arith.constant 0 : i32
        %dma_wait3A_222 = tpu.memref_slice %arg8[%dma_wait3A_219, %dma_wait3A_220, %dma_wait3A_221] : memref<2x128x128xf32, #tpu.memory_space<vmem>> -> memref<1x128x128xf32, #tpu.memory_space<vmem>>
        %dma_wait3A_223 = tpu.memref_squeeze %dma_wait3A_222 : memref<1x128x128xf32, #tpu.memory_space<vmem>> -> memref<128x128xf32, #tpu.memory_space<vmem>>
        %dma_wait3A_224 = arith.constant 0 : i32
        %dma_wait3A_225 = tpu.memref_slice %arg7[%sub3A_218, %dma_wait3A_224] : memref<40x128xi32, #tpu.memory_space<vmem>> -> memref<1x128xi32, #tpu.memory_space<vmem>>
        %dma_wait3A_226 = tpu.memref_squeeze %dma_wait3A_225 : memref<1x128xi32, #tpu.memory_space<vmem>> -> memref<128xi32, #tpu.memory_space<vmem>>
        %dma_wait3A_227 = arith.constant 0 : i32
        %dma_wait3A_228 = arith.constant 0 : i32
        %dma_wait3A_229 = tpu.memref_slice %arg10[%dma_wait3A_227, %dma_wait3A_228] : memref<10240x128xf32, #tpu.memory_space<vmem_shared>> -> memref<10240x128xf32, #tpu.memory_space<vmem_shared>>
        tpu.wait_indirect_dma semaphore(%arg13 : memref<!tpu.dma_semaphore, #tpu.memory_space<semaphore_mem>>) src(%dma_wait3A_223 : memref<128x128xf32, #tpu.memory_space<vmem>>) dst(%dma_wait3A_229 : memref<10240x128xf32, #tpu.memory_space<vmem_shared>>)
      } else {
      }
      %gt3A_184 = arith.constant 0 : i32
      %gt3A_185 = arith.cmpi sgt, %scan3A_133, %gt3A_184 : i32
      %or3A_186 = arith.constant true
      %or3A_187 = arith.ori %gt3A_185, %or3A_186 : i1
      %lt3A_188 = arith.constant 19 : i32
      %lt3A_189 = arith.cmpi slt, %scan3A_133, %lt3A_188 : i32
      %or3A_190 = arith.constant false
      %or3A_191 = arith.ori %lt3A_189, %or3A_190 : i1
      %and3A_192 = arith.andi %or3A_187, %or3A_191 : i1
      %convert_element_type3A_193 = arith.extui %and3A_192 : i1 to i32
      %cond3A_194 = arith.constant 0 : i32
      %cond3A_195 = arith.cmpi ne, %convert_element_type3A_193, %cond3A_194 : i32
      scf.if %cond3A_195 {
        %add3A_218 = arith.constant 1 : i32
        %add3A_219 = arith.addi %add3A_176, %add3A_218 : i32
        %dma_start3A_220 = arith.constant 0 : i32
        %dma_start3A_221 = arith.constant 0 : i32
        %dma_start3A_222 = arith.constant 0 : i32
        %dma_start3A_223 = tpu.memref_slice %arg8[%dma_start3A_220, %dma_start3A_221, %dma_start3A_222] : memref<2x128x128xf32, #tpu.memory_space<vmem>> -> memref<1x128x128xf32, #tpu.memory_space<vmem>>
        %dma_start3A_224 = tpu.memref_squeeze %dma_start3A_223 : memref<1x128x128xf32, #tpu.memory_space<vmem>> -> memref<128x128xf32, #tpu.memory_space<vmem>>
        %dma_start3A_225 = arith.constant 0 : i32
        %dma_start3A_226 = tpu.memref_slice %arg6[%add3A_219, %dma_start3A_225] : memref<40x128xi32, #tpu.memory_space<vmem>> -> memref<1x128xi32, #tpu.memory_space<vmem>>
        %dma_start3A_227 = tpu.memref_squeeze %dma_start3A_226 : memref<1x128xi32, #tpu.memory_space<vmem>> -> memref<128xi32, #tpu.memory_space<vmem>>
        %dma_start3A_228 = arith.constant 0 : i32
        %dma_start3A_229 = arith.constant 0 : i32
        %dma_start3A_230 = tpu.memref_slice %arg2[%dma_start3A_228, %dma_start3A_229] : memref<270000x128xf32, #tpu.memory_space<hbm>> -> memref<270000x128xf32, #tpu.memory_space<hbm>>
        tpu.enqueue_indirect_dma source(%dma_start3A_230 : memref<270000x128xf32, #tpu.memory_space<hbm>>) target(%dma_start3A_224 : memref<128x128xf32, #tpu.memory_space<vmem>>) offsets(%dma_start3A_227 : memref<128xi32, #tpu.memory_space<vmem>>) semaphore(%arg11 : memref<!tpu.dma_semaphore, #tpu.memory_space<semaphore_mem>>)
      } else {
      }
      %dma_wait3A_196 = arith.constant 1 : i32
      %dma_wait3A_197 = arith.constant 0 : i32
      %dma_wait3A_198 = arith.constant 0 : i32
      %dma_wait3A_199 = tpu.memref_slice %arg8[%dma_wait3A_196, %dma_wait3A_197, %dma_wait3A_198] : memref<2x128x128xf32, #tpu.memory_space<vmem>> -> memref<1x128x128xf32, #tpu.memory_space<vmem>>
      %dma_wait3A_200 = tpu.memref_squeeze %dma_wait3A_199 : memref<1x128x128xf32, #tpu.memory_space<vmem>> -> memref<128x128xf32, #tpu.memory_space<vmem>>
      %dma_wait3A_201 = arith.constant 0 : i32
      %dma_wait3A_202 = tpu.memref_slice %arg6[%add3A_176, %dma_wait3A_201] : memref<40x128xi32, #tpu.memory_space<vmem>> -> memref<1x128xi32, #tpu.memory_space<vmem>>
      %dma_wait3A_203 = tpu.memref_squeeze %dma_wait3A_202 : memref<1x128xi32, #tpu.memory_space<vmem>> -> memref<128xi32, #tpu.memory_space<vmem>>
      %dma_wait3A_204 = arith.constant 0 : i32
      %dma_wait3A_205 = arith.constant 0 : i32
      %dma_wait3A_206 = tpu.memref_slice %arg2[%dma_wait3A_204, %dma_wait3A_205] : memref<270000x128xf32, #tpu.memory_space<hbm>> -> memref<270000x128xf32, #tpu.memory_space<hbm>>
      tpu.wait_indirect_dma semaphore(%arg12 : memref<!tpu.dma_semaphore, #tpu.memory_space<semaphore_mem>>) src(%dma_wait3A_206 : memref<270000x128xf32, #tpu.memory_space<hbm>>) dst(%dma_wait3A_200 : memref<128x128xf32, #tpu.memory_space<vmem>>)
      %dma_start3A_207 = arith.constant 1 : i32
      %dma_start3A_208 = arith.constant 0 : i32
      %dma_start3A_209 = arith.constant 0 : i32
      %dma_start3A_210 = tpu.memref_slice %arg8[%dma_start3A_207, %dma_start3A_208, %dma_start3A_209] : memref<2x128x128xf32, #tpu.memory_space<vmem>> -> memref<1x128x128xf32, #tpu.memory_space<vmem>>
      %dma_start3A_211 = tpu.memref_squeeze %dma_start3A_210 : memref<1x128x128xf32, #tpu.memory_space<vmem>> -> memref<128x128xf32, #tpu.memory_space<vmem>>
      %dma_start3A_212 = arith.constant 0 : i32
      %dma_start3A_213 = tpu.memref_slice %arg7[%add3A_176, %dma_start3A_212] : memref<40x128xi32, #tpu.memory_space<vmem>> -> memref<1x128xi32, #tpu.memory_space<vmem>>
      %dma_start3A_214 = tpu.memref_squeeze %dma_start3A_213 : memref<1x128xi32, #tpu.memory_space<vmem>> -> memref<128xi32, #tpu.memory_space<vmem>>
      %dma_start3A_215 = arith.constant 0 : i32
      %dma_start3A_216 = arith.constant 0 : i32
      %dma_start3A_217 = tpu.memref_slice %arg10[%dma_start3A_215, %dma_start3A_216] : memref<10240x128xf32, #tpu.memory_space<vmem_shared>> -> memref<10240x128xf32, #tpu.memory_space<vmem_shared>>
      tpu.enqueue_indirect_dma source(%dma_start3A_211 : memref<128x128xf32, #tpu.memory_space<vmem>>) target(%dma_start3A_217 : memref<10240x128xf32, #tpu.memory_space<vmem_shared>>) offsets(%dma_start3A_214 : memref<128xi32, #tpu.memory_space<vmem>>) semaphore(%arg14 : memref<!tpu.dma_semaphore, #tpu.memory_space<semaphore_mem>>) {add = true}
    }
    %scan3A_116 = arith.constant 20 : i32
    %dma_wait3A = arith.constant 1 : i32
    %dma_wait3A_117 = arith.constant 39 : i32
    %dma_wait3A_118 = arith.constant 0 : i32
    %dma_wait3A_119 = arith.constant 0 : i32
    %dma_wait3A_120 = tpu.memref_slice %arg8[%dma_wait3A, %dma_wait3A_118, %dma_wait3A_119] : memref<2x128x128xf32, #tpu.memory_space<vmem>> -> memref<1x128x128xf32, #tpu.memory_space<vmem>>
    %dma_wait3A_121 = tpu.memref_squeeze %dma_wait3A_120 : memref<1x128x128xf32, #tpu.memory_space<vmem>> -> memref<128x128xf32, #tpu.memory_space<vmem>>
    %dma_wait3A_122 = arith.constant 0 : i32
    %dma_wait3A_123 = tpu.memref_slice %arg7[%dma_wait3A_117, %dma_wait3A_122] : memref<40x128xi32, #tpu.memory_space<vmem>> -> memref<1x128xi32, #tpu.memory_space<vmem>>
    %dma_wait3A_124 = tpu.memref_squeeze %dma_wait3A_123 : memref<1x128xi32, #tpu.memory_space<vmem>> -> memref<128xi32, #tpu.memory_space<vmem>>
    %dma_wait3A_125 = arith.constant 0 : i32
    %dma_wait3A_126 = arith.constant 0 : i32
    %dma_wait3A_127 = tpu.memref_slice %arg10[%dma_wait3A_125, %dma_wait3A_126] : memref<10240x128xf32, #tpu.memory_space<vmem_shared>> -> memref<10240x128xf32, #tpu.memory_space<vmem_shared>>
    tpu.wait_indirect_dma semaphore(%arg14 : memref<!tpu.dma_semaphore, #tpu.memory_space<semaphore_mem>>) src(%dma_wait3A_121 : memref<128x128xf32, #tpu.memory_space<vmem>>) dst(%dma_wait3A_127 : memref<10240x128xf32, #tpu.memory_space<vmem_shared>>)
    %barrier3A_128 = arith.constant 0 : index
    tpu.barrier barrier_id(%barrier3A_128)
    %mul3A_129 = arith.constant 640 : i32
    %mul3A_130 = arith.muli %arg1, %mul3A_129 : i32
    %mul3A_131 = arith.constant 640 : i32
    %mul3A_132 = arith.muli %arg1, %mul3A_131 : i32
    "tpu.region"() ({
      %run_scoped3A = tpu.sem_alloc : memref<!tpu.dma_semaphore, #tpu.memory_space<semaphore_mem>>
      %dma_start3A_133 = arith.constant 0 : i32
      %dma_start3A_134 = tpu.memref_slice %arg5[%arg0, %mul3A_132, %dma_start3A_133] : memref<2x10240x128xf32, #tpu.memory_space<hbm>> -> memref<1x640x128xf32, #tpu.memory_space<hbm>>
      %dma_start3A_135 = tpu.memref_squeeze %dma_start3A_134 : memref<1x640x128xf32, #tpu.memory_space<hbm>> -> memref<640x128xf32, #tpu.memory_space<hbm>>
      %dma_start3A_136 = arith.constant 0 : i32
      %dma_start3A_137 = tpu.memref_slice %arg10[%mul3A_130, %dma_start3A_136] : memref<10240x128xf32, #tpu.memory_space<vmem_shared>> -> memref<640x128xf32, #tpu.memory_space<vmem_shared>>
      tpu.enqueue_dma source(%dma_start3A_137 : memref<640x128xf32, #tpu.memory_space<vmem_shared>>) target(%dma_start3A_135 : memref<640x128xf32, #tpu.memory_space<hbm>>) target_semaphore(%run_scoped3A : memref<!tpu.dma_semaphore, #tpu.memory_space<semaphore_mem>>)
      %dma_wait3A_138 = arith.constant 0 : i32
      %dma_wait3A_139 = tpu.memref_slice %arg5[%arg0, %mul3A_132, %dma_wait3A_138] : memref<2x10240x128xf32, #tpu.memory_space<hbm>> -> memref<1x640x128xf32, #tpu.memory_space<hbm>>
      %dma_wait3A_140 = tpu.memref_squeeze %dma_wait3A_139 : memref<1x640x128xf32, #tpu.memory_space<hbm>> -> memref<640x128xf32, #tpu.memory_space<hbm>>
      %dma_wait3A_141 = arith.constant 0 : i32
      %dma_wait3A_142 = tpu.memref_slice %arg10[%mul3A_130, %dma_wait3A_141] : memref<10240x128xf32, #tpu.memory_space<vmem_shared>> -> memref<640x128xf32, #tpu.memory_space<vmem_shared>>
      tpu.wait_dma2 semaphore(%run_scoped3A : memref<!tpu.dma_semaphore, #tpu.memory_space<semaphore_mem>>) src(%dma_wait3A_142 : memref<640x128xf32, #tpu.memory_space<vmem_shared>>) dst(%dma_wait3A_140 : memref<640x128xf32, #tpu.memory_space<hbm>>)
      tpu.yield
    }) : () -> ()
    return
  }
}

module attributes {stable_mosaic.version = 14 : i64} {
  func.func @_mm_body(%arg0: i32, %arg1: memref<10000x128xf32, #tpu.memory_space<vmem>>, %arg2: memref<1x128x128xf32, #tpu.memory_space<vmem>>, %arg3: memref<1x10000x128xf32, #tpu.memory_space<vmem>>) attributes {dimension_semantics = [#tpu.dimension_semantics<arbitrary>], iteration_bounds = array<i64: 27>, scalar_prefetch = 0 : i64, scratch_operands = 0 : i64, tpu.core_type = #tpu.core_type<tc>, window_params = [{pipeline_mode = #tpu.pipeline_mode<synchronous>, transform_indices = @transform_0, window_bounds = array<i64: 10000, 128>}, {transform_indices = @transform_1, window_bounds = array<i64: 1, 128, 128>}, {transform_indices = @transform_2, window_bounds = array<i64: 1, 10000, 128>}]} {
    %get3A = arith.constant 0 : index
    %get3A_0 = arith.constant 0 : index
    %get3A_1 = vector.load %arg1[%get3A, %get3A_0] : memref<10000x128xf32, #tpu.memory_space<vmem>>, vector<10000x128xf32>
    %get3A_2 = arith.constant 0 : index
    %get3A_3 = arith.constant 0 : index
    %get3A_4 = arith.constant 0 : index
    %get3A_5 = vector.load %arg2[%get3A_2, %get3A_3, %get3A_4] : memref<1x128x128xf32, #tpu.memory_space<vmem>>, vector<1x128x128xf32>
    %get3A_6 = vector.shape_cast %get3A_5 : vector<1x128x128xf32> to vector<128x128xf32>
    %dot_general3A = arith.constant dense<0.000000e+00> : vector<10000x128xf32>
    %dot_general3A_7 = tpu.matmul %get3A_1, %get3A_6, %dot_general3A {dimension_numbers = #tpu.dot_dimension_numbers<[1], [0], [0], [1], [0, 0, 1, 1], [], []>, transpose_lhs_hint = false} : vector<10000x128xf32>, vector<128x128xf32>, vector<10000x128xf32> -> vector<10000x128xf32>
    %swap3A = arith.constant 0 : index
    %swap3A_8 = arith.constant 0 : index
    %swap3A_9 = arith.constant 0 : index
    %swap3A_10 = vector.load %arg3[%swap3A, %swap3A_8, %swap3A_9] : memref<1x10000x128xf32, #tpu.memory_space<vmem>>, vector<1x10000x128xf32>
    %swap3A_11 = vector.shape_cast %swap3A_10 : vector<1x10000x128xf32> to vector<10000x128xf32>
    %swap3A_12 = vector.shape_cast %dot_general3A_7 : vector<10000x128xf32> to vector<1x10000x128xf32>
    tpu.vector_store %arg3[%swap3A, %swap3A_8, %swap3A_9], %swap3A_12 {strides = array<i32>} : memref<1x10000x128xf32, #tpu.memory_space<vmem>>, vector<1x10000x128xf32>,
    return
  }
  func.func @transform_0(%arg0: i32) -> (i32, i32) {
    %c0_i32 = arith.constant 0 : i32
    %c0_i32_0 = arith.constant 0 : i32
    %c0_i32_1 = arith.constant 0 : i32
    return %c0_i32, %c0_i32_0 : i32, i32
  }
  func.func @transform_1(%arg0: i32) -> (i32, i32, i32) {
    %c0_i32 = arith.constant 0 : i32
    %c0_i32_0 = arith.constant 0 : i32
    %c0_i32_1 = arith.constant 0 : i32
    return %arg0, %c0_i32, %c0_i32_0 : i32, i32, i32
  }
  func.func @transform_2(%arg0: i32) -> (i32, i32, i32) {
    %c0_i32 = arith.constant 0 : i32
    %c0_i32_0 = arith.constant 0 : i32
    %c0_i32_1 = arith.constant 0 : i32
    return %arg0, %c0_i32, %c0_i32_0 : i32, i32, i32
  }
}

module attributes {stable_mosaic.version = 14 : i64} {
  func.func @_bn_mm_body(%arg0: i32, %arg1: memref<2x10240x128xf32, #tpu.memory_space<vmem>>, %arg2: memref<1x128xf32, #tpu.memory_space<vmem>>, %arg3: memref<1x128xf32, #tpu.memory_space<vmem>>, %arg4: memref<1x128x128xf32, #tpu.memory_space<vmem>>, %arg5: memref<1x10000x128xf32, #tpu.memory_space<vmem>>, %arg6: memref<10000x128xf32, #tpu.memory_space<vmem>>) attributes {dimension_semantics = [#tpu.dimension_semantics<arbitrary>], iteration_bounds = array<i64: 27>, scalar_prefetch = 0 : i64, scratch_operands = 1 : i64, tpu.core_type = #tpu.core_type<tc>, window_params = [{pipeline_mode = #tpu.pipeline_mode<synchronous>, transform_indices = @transform_0, window_bounds = array<i64: 2, 10240, 128>}, {pipeline_mode = #tpu.pipeline_mode<synchronous>, transform_indices = @transform_1, window_bounds = array<i64: 1, 128>}, {pipeline_mode = #tpu.pipeline_mode<synchronous>, transform_indices = @transform_2, window_bounds = array<i64: 1, 128>}, {transform_indices = @transform_3, window_bounds = array<i64: 1, 128, 128>}, {transform_indices = @transform_4, window_bounds = array<i64: 1, 10000, 128>}]} {
    %eq3A = arith.constant 0 : i32
    %eq3A_0 = arith.cmpi eq, %arg0, %eq3A : i32
    %convert_element_type3A = arith.extui %eq3A_0 : i1 to i32
    %cond3A = arith.constant 0 : i32
    %cond3A_1 = arith.cmpi ne, %convert_element_type3A, %cond3A : i32
    scf.if %cond3A_1 {
      %get3A_15 = arith.constant 0 : index
      %get3A_16 = arith.constant 0 : index
      %get3A_17 = arith.constant 0 : index
      %get3A_18 = vector.load %arg1[%get3A_15, %get3A_16, %get3A_17] : memref<2x10240x128xf32, #tpu.memory_space<vmem>>, vector<1x10000x128xf32>
      %get3A_19 = vector.shape_cast %get3A_18 : vector<1x10000x128xf32> to vector<10000x128xf32>
      %get3A_20 = arith.constant 1 : index
      %get3A_21 = arith.constant 0 : index
      %get3A_22 = arith.constant 0 : index
      %get3A_23 = vector.load %arg1[%get3A_20, %get3A_21, %get3A_22] : memref<2x10240x128xf32, #tpu.memory_space<vmem>>, vector<1x10000x128xf32>
      %get3A_24 = vector.shape_cast %get3A_23 : vector<1x10000x128xf32> to vector<10000x128xf32>
      %add3A = arith.addf %get3A_19, %get3A_24 : vector<10000x128xf32>
      %reduce_sum3A = arith.constant dense<0.000000e+00> : vector<128xf32>
      %reduce_sum3A_25 = vector.multi_reduction <add>, %add3A, %reduce_sum3A [0] : vector<10000x128xf32> to vector<128xf32>
      %broadcast_in_dim3A = vector.shape_cast %reduce_sum3A_25 : vector<128xf32> to vector<1x128xf32>
      %div3A = arith.constant 1.000000e+04 : f32
      %div3A_26 = vector.broadcast %div3A : f32 to vector<1x128xf32>
      %div3A_27 = arith.divf %broadcast_in_dim3A, %div3A_26 : vector<1x128xf32>
      %sub3A = vector.broadcast %div3A_27 : vector<1x128xf32> to vector<10000x128xf32>
      %sub3A_28 = arith.subf %add3A, %sub3A : vector<10000x128xf32>
      %square3A = arith.mulf %sub3A_28, %sub3A_28 : vector<10000x128xf32>
      %reduce_sum3A_29 = arith.constant dense<0.000000e+00> : vector<128xf32>
      %reduce_sum3A_30 = vector.multi_reduction <add>, %square3A, %reduce_sum3A_29 [0] : vector<10000x128xf32> to vector<128xf32>
      %broadcast_in_dim3A_31 = vector.shape_cast %reduce_sum3A_30 : vector<128xf32> to vector<1x128xf32>
      %div3A_32 = arith.constant 1.000000e+04 : f32
      %div3A_33 = vector.broadcast %div3A_32 : f32 to vector<1x128xf32>
      %div3A_34 = arith.divf %broadcast_in_dim3A_31, %div3A_33 : vector<1x128xf32>
      %sub3A_35 = vector.broadcast %div3A_27 : vector<1x128xf32> to vector<10000x128xf32>
      %sub3A_36 = arith.subf %add3A, %sub3A_35 : vector<10000x128xf32>
      %add3A_37 = arith.constant 9.99999974E-5 : f32
      %add3A_38 = vector.broadcast %add3A_37 : f32 to vector<1x128xf32>
      %add3A_39 = arith.addf %div3A_34, %add3A_38 : vector<1x128xf32>
      %rsqrt3A = math.rsqrt %add3A_39 : vector<1x128xf32>
      %mul3A = vector.broadcast %rsqrt3A : vector<1x128xf32> to vector<10000x128xf32>
      %mul3A_40 = arith.mulf %sub3A_36, %mul3A : vector<10000x128xf32>
      %get3A_41 = arith.constant 0 : index
      %get3A_42 = arith.constant 0 : index
      %get3A_43 = vector.load %arg2[%get3A_41, %get3A_42] : memref<1x128xf32, #tpu.memory_space<vmem>>, vector<1x128xf32>
      %mul3A_44 = vector.broadcast %get3A_43 : vector<1x128xf32> to vector<10000x128xf32>
      %mul3A_45 = arith.mulf %mul3A_40, %mul3A_44 : vector<10000x128xf32>
      %get3A_46 = arith.constant 0 : index
      %get3A_47 = arith.constant 0 : index
      %get3A_48 = vector.load %arg3[%get3A_46, %get3A_47] : memref<1x128xf32, #tpu.memory_space<vmem>>, vector<1x128xf32>
      %add3A_49 = vector.broadcast %get3A_48 : vector<1x128xf32> to vector<10000x128xf32>
      %add3A_50 = arith.addf %mul3A_45, %add3A_49 : vector<10000x128xf32>
      %max3A = arith.constant 0.000000e+00 : f32
      %max3A_51 = vector.broadcast %max3A : f32 to vector<10000x128xf32>
      %max3A_52 = arith.maximumf %add3A_50, %max3A_51 : vector<10000x128xf32>
      %swap3A_53 = arith.constant 0 : index
      %swap3A_54 = arith.constant 0 : index
      %swap3A_55 = vector.load %arg6[%swap3A_53, %swap3A_54] : memref<10000x128xf32, #tpu.memory_space<vmem>>, vector<10000x128xf32>
      tpu.vector_store %arg6[%swap3A_53, %swap3A_54], %max3A_52 {strides = array<i32>} : memref<10000x128xf32, #tpu.memory_space<vmem>>, vector<10000x128xf32>,
    } else {
    }
    %get3A = arith.constant 0 : index
    %get3A_2 = arith.constant 0 : index
    %get3A_3 = vector.load %arg6[%get3A, %get3A_2] : memref<10000x128xf32, #tpu.memory_space<vmem>>, vector<10000x128xf32>
    %get3A_4 = arith.constant 0 : index
    %get3A_5 = arith.constant 0 : index
    %get3A_6 = arith.constant 0 : index
    %get3A_7 = vector.load %arg4[%get3A_4, %get3A_5, %get3A_6] : memref<1x128x128xf32, #tpu.memory_space<vmem>>, vector<1x128x128xf32>
    %get3A_8 = vector.shape_cast %get3A_7 : vector<1x128x128xf32> to vector<128x128xf32>
    %dot_general3A = arith.constant dense<0.000000e+00> : vector<10000x128xf32>
    %dot_general3A_9 = tpu.matmul %get3A_3, %get3A_8, %dot_general3A {dimension_numbers = #tpu.dot_dimension_numbers<[1], [0], [0], [1], [0, 0, 1, 1], [], []>, transpose_lhs_hint = false} : vector<10000x128xf32>, vector<128x128xf32>, vector<10000x128xf32> -> vector<10000x128xf32>
    %swap3A = arith.constant 0 : index
    %swap3A_10 = arith.constant 0 : index
    %swap3A_11 = arith.constant 0 : index
    %swap3A_12 = vector.load %arg5[%swap3A, %swap3A_10, %swap3A_11] : memref<1x10000x128xf32, #tpu.memory_space<vmem>>, vector<1x10000x128xf32>
    %swap3A_13 = vector.shape_cast %swap3A_12 : vector<1x10000x128xf32> to vector<10000x128xf32>
    %swap3A_14 = vector.shape_cast %dot_general3A_9 : vector<10000x128xf32> to vector<1x10000x128xf32>
    tpu.vector_store %arg5[%swap3A, %swap3A_10, %swap3A_11], %swap3A_14 {strides = array<i32>} : memref<1x10000x128xf32, #tpu.memory_space<vmem>>, vector<1x10000x128xf32>,
    return
  }
  func.func @transform_0(%arg0: i32) -> (i32, i32, i32) {
    %c0_i32 = arith.constant 0 : i32
    %c0_i32_0 = arith.constant 0 : i32
    %c0_i32_1 = arith.constant 0 : i32
    %c0_i32_2 = arith.constant 0 : i32
    return %c0_i32, %c0_i32_0, %c0_i32_1 : i32, i32, i32
  }
  func.func @transform_1(%arg0: i32) -> (i32, i32) {
    %c0_i32 = arith.constant 0 : i32
    %c0_i32_0 = arith.constant 0 : i32
    %c0_i32_1 = arith.constant 0 : i32
    return %c0_i32, %c0_i32_0 : i32, i32
  }
  func.func @transform_2(%arg0: i32) -> (i32, i32) {
    %c0_i32 = arith.constant 0 : i32
    %c0_i32_0 = arith.constant 0 : i32
    %c0_i32_1 = arith.constant 0 : i32
    return %c0_i32, %c0_i32_0 : i32, i32
  }
  func.func @transform_3(%arg0: i32) -> (i32, i32, i32) {
    %c0_i32 = arith.constant 0 : i32
    %c0_i32_0 = arith.constant 0 : i32
    %c0_i32_1 = arith.constant 0 : i32
    return %arg0, %c0_i32, %c0_i32_0 : i32, i32, i32
  }
  func.func @transform_4(%arg0: i32) -> (i32, i32, i32) {
    %c0_i32 = arith.constant 0 : i32
    %c0_i32_0 = arith.constant 0 : i32
    %c0_i32_1 = arith.constant 0 : i32
    return %arg0, %c0_i32, %c0_i32_0 : i32, i32, i32
  }
}

module attributes {stable_mosaic.version = 14 : i64} {
  func.func @_bn_res_relu_body(%arg0: memref<2x10240x128xf32, #tpu.memory_space<vmem>>, %arg1: memref<1x128xf32, #tpu.memory_space<vmem>>, %arg2: memref<1x128xf32, #tpu.memory_space<vmem>>, %arg3: memref<10000x128xf32, #tpu.memory_space<vmem>>, %arg4: memref<10000x128xf32, #tpu.memory_space<vmem>>) attributes {dimension_semantics = [], scalar_prefetch = 0 : i64, scratch_operands = 0 : i64, tpu.core_type = #tpu.core_type<tc>} {
    %get3A = arith.constant 0 : index
    %get3A_0 = arith.constant 0 : index
    %get3A_1 = arith.constant 0 : index
    %get3A_2 = vector.load %arg0[%get3A, %get3A_0, %get3A_1] : memref<2x10240x128xf32, #tpu.memory_space<vmem>>, vector<1x10000x128xf32>
    %get3A_3 = vector.shape_cast %get3A_2 : vector<1x10000x128xf32> to vector<10000x128xf32>
    %get3A_4 = arith.constant 1 : index
    %get3A_5 = arith.constant 0 : index
    %get3A_6 = arith.constant 0 : index
    %get3A_7 = vector.load %arg0[%get3A_4, %get3A_5, %get3A_6] : memref<2x10240x128xf32, #tpu.memory_space<vmem>>, vector<1x10000x128xf32>
    %get3A_8 = vector.shape_cast %get3A_7 : vector<1x10000x128xf32> to vector<10000x128xf32>
    %add3A = arith.addf %get3A_3, %get3A_8 : vector<10000x128xf32>
    %reduce_sum3A = arith.constant dense<0.000000e+00> : vector<128xf32>
    %reduce_sum3A_9 = vector.multi_reduction <add>, %add3A, %reduce_sum3A [0] : vector<10000x128xf32> to vector<128xf32>
    %broadcast_in_dim3A = vector.shape_cast %reduce_sum3A_9 : vector<128xf32> to vector<1x128xf32>
    %div3A = arith.constant 1.000000e+04 : f32
    %div3A_10 = vector.broadcast %div3A : f32 to vector<1x128xf32>
    %div3A_11 = arith.divf %broadcast_in_dim3A, %div3A_10 : vector<1x128xf32>
    %sub3A = vector.broadcast %div3A_11 : vector<1x128xf32> to vector<10000x128xf32>
    %sub3A_12 = arith.subf %add3A, %sub3A : vector<10000x128xf32>
    %square3A = arith.mulf %sub3A_12, %sub3A_12 : vector<10000x128xf32>
    %reduce_sum3A_13 = arith.constant dense<0.000000e+00> : vector<128xf32>
    %reduce_sum3A_14 = vector.multi_reduction <add>, %square3A, %reduce_sum3A_13 [0] : vector<10000x128xf32> to vector<128xf32>
    %broadcast_in_dim3A_15 = vector.shape_cast %reduce_sum3A_14 : vector<128xf32> to vector<1x128xf32>
    %div3A_16 = arith.constant 1.000000e+04 : f32
    %div3A_17 = vector.broadcast %div3A_16 : f32 to vector<1x128xf32>
    %div3A_18 = arith.divf %broadcast_in_dim3A_15, %div3A_17 : vector<1x128xf32>
    %sub3A_19 = vector.broadcast %div3A_11 : vector<1x128xf32> to vector<10000x128xf32>
    %sub3A_20 = arith.subf %add3A, %sub3A_19 : vector<10000x128xf32>
    %add3A_21 = arith.constant 9.99999974E-5 : f32
    %add3A_22 = vector.broadcast %add3A_21 : f32 to vector<1x128xf32>
    %add3A_23 = arith.addf %div3A_18, %add3A_22 : vector<1x128xf32>
    %rsqrt3A = math.rsqrt %add3A_23 : vector<1x128xf32>
    %mul3A = vector.broadcast %rsqrt3A : vector<1x128xf32> to vector<10000x128xf32>
    %mul3A_24 = arith.mulf %sub3A_20, %mul3A : vector<10000x128xf32>
    %get3A_25 = arith.constant 0 : index
    %get3A_26 = arith.constant 0 : index
    %get3A_27 = vector.load %arg1[%get3A_25, %get3A_26] : memref<1x128xf32, #tpu.memory_space<vmem>>, vector<1x128xf32>
    %mul3A_28 = vector.broadcast %get3A_27 : vector<1x128xf32> to vector<10000x128xf32>
    %mul3A_29 = arith.mulf %mul3A_24, %mul3A_28 : vector<10000x128xf32>
    %get3A_30 = arith.constant 0 : index
    %get3A_31 = arith.constant 0 : index
    %get3A_32 = vector.load %arg2[%get3A_30, %get3A_31] : memref<1x128xf32, #tpu.memory_space<vmem>>, vector<1x128xf32>
    %add3A_33 = vector.broadcast %get3A_32 : vector<1x128xf32> to vector<10000x128xf32>
    %add3A_34 = arith.addf %mul3A_29, %add3A_33 : vector<10000x128xf32>
    %get3A_35 = arith.constant 0 : index
    %get3A_36 = arith.constant 0 : index
    %get3A_37 = vector.load %arg3[%get3A_35, %get3A_36] : memref<10000x128xf32, #tpu.memory_space<vmem>>, vector<10000x128xf32>
    %add3A_38 = arith.addf %add3A_34, %get3A_37 : vector<10000x128xf32>
    %max3A = arith.constant 0.000000e+00 : f32
    %max3A_39 = vector.broadcast %max3A : f32 to vector<10000x128xf32>
    %max3A_40 = arith.maximumf %add3A_38, %max3A_39 : vector<10000x128xf32>
    %swap3A = arith.constant 0 : index
    %swap3A_41 = arith.constant 0 : index
    %swap3A_42 = vector.load %arg4[%swap3A, %swap3A_41] : memref<10000x128xf32, #tpu.memory_space<vmem>>, vector<10000x128xf32>
    tpu.vector_store %arg4[%swap3A, %swap3A_41], %max3A_40 {strides = array<i32>} : memref<10000x128xf32, #tpu.memory_space<vmem>>, vector<10000x128xf32>,
    return
  }
}

</mosaic_0001>

<sc_bundles>
// kernel: kernel.10.cloned.1.call-start
scs
__scs_entry_jumppad:
0x0: {  	(pc) =	sbr.rel $0x88, $3  }
0x1: {  	(tag) =	ssettag $0x0;
	lr =	simm.s32 $0x1  }
0x2: {  	[smem:$0x3F98] =	sst lr;
	_ =	strace $0xD0000000  }
0x3: {  	_ = 	snop  }
0x4: {  	_ = 	snop  }
0x5: {  	_ = 	snop  }
0x6: {  	_ = 	snop  }
0x7: {  	_ = 	snop  }
__scs_overlays_trampoline_lowered:
0x8: {  	[smem:$0x3FA7] =	sst s0  }
0x9: {  	[smem:$0x3FA8] =	sst s1  }
0xa: {  	[smem:$0x3FA9] =	sst s2  }
0xb: {  	[smem:$0x3FAA] =	sst s3  }
0xc: {  	[smem:$0x3FAB] =	sst s4  }
0xd: {  	[smem:$0x3FAC] =	sst s5  }
0xe: {  	[smem:$0x3FAD] =	sst s6  }
0xf: {  	[smem:$0x3FAE] =	sst s7  }
0x10: {  	[smem:$0x3FAF] =	sst s8  }
0x11: {  	[smem:$0x3FB0] =	sst s9;
	s0 =	simm.s32 @!p0 $0x0  }
0x12: {  	s1 =	sld [smem:$0x3F96];
	s0 =	simm.s32 @p0 $0x1  }
0x13: {  	[smem:$0x3FB1] =	sst s0;
	s0 =	simm.s32 @!p1 $0x0  }
0x14: {  	s2 =	sld [smem:$0x3F95];
	s0 =	simm.s32 @p1 $0x1  }
0x15: {  	[smem:$0x3FB2] =	sst s0;
	s0 =	simm.s32 @!p2 $0x0  }
0x16: {  	s3 =	sld [smem:$0x3FDB];
	s0 =	simm.s32 @p2 $0x1  }
0x17: {  	s4 =	simm.s32 $0x1BF5;
	[smem:$0x3FB4] =	sst s0  }
0x18: {  	s0 =	sld [smem:$0x3F97];
	_ =	swait.ge [sflag:s4], $0x0  }
0x19: {  	s7 =	sld [smem:$0x3F98]  }
0x1a: {  	s8 =	sadd.s32 $0xFFFFE003, lr  }
0x1b: {  	s9 =	sadd.s32 $0xFFFFFEF7, lr;
	s5 =	simm.s32 $0xFFFFFFFF;
	p2 =	slt.u32 s8, $0xFFFFF086  }
0x1c: {  	p1 =	slt.u32 s9, $0xF7A;
	s5 =	simm.s32 @!p2 $0x0  }
0x1d: {  	s5 =	simm.s32 @p1 $0x1;
	p0 =	seq.s32 s7, s2  }
0x1e: {  	s7 =	smul.u32 @!p0 $0xF7A, s2;
	p2 =	seq.s32 @!p0 s5, $0x0  }
0x1f: {  	s9 =	smul.u32 $0xF7A, s1;
	s8 =	simm.s32 @!p0 $0x1BF5;
	p2 =	por !p2, p0  }
0x20: {  	[sflag:s8] =	ssyncset.s32 @!p0 $0xFFFFF086;
	s6 =	sadd.s32 @!p0 s3, s7;
	s7 =	simm.s32 @!p0 $0x108  }
0x21: {  	s3 =	sadd.s32 s3, s9;
	s6 =	sadd.s32 @!p0 $0x88, s6;
	s7 =	simm.s32 @p2 $0x1082  }
0x22: {  	[simem:s7], [sflag:s8] =	dma.local @!p0 [hbm:s6], $0xF7A  }
0x23: {  	s9 =	sor.u32 $0xD0000000, s2;
	s6 =	simm.s32 $0x108;
	_ =	swait.ge @!p0 [sflag:s8], $0x0  }
0x24: {  	s3 =	sadd.s32 $0x88, s3;
	s6 =	simm.s32 @!p1 $0x1082;
	[sflag:s4] =	ssyncset.s32 $0xFFFFF086  }
0x25: {  	[simem:s6], [sflag:s4] =	dma.local [hbm:s3], $0xF7A  }
0x26: {  	[smem:$0x3F98] =	sst s1;
	(tag) =	ssettag s2;
	_ =	strace s9  }
0x27: {  	s1 =	sld [smem:$0x3FA8]  }
0x28: {  	s2 =	sld [smem:$0x3FA9]  }
0x29: {  	s4 =	sld [smem:$0x3FAB]  }
0x2a: {  	p0 =	seq.s32 s5, $0x0;
	s5 =	sld [smem:$0x3FAC]  }
0x2b: {  	s6 =	sld [smem:$0x3FAD]  }
0x2c: {  	s7 =	sld [smem:$0x3FAE]  }
0x2d: {  	s3 =	simm.s32 $0x108;
	s8 =	sld [smem:$0x3FAF]  }
0x2e: {  	s3 =	simm.s32 @!p0 $0x1082;
	s9 =	sld [smem:$0x3FB0]  }
0x2f: {  	lr =	sadd.s32 s0, s3;
	s0 =	sld [smem:$0x3FA7]  }
0x30: {  	s3 =	sld [smem:$0x3FAA]  }
0x31: {  	[smem:$0x3FB3] =	sst s10  }
0x32: {  	s10 =	sld [smem:$0x3FB1];
	_ =	sdelay $0x3  }
0x33: {  	p0 =	seq.s32 s10, $0x1;
	s10 =	sld [smem:$0x3FB3];
	_ =	sdelay $0x3  }
0x34: {  	[smem:$0x3FB3] =	sst s10  }
0x35: {  	s10 =	sld [smem:$0x3FB2];
	_ =	sdelay $0x3  }
0x36: {  	p1 =	seq.s32 s10, $0x1;
	s10 =	sld [smem:$0x3FB3];
	_ =	sdelay $0x3  }
0x37: {  	[smem:$0x3FB3] =	sst s10  }
0x38: {  	s10 =	sld [smem:$0x3FB4]  }
0x39: {  	_ = 	snop;
	(pc) =	sbr.ind lr, $3  }
0x3a: {  	_ = 	snop  }
0x3b: {  	_ = 	snop  }
0x3c: {  	p2 =	seq.s32 s10, $0x1;
	s10 =	sld [smem:$0x3FB3]  }
0x3d: {  	_ =	shalt  }
0x3e: {  	_ =	shalt  }
0x3f: {  	_ =	shalt  }
0x40: {  	_ =	shalt  }
0x41: {  	_ =	shalt  }
0x42: {  	_ =	shalt  }
0x43: {  	_ =	shalt  }
0x44: {  	_ =	shalt  }
0x45: {  	_ =	shalt  }
0x46: {  	_ =	shalt  }
0x47: {  	_ =	shalt  }
0x48: {  	_ =	shalt  }
0x49: {  	_ =	shalt  }
0x4a: {  	_ =	shalt  }
0x4b: {  	_ =	shalt  }
0x4c: {  	_ =	shalt  }
0x4d: {  	_ =	shalt  }
0x4e: {  	_ =	shalt  }
0x4f: {  	_ =	shalt  }
0x50: {  	_ =	shalt  }
0x51: {  	_ =	shalt  }
0x52: {  	_ =	shalt  }
0x53: {  	_ =	shalt  }
0x54: {  	_ =	shalt  }
0x55: {  	_ =	shalt  }
0x56: {  	_ =	shalt  }
0x57: {  	_ =	shalt  }
0x58: {  	_ =	shalt  }
0x59: {  	_ =	shalt  }
0x5a: {  	_ =	shalt  }
0x5b: {  	_ =	shalt  }
0x5c: {  	_ =	shalt  }
0x5d: {  	_ =	shalt  }
0x5e: {  	_ =	shalt  }
0x5f: {  	_ =	shalt  }
0x60: {  	_ =	shalt  }
0x61: {  	_ =	shalt  }
0x62: {  	_ =	shalt  }
0x63: {  	_ =	shalt  }
0x64: {  	_ =	shalt  }
0x65: {  	_ =	shalt  }
0x66: {  	_ =	shalt  }
0x67: {  	_ =	shalt  }
0x68: {  	_ =	shalt  }
0x69: {  	_ =	shalt  }
0x6a: {  	_ =	shalt  }
0x6b: {  	_ =	shalt  }
0x6c: {  	_ =	shalt  }
0x6d: {  	_ =	shalt  }
0x6e: {  	_ =	shalt  }
0x6f: {  	_ =	shalt  }
0x70: {  	_ =	shalt  }
0x71: {  	_ =	shalt  }
0x72: {  	_ =	shalt  }
0x73: {  	_ =	shalt  }
0x74: {  	_ =	shalt  }
0x75: {  	_ =	shalt  }
0x76: {  	_ =	shalt  }
0x77: {  	_ =	shalt  }
0x78: {  	_ =	shalt  }
0x79: {  	_ =	shalt  }
0x7a: {  	_ =	shalt  }
0x7b: {  	_ =	shalt  }
0x7c: {  	_ =	shalt  }
0x7d: {  	_ =	shalt  }
0x7e: {  	_ =	shalt  }
0x7f: {  	_ =	shalt  }
0x80: {  	_ =	shalt  }
0x81: {  	_ =	shalt  }
0x82: {  	_ =	shalt  }
0x83: {  	_ =	shalt  }
0x84: {  	_ =	shalt  }
0x85: {  	_ =	shalt  }
0x86: {  	_ =	shalt  }
0x87: {  	_ =	shalt  }
.Lfunc_end0:
.L_simem_size_0:
called_computation.1_lowered:
.L_overlay_start_0:
0x88: {  	s2 =	sld [smem:$0x3FD9]  }
0x89: {  	s3 =	sld [smem:$0x3FFE];
	_ =	sdelay $0x1  }
0x8a: {  	s1 =	srdreg.scid  }
0x8b: {  	s0 =	sand.u32 $0x1, s1  }
0x8c: {  	s17 =	sshll.u32 s0, $0xA;
	s2 =	sadd.s32 s3, s2  }
0x8d: {  	s2 =	sadd.s32 s2, s17  }
0x8e: {  	[smem:$0x3FBF] =	sst s2  }
0x8f: {  	_ = 	snop  }
0x90: {  	s2 =	sld [smem:$0x3FD0];
	(tm) =	ssettm $0x1  }
0x91: {  	s18 =	sld [smem:$0x3FFB];
	_ =	sdelay $0x3  }
0x92: {  	_ =	strace s18  }
0x93: {  	s3 =	sld [smem:$0x3FFC];
	_ =	sdelay $0x3  }
0x94: {  	_ =	strace s3  }
0x95: {  	s3 =	sld [smem:$0x3FFD];
	_ =	sdelay $0x3  }
0x96: {  	_ =	strace s3  }
0x97: {  	_ =	strace $0x8FFFFFFF  }
0x98: {  	s19 =	sld [smem:$0x3FDB];
	_ =	sdelay $0x1  }
0x99: {  	s4 =	simm.s32 $_scs_section_size  }
0x9a: {  	s5 =	simm.s32 $_size__tile_overlayer_lowered;
	s6 =	simm.s32 $_tile_overlayer_lowered  }
0x9b: {  	s22 =	simm.s32 $0x1BFF;
	s21 =	sshll.u32 s6, $0x1;
	s3 =	sadd.s32 s4, s19  }
0x9c: {  	s7 =	simm.s32 $0x0;
	s20 =	sshll.u32 s5, $0x1;
	s5 =	sadd.s32 s21, s3  }
0x9d: {  	[timem:s7], [sflag:s22] =	dma.local [hbm:s5], s20  }
0x9e: {  	_ =	swait.ge [sflag:s22], s20  }
0x9f: {  	s4 =	ssub.s32 $0x0, s20;
	[sflag:s22] =	ssyncset.done $0x0  }
0xa0: {  	[sflag:s22] =	ssyncadd.s32 s4;
	_ =	sdelay $0x1  }
0xa1: {  	s23 =	simm.s32 $0x1B8B  }
0xa2: {  	_ =	swait.ge [sflag:s23], $0x1  }
0xa3: {  	[sflag:s23] =	ssyncset.done $0x0  }
0xa4: {  	s25 =	simm.s32 $0x1B8E;
	s24 =	sld [smem:$0x3FFE];
	[sflag:s23] =	ssyncadd.s32 $0xFFFFFFFF  }
0xa5: {  	s26 =	simm.s32 $execute0_lowered;
	[smem:$0x3FD2] =	sst s25  }
0xa6: {  	s5 =	sshll.u32 s26, $0x1;
	_ =	strace $0x80000049;
	[dreg:$0x1] =	wrdreg $0xFFFFFFFF  }
0xa7: {  	s28 =	simm.s32 $_size_execute0_lowered;
	s3 =	sadd.s32 s3, s5;
	[dreg:$0x0] =	wrdreg $0x0  }
0xa8: {  	s5 =	sshll.u32 s28, $0x1;
	[dreg:$0x2] =	wrdreg s3  }
0xa9: {  	[dreg:$0x3] =	wrdreg s5  }
0xaa: {  	[dreg:$0x4] =	wrdreg $0xC0  }
0xab: {  	_ =	task [dreg:s7], $0x5FFFF  }
0xac: {  	[dreg:$0x1] =	wrdreg $0xFFFFFFFF  }
0xad: {  	[dreg:$0x0] =	wrdreg $0x60  }
0xae: {  	[dreg:$0x2] =	wrdreg s24  }
0xaf: {  	[dreg:$0x3] =	wrdreg s2  }
0xb0: {  	[dreg:$0x4] =	wrdreg $0xB8000  }
0xb1: {  	[dreg:$0x5] =	wrdreg $0x9  }
0xb2: {  	_ =	task.clear_ibuf [dreg:s7], $0x6FFFF;
	_ =	strace $0x90000049  }
0xb3: {  	s29 =	simm.s32 $0x9;
	_ =	strace $0x8000004B  }
0xb4: {  	_ =	swait.ge [sflag:s29], $0x1  }
0xb5: {  	[sflag:s29] =	ssyncadd.s32 $0xFFFFFFFF  }
0xb6: {  	_ =	strace $0x9000004B  }
0xb7: {  	_ =	sfence  }
0xb8: {  	s30 =	sld [smem:$0x0];
	_ =	sdelay $0x2  }
0xb9: {  	s31 =	sshll.u32 s1, $0xD;
	s1 =	sshrl.u32 s1, $0x2  }
0xba: {  	s3 =	sand.u32 $0x4000, s31;
	s1 =	sadd.s32 s1, s30  }
0xbb: {  	s0 =	sor.u32 s3, s0;
	s1 =	sshll.u32 s1, $0x11  }
0xbc: {  	s0 =	sor.u32 s1, s0  }
0xbd: {  	s0 =	sadd.s32 $0x8F2B, s0  }
0xbe: {  	[sflag:s0] =	ssyncadd.remote.s32 $0x1  }
0xbf: {  	_ =	sfence.sel $0xFFFF  }
0xc0: {  	[dreg:$0x0] =	wrdreg $0xFFFFFFFF;
	(pc) =	sbr.abs _section_cstart, $3  }
0xc1: {  	[dreg:$0x1] =	wrdreg $0xFFFFFFFF  }
0xc2: {  	_ =	task.clear_ibuf [dreg:s7], $0x2FFFF;
	_ =	strace $0x9FFFFFFF  }
0xc3: {  	(tm) =	ssettm $0x7FFFFFFF  }
tec
execute0_lowered:
.L_overlay_start_1:
0x0: {  	(tag) =	ssettag $0x1  }
0x1: {  	s0 =	srdreg.scid  }
0x2: {  	s9 =	stileid.u32;
	s1 =	rddreg [dreg:$0x0]  }
0x3: {  	s6 =	rddreg [dreg:$0x1];
	s30 =	simm.s32 $0x5;
	s31 =	simm.s32 $0x1400  }
0x4: {  	s11 =	simm.s32 $0x4;
	s12 =	simm.s32 $0x0;
	s8 =	smul.u32 $0x14000, s9  }
0x5: {  	s0 =	sand.u32 $0x1, s0;
	s2 =	sshll.u32 s9, $0x1;
	s9 =	smul.u32 $0x50000, s9  }
0x6: {  	s4 =	sadd.s32 $0x1600, s1;
	s3 =	sor.u32 s0, s2;
	s5 =	smul.u32 $0x140000, s0  }
0x7: {  	s2 =	rddreg [dreg:$0x2];
	s0 =	ssub.s32 $0x2, s0;
	s7 =	smul.u32 $0x280, s3  }
0x8: {  	s3 =	simm.s32 $0x0;
	s17 =	sshrl.u32 s0, $0x1;
	s9 =	sshrl.u32 s9, $0x2  }
0x9: {  	[smem:$0x7FF] =	sst s3;
	s5 =	sadd.s32 s8, s5;
	s0 =	ssub.s32 s0, s17  }
0xa: {  	s8 =	simm.s32 $0x1;
	_ =	strace $0x8000004A;
	s5 =	sshrl.u32 s5, $0x3  }
0xb: {  	s10 =	sadd.s32 s7, s1;
	s6 =	sadd.s32 s6, s7;
	s1 =	sadd.s32 s5, s1  }
0xc: {  	s5 =	sadd.s32 s9, s2;
	[dreg:$0x4] =	wrdreg s6;
	s18 =	sadd.s32 $0x420200, s10  }
0xd: {  	s7 =	simm.s32 $0xA800;
	[dreg:$0x5] =	wrdreg s18;
	s19 =	sadd.s32 $0x1000, s5  }
0xe: {  	s6 =	simm.s32 $0x6800;
	s20 =	sadd.s32 $0x2000, s5;
	[dreg:$0x6] =	wrdreg s19  }
0xf: {  	s9 =	simm.s32 $0x3;
	s21 =	sadd.s32 $0x3000, s5;
	[dreg:$0x7] =	wrdreg s20  }
0x10: {  	s10 =	simm.s32 $0x2;
	s22 =	sadd.s32 $0x4000, s5;
	[dreg:$0x8] =	wrdreg s21  }
0x11: {  	s23 =	sadd.s32 $0x5000, s5;
	s24 =	sadd.s32 $0x6000, s5;
	[dreg:$0x9] =	wrdreg s22  }
0x12: {  	s25 =	sadd.s32 $0x7000, s5;
	s26 =	sadd.s32 $0x8000, s5;
	[dreg:$0xa] =	wrdreg s23  }
0x13: {  	s16 =	sadd.s32 $0x9000, s5;
	s17 =	sadd.s32 $0xA000, s5;
	[dreg:$0xb] =	wrdreg s24  }
0x14: {  	s18 =	sadd.s32 $0xB000, s5;
	s28 =	sadd.s32 $0x12000, s5;
	[dreg:$0xc] =	wrdreg s25  }
0x15: {  	s29 =	sadd.s32 $0x13000, s5;
	[dreg:$0xd] =	wrdreg s26;
	s19 =	sadd.s32 $0xC000, s5  }
0x16: {  	s20 =	sadd.s32 $0xD000, s5;
	s21 =	sadd.s32 $0xE000, s5;
	s22 =	sadd.s32 $0xF000, s5  }
0x17: {  	s23 =	sadd.s32 $0x10000, s5;
	s24 =	sadd.s32 $0x425200, s1;
	s25 =	smax.u32 s0, $0x1  }
0x18: {  	v0 =	vimm.f32 $0.0e+00;
	s26 =	sadd.s32 $0x11000, s5;
	s1 =	simm.s32 $0x80;
	s0 =	simm.s32 $0x2800  }
.LBB2_1:
0x19: {  	s13 =	rddreg [dreg:$0x4]  }
0x1a: {  	[tilespmem:s3], [sflag:$0x5] =	stream.linear.gather [hbm4b:s13+s3], $0x1400, $0x38;
	[tilespmem:$0x1F800] =	vst v63  }
0x1b: {  	_ =	swait.ge [sflag:s30], $0x1400  }
0x1c: {  	[sflag:s30] =	ssyncset.done $0x0  }
0x1d: {  	s15 =	rddreg [dreg:$0x5];
	[sflag:s30] =	ssyncadd.s32 $0xFFFFEC00  }
0x1e: {  	[tilespmem:s31], [sflag:$0x5] =	stream.linear.gather [hbm4b:s15+s3], $0x1400, $0x38;
	[tilespmem:$0x1F800] =	vst v63  }
0x1f: {  	_ =	swait.ge [sflag:s30], $0x1400  }
0x20: {  	[sflag:s30] =	ssyncset.done $0x0  }
0x21: {  	[sflag:s30] =	ssyncadd.s32 $0xFFFFEC00  }
0x22: {  	[tilespmem:s0], [sflag:$0x1] =	stream.indirect.gather [hbm4b:s4+s1], $0x80, s3, s1, $0xb8;
	[tilespmem:$0x1F800] =	vst v63  }
0x23: {  	s14 =	simm.s32 $0x200;
	s13 =	simm.s32 $0x0  }
0x24: {  	[tilespmem:s6], [sflag:$0x2] =	stream.indirect.gather [hbm4b:s4+s1], $0x80, s1, s1, $0xb8;
	[tilespmem:$0x1F800] =	vst v63  }
.LBB2_2:
0x25: {  	p0 =	sne.s32 s14, $0x3E00;
	[tilespmem:s13+$0xA870] =	vst v0  }
0x26: {  	[tilespmem:s13+$0xA800] =	vst v0  }
0x27: {  	[tilespmem:s13+$0xA810] =	vst v0  }
.Ltmp0:
0x28: {  	[tilespmem:s13+$0xA820] =	vst v0;
	(pc) =	sbr.rel @p0 .LBB2_2-.Ltmp0, $4  }
0x29: {  	[tilespmem:s13+$0xA830] =	vst v0  }
0x2a: {  	[tilespmem:s13+$0xA840] =	vst v0  }
0x2b: {  	[tilespmem:s13+$0xA850] =	vst v0  }
0x2c: {  	[tilespmem:s13+$0xA860] =	vst v0;
	s13 =	sshra.s32 s14, $0x2;
	s14 =	sadd.s32 $0x200, s14  }
0x2d: {  	[tilespmem:s13+$0xA870] =	vst v0  }
0x2e: {  	[tilespmem:s13+$0xA800] =	vst v0  }
0x2f: {  	[tilespmem:s13+$0xA810] =	vst v0  }
0x30: {  	[tilespmem:s13+$0xA820] =	vst v0  }
0x31: {  	[tilespmem:s13+$0xA830] =	vst v0  }
0x32: {  	[tilespmem:s13+$0xA840] =	vst v0  }
0x33: {  	[tilespmem:s13+$0xA850] =	vst v0  }
0x34: {  	[tilespmem:s13+$0xA860] =	vst v0  }
0x35: {  	[spmem:s5] =	stream.linear.scatter [tilespmem:s7], [sflag:$0x5], $0x1000, $0x38;
	[tilespmem:$0x1F800] =	vst v63  }
0x36: {  	_ =	swait.ge [sflag:s30], $0x1000  }
0x37: {  	[sflag:s30] =	ssyncset.done $0x0  }
0x38: {  	s15 =	rddreg [dreg:$0x6];
	[sflag:s30] =	ssyncadd.s32 $0xFFFFF000  }
0x39: {  	[spmem:s15] =	stream.linear.scatter [tilespmem:s7], [sflag:$0x5], $0x1000, $0x38;
	[tilespmem:$0x1F800] =	vst v63  }
0x3a: {  	_ =	swait.ge [sflag:s30], $0x1000  }
0x3b: {  	[sflag:s30] =	ssyncset.done $0x0  }
0x3c: {  	s14 =	rddreg [dreg:$0x7];
	[sflag:s30] =	ssyncadd.s32 $0xFFFFF000  }
0x3d: {  	[spmem:s14] =	stream.linear.scatter [tilespmem:s7], [sflag:$0x5], $0x1000, $0x38;
	[tilespmem:$0x1F800] =	vst v63  }
0x3e: {  	_ =	swait.ge [sflag:s30], $0x1000  }
0x3f: {  	[sflag:s30] =	ssyncset.done $0x0  }
0x40: {  	s15 =	rddreg [dreg:$0x8];
	[sflag:s30] =	ssyncadd.s32 $0xFFFFF000  }
0x41: {  	[spmem:s15] =	stream.linear.scatter [tilespmem:s7], [sflag:$0x5], $0x1000, $0x38;
	[tilespmem:$0x1F800] =	vst v63  }
0x42: {  	_ =	swait.ge [sflag:s30], $0x1000  }
0x43: {  	[sflag:s30] =	ssyncset.done $0x0  }
0x44: {  	s14 =	rddreg [dreg:$0x9];
	[sflag:s30] =	ssyncadd.s32 $0xFFFFF000  }
0x45: {  	[spmem:s14] =	stream.linear.scatter [tilespmem:s7], [sflag:$0x5], $0x1000, $0x38;
	[tilespmem:$0x1F800] =	vst v63  }
0x46: {  	_ =	swait.ge [sflag:s30], $0x1000  }
0x47: {  	[sflag:s30] =	ssyncset.done $0x0  }
0x48: {  	s15 =	rddreg [dreg:$0xa];
	[sflag:s30] =	ssyncadd.s32 $0xFFFFF000  }
0x49: {  	[spmem:s15] =	stream.linear.scatter [tilespmem:s7], [sflag:$0x5], $0x1000, $0x38;
	[tilespmem:$0x1F800] =	vst v63  }
0x4a: {  	_ =	swait.ge [sflag:s30], $0x1000  }
0x4b: {  	[sflag:s30] =	ssyncset.done $0x0  }
0x4c: {  	s14 =	rddreg [dreg:$0xb];
	[sflag:s30] =	ssyncadd.s32 $0xFFFFF000  }
0x4d: {  	[spmem:s14] =	stream.linear.scatter [tilespmem:s7], [sflag:$0x5], $0x1000, $0x38;
	[tilespmem:$0x1F800] =	vst v63  }
0x4e: {  	_ =	swait.ge [sflag:s30], $0x1000  }
0x4f: {  	[sflag:s30] =	ssyncset.done $0x0  }
0x50: {  	s15 =	rddreg [dreg:$0xc];
	[sflag:s30] =	ssyncadd.s32 $0xFFFFF000  }
0x51: {  	[spmem:s15] =	stream.linear.scatter [tilespmem:s7], [sflag:$0x5], $0x1000, $0x38;
	[tilespmem:$0x1F800] =	vst v63  }
0x52: {  	_ =	swait.ge [sflag:s30], $0x1000  }
0x53: {  	[sflag:s30] =	ssyncset.done $0x0  }
0x54: {  	s14 =	rddreg [dreg:$0xd];
	[sflag:s30] =	ssyncadd.s32 $0xFFFFF000  }
0x55: {  	[spmem:s14] =	stream.linear.scatter [tilespmem:s7], [sflag:$0x5], $0x1000, $0x38;
	[tilespmem:$0x1F800] =	vst v63  }
0x56: {  	_ =	swait.ge [sflag:s30], $0x1000  }
0x57: {  	[sflag:s30] =	ssyncset.done $0x0  }
0x58: {  	[sflag:s30] =	ssyncadd.s32 $0xFFFFF000  }
0x59: {  	[spmem:s16] =	stream.linear.scatter [tilespmem:s7], [sflag:$0x5], $0x1000, $0x38;
	[tilespmem:$0x1F800] =	vst v63  }
0x5a: {  	_ =	swait.ge [sflag:s30], $0x1000  }
0x5b: {  	[sflag:s30] =	ssyncset.done $0x0  }
0x5c: {  	[sflag:s30] =	ssyncadd.s32 $0xFFFFF000  }
0x5d: {  	[spmem:s17] =	stream.linear.scatter [tilespmem:s7], [sflag:$0x5], $0x1000, $0x38;
	[tilespmem:$0x1F800] =	vst v63  }
0x5e: {  	_ =	swait.ge [sflag:s30], $0x1000  }
0x5f: {  	[sflag:s30] =	ssyncset.done $0x0  }
0x60: {  	[sflag:s30] =	ssyncadd.s32 $0xFFFFF000  }
0x61: {  	[spmem:s18] =	stream.linear.scatter [tilespmem:s7], [sflag:$0x5], $0x1000, $0x38;
	[tilespmem:$0x1F800] =	vst v63  }
0x62: {  	_ =	swait.ge [sflag:s30], $0x1000  }
0x63: {  	[sflag:s30] =	ssyncset.done $0x0  }
0x64: {  	[sflag:s30] =	ssyncadd.s32 $0xFFFFF000  }
0x65: {  	[spmem:s19] =	stream.linear.scatter [tilespmem:s7], [sflag:$0x5], $0x1000, $0x38;
	[tilespmem:$0x1F800] =	vst v63  }
0x66: {  	_ =	swait.ge [sflag:s30], $0x1000  }
0x67: {  	[sflag:s30] =	ssyncset.done $0x0  }
0x68: {  	[sflag:s30] =	ssyncadd.s32 $0xFFFFF000  }
0x69: {  	[spmem:s20] =	stream.linear.scatter [tilespmem:s7], [sflag:$0x5], $0x1000, $0x38;
	[tilespmem:$0x1F800] =	vst v63  }
0x6a: {  	_ =	swait.ge [sflag:s30], $0x1000  }
0x6b: {  	[sflag:s30] =	ssyncset.done $0x0  }
0x6c: {  	[sflag:s30] =	ssyncadd.s32 $0xFFFFF000  }
0x6d: {  	[spmem:s21] =	stream.linear.scatter [tilespmem:s7], [sflag:$0x5], $0x1000, $0x38;
	[tilespmem:$0x1F800] =	vst v63  }
0x6e: {  	_ =	swait.ge [sflag:s30], $0x1000  }
0x6f: {  	[sflag:s30] =	ssyncset.done $0x0  }
0x70: {  	[sflag:s30] =	ssyncadd.s32 $0xFFFFF000  }
0x71: {  	[spmem:s22] =	stream.linear.scatter [tilespmem:s7], [sflag:$0x5], $0x1000, $0x38;
	[tilespmem:$0x1F800] =	vst v63  }
0x72: {  	_ =	swait.ge [sflag:s30], $0x1000  }
0x73: {  	[sflag:s30] =	ssyncset.done $0x0  }
0x74: {  	[sflag:s30] =	ssyncadd.s32 $0xFFFFF000  }
0x75: {  	[spmem:s23] =	stream.linear.scatter [tilespmem:s7], [sflag:$0x5], $0x1000, $0x38;
	[tilespmem:$0x1F800] =	vst v63  }
0x76: {  	_ =	swait.ge [sflag:s30], $0x1000  }
0x77: {  	[sflag:s30] =	ssyncset.done $0x0  }
0x78: {  	[sflag:s30] =	ssyncadd.s32 $0xFFFFF000  }
0x79: {  	[spmem:s26] =	stream.linear.scatter [tilespmem:s7], [sflag:$0x5], $0x1000, $0x38;
	[tilespmem:$0x1F800] =	vst v63  }
0x7a: {  	_ =	swait.ge [sflag:s30], $0x1000  }
0x7b: {  	[sflag:s30] =	ssyncset.done $0x0  }
0x7c: {  	[sflag:s30] =	ssyncadd.s32 $0xFFFFF000  }
0x7d: {  	[spmem:s28] =	stream.linear.scatter [tilespmem:s7], [sflag:$0x5], $0x1000, $0x38;
	[tilespmem:$0x1F800] =	vst v63  }
0x7e: {  	_ =	swait.ge [sflag:s30], $0x1000  }
0x7f: {  	[sflag:s30] =	ssyncset.done $0x0  }
0x80: {  	[sflag:s30] =	ssyncadd.s32 $0xFFFFF000  }
0x81: {  	[spmem:s29] =	stream.linear.scatter [tilespmem:s7], [sflag:$0x5], $0x1000, $0x38;
	[tilespmem:$0x1F800] =	vst v63  }
0x82: {  	_ =	swait.ge [sflag:s30], $0x1000  }
0x83: {  	[sflag:s30] =	ssyncset.done $0x0  }
0x84: {  	[sflag:s30] =	ssyncadd.s32 $0xFFFFF000  }
0x85: {  	[bflag:$0x0] =	sbarrier.arrive $0xFFFF  }
0x86: {  	_ =	swait.ge [sflag:s8], $0x4000  }
0x87: {  	[sflag:s8] =	ssyncset.done $0x0  }
0x88: {  	[sflag:s8] =	ssyncadd.s32 $0xFFFFC000  }
0x89: {  	[spmem:s2] =	stream.indirect.scatter.add.f32 [tilespmem:s0], [sflag:$0x3], $0x80, s31, s1, $0xb8;
	[tilespmem:$0x1F800] =	vst v63  }
0x8a: {  	_ =	swait.ge [sflag:s9], $0x4000  }
0x8b: {  	[sflag:s9] =	ssyncset.done $0x0  }
0x8c: {  	s15 =	simm.s32 $0x100;
	[sflag:s9] =	ssyncadd.s32 $0xFFFFC000  }
0x8d: {  	[tilespmem:s0], [sflag:$0x1] =	stream.indirect.gather [hbm4b:s4+s1], $0x80, s15, s1, $0xb8;
	[tilespmem:$0x1F800] =	vst v63  }
0x8e: {  	_ =	swait.ge [sflag:s10], $0x4000  }
0x8f: {  	[sflag:s10] =	ssyncset.done $0x0  }
0x90: {  	s14 =	simm.s32 $0x1480;
	[sflag:s10] =	ssyncadd.s32 $0xFFFFC000  }
0x91: {  	[spmem:s2] =	stream.indirect.scatter.add.f32 [tilespmem:s6], [sflag:$0x4], $0x80, s14, s1, $0xb8;
	[tilespmem:$0x1F800] =	vst v63  }
0x92: {  	_ =	swait.ge [sflag:s11], $0x4000  }
0x93: {  	[sflag:s11] =	ssyncset.done $0x0  }
0x94: {  	s15 =	simm.s32 $0x180;
	[sflag:s11] =	ssyncadd.s32 $0xFFFFC000  }
0x95: {  	[tilespmem:s6], [sflag:$0x2] =	stream.indirect.gather [hbm4b:s4+s1], $0x80, s15, s1, $0xb8;
	[tilespmem:$0x1F800] =	vst v63  }
0x96: {  	_ =	swait.ge [sflag:s8], $0x4000  }
0x97: {  	[sflag:s8] =	ssyncset.done $0x0  }
0x98: {  	s14 =	simm.s32 $0x1500;
	[sflag:s8] =	ssyncadd.s32 $0xFFFFC000  }
0x99: {  	[spmem:s2] =	stream.indirect.scatter.add.f32 [tilespmem:s0], [sflag:$0x3], $0x80, s14, s1, $0xb8;
	[tilespmem:$0x1F800] =	vst v63  }
0x9a: {  	_ =	swait.ge [sflag:s9], $0x4000  }
0x9b: {  	[sflag:s9] =	ssyncset.done $0x0  }
0x9c: {  	s15 =	simm.s32 $0x200;
	[sflag:s9] =	ssyncadd.s32 $0xFFFFC000  }
0x9d: {  	[tilespmem:s0], [sflag:$0x1] =	stream.indirect.gather [hbm4b:s4+s1], $0x80, s15, s1, $0xb8;
	[tilespmem:$0x1F800] =	vst v63  }
0x9e: {  	_ =	swait.ge [sflag:s10], $0x4000  }
0x9f: {  	[sflag:s10] =	ssyncset.done $0x0  }
0xa0: {  	s13 =	simm.s32 $0xFFFFBC00;
	s14 =	simm.s32 $0x1580;
	[sflag:s10] =	ssyncadd.s32 $0xFFFFC000  }
.LBB2_4:
0xa1: {  	[spmem:s2] =	stream.indirect.scatter.add.f32 [tilespmem:s6], [sflag:$0x4], $0x80, s14, s1, $0xb8;
	[tilespmem:$0x1F800] =	vst v63  }
0xa2: {  	s14 =	smov.u32 s13  }
0xa3: {  	p0 =	sne.s32 s13, $0xFFFFFC00;
	s13 =	sadd.s32 $0x400, s13;
	_ =	swait.ge [sflag:s11], $0x4000  }
0xa4: {  	s14 =	sshra.s32 s14, $0x2;
	[sflag:s11] =	ssyncset.done $0x0  }
0xa5: {  	s15 =	sadd.s32 $0x1380, s14;
	[sflag:s11] =	ssyncadd.s32 $0xFFFFC000  }
0xa6: {  	[tilespmem:s6], [sflag:$0x2] =	stream.indirect.gather [hbm4b:s4+s1], $0x80, s15, s1, $0xb8;
	[tilespmem:$0x1F800] =	vst v63  }
0xa7: {  	_ =	swait.ge [sflag:s8], $0x4000  }
0xa8: {  	[sflag:s8] =	ssyncset.done $0x0  }
0xa9: {  	s15 =	sadd.s32 $0x2700, s14;
	[sflag:s8] =	ssyncadd.s32 $0xFFFFC000  }
0xaa: {  	[spmem:s2] =	stream.indirect.scatter.add.f32 [tilespmem:s0], [sflag:$0x3], $0x80, s15, s1, $0xb8;
	[tilespmem:$0x1F800] =	vst v63  }
0xab: {  	_ =	swait.ge [sflag:s9], $0x4000  }
0xac: {  	[sflag:s9] =	ssyncset.done $0x0  }
.Ltmp1:
0xad: {  	s15 =	sadd.s32 $0x1400, s14;
	[sflag:s9] =	ssyncadd.s32 $0xFFFFC000;
	(pc) =	sbr.rel @p0 .LBB2_4-.Ltmp1, $4  }
0xae: {  	[tilespmem:s0], [sflag:$0x1] =	stream.indirect.gather [hbm4b:s4+s1], $0x80, s15, s1, $0xb8;
	[tilespmem:$0x1F800] =	vst v63  }
0xaf: {  	_ =	swait.ge [sflag:s10], $0x4000  }
0xb0: {  	[sflag:s10] =	ssyncset.done $0x0  }
0xb1: {  	s14 =	sadd.s32 $0x2780, s14;
	[sflag:s10] =	ssyncadd.s32 $0xFFFFC000  }
0xb2: {  	[spmem:s2] =	stream.indirect.scatter.add.f32 [tilespmem:s6], [sflag:$0x4], $0x80, s14, s1, $0xb8;
	[tilespmem:$0x1F800] =	vst v63  }
0xb3: {  	_ =	swait.ge [sflag:s11], $0x4000  }
0xb4: {  	[sflag:s11] =	ssyncset.done $0x0  }
0xb5: {  	s13 =	simm.s32 $0x1380;
	[sflag:s11] =	ssyncadd.s32 $0xFFFFC000  }
0xb6: {  	[tilespmem:s6], [sflag:$0x2] =	stream.indirect.gather [hbm4b:s4+s1], $0x80, s13, s1, $0xb8;
	[tilespmem:$0x1F800] =	vst v63  }
0xb7: {  	_ =	swait.ge [sflag:s8], $0x4000  }
0xb8: {  	[sflag:s8] =	ssyncset.done $0x0  }
0xb9: {  	s14 =	simm.s32 $0x2700;
	[sflag:s8] =	ssyncadd.s32 $0xFFFFC000  }
0xba: {  	[spmem:s2] =	stream.indirect.scatter.add.f32 [tilespmem:s0], [sflag:$0x3], $0x80, s14, s1, $0xb8;
	[tilespmem:$0x1F800] =	vst v63  }
0xbb: {  	_ =	swait.ge [sflag:s9], $0x4000  }
0xbc: {  	[sflag:s9] =	ssyncset.done $0x0  }
0xbd: {  	[sflag:s9] =	ssyncadd.s32 $0xFFFFC000  }
0xbe: {  	_ =	swait.ge [sflag:s10], $0x4000  }
0xbf: {  	[sflag:s10] =	ssyncset.done $0x0  }
0xc0: {  	s15 =	simm.s32 $0x2780;
	[sflag:s10] =	ssyncadd.s32 $0xFFFFC000  }
0xc1: {  	[spmem:s2] =	stream.indirect.scatter.add.f32 [tilespmem:s6], [sflag:$0x4], $0x80, s15, s1, $0xb8;
	[tilespmem:$0x1F800] =	vst v63  }
0xc2: {  	s14 =	stileid.u32;
	_ =	swait.ge [sflag:s11], $0x4000  }
0xc3: {  	s12 =	sadd.s32 $0x1, s12;
	s13 =	sshll.u32 s14, $0x6;
	[sflag:s11] =	ssyncset.done $0x0  }
0xc4: {  	p0 =	sne.s32 s12, s25;
	s13 =	sor.u32 $0x1C05, s13;
	[sflag:s11] =	ssyncadd.s32 $0xFFFFC000  }
.Ltmp2:
0xc5: {  	s15 =	sshrl.u32 s5, $0x3;
	[bflag:$0x0] =	sbarrier.arrive $0xFFFF;
	(pc) =	sbr.rel @p0 .LBB2_1-.Ltmp2, $4  }
0xc6: {  	[hbm:s24], [sflag:s13] =	dma.local [spmem:s15], $0x2800  }
0xc7: {  	_ =	swait.ge [sflag:s30], $0x2800  }
0xc8: {  	[sflag:s30] =	ssyncset.done $0x0  }
0xc9: {  	[sflag:s30] =	ssyncadd.s32 $0xFFFFD800  }
0xca: {  	_ =	sfence.sel $0x180000  }
0xcb: {  	[bflag:$0x0] =	sbarrier.arrive $0xFFFF  }
0xcc: {  	_ =	strace $0x9000004A  }
0xcd: {  	s0 =	stileid.u32;
	[bflag:$0x2] =	sbarrier.arrive $0xFFFF  }
0xce: {  	p0 =	sne.s32 s0, $0x0;
	s0 =	rddreg [dreg:$0x3]  }
0xcf: {  	s0 =	sadd.s32 @!p0 $0x100000, s0  }
0xd0: {  	[sflag:s0] =	ssyncadd.tile.s32 @!p0 $0x1;
	_ =	shalt  }
.Lfunc_end2:
_tile_overlayer_lowered:
.L_overlay_start_2:
0xd1: {  	(tag) =	ssettag $0x2  }
0xd2: {  	s0 =	rddreg [dreg:$0x0];
	s2 =	stileid.u32  }
0xd3: {  	s1 =	rddreg [dreg:$0x1];
	p0 =	sne.s32 s2, $0x0  }
0xd4: {  	s3 =	rddreg [dreg:$0x2];
	[bflag:$0x3] =	sbarrier.arrive $0xFFFF;
	s2 =	simm.s32 @!p0 $0x1C05  }
0xd5: {  	[timem:s3], [sflag:s2] =	dma.local @!p0 [hbm:s0], s1  }
0xd6: {  	s0 =	simm.s32 @!p0 $0x5  }
0xd7: {  	_ =	swait.ge @!p0 [sflag:s0], s1  }
0xd8: {  	s1 =	ssub.s32 @!p0 $0x0, s1;
	[sflag:s0] =	ssyncset.done @!p0 $0x0  }
0xd9: {  	[sflag:s0] =	ssyncadd.s32 @!p0 s1  }
0xda: {  	[bflag:$0x3] =	sbarrier.arrive $0xFFFF  }
0xdb: {  	_ =	shalt  }

// kernel: kernel.7.cloned.1.call-start
scs
__scs_entry_jumppad:
0x0: {  	(pc) =	sbr.rel $0x88, $3  }
0x1: {  	(tag) =	ssettag $0x0;
	lr =	simm.s32 $0x1  }
0x2: {  	[smem:$0x3F98] =	sst lr;
	_ =	strace $0xD0000000  }
0x3: {  	_ = 	snop  }
0x4: {  	_ = 	snop  }
0x5: {  	_ = 	snop  }
0x6: {  	_ = 	snop  }
0x7: {  	_ = 	snop  }
__scs_overlays_trampoline_lowered:
0x8: {  	[smem:$0x3FA7] =	sst s0  }
0x9: {  	[smem:$0x3FA8] =	sst s1  }
0xa: {  	[smem:$0x3FA9] =	sst s2  }
0xb: {  	[smem:$0x3FAA] =	sst s3  }
0xc: {  	[smem:$0x3FAB] =	sst s4  }
0xd: {  	[smem:$0x3FAC] =	sst s5  }
0xe: {  	[smem:$0x3FAD] =	sst s6  }
0xf: {  	[smem:$0x3FAE] =	sst s7  }
0x10: {  	[smem:$0x3FAF] =	sst s8  }
0x11: {  	[smem:$0x3FB0] =	sst s9;
	s0 =	simm.s32 @!p0 $0x0  }
0x12: {  	s1 =	sld [smem:$0x3F96];
	s0 =	simm.s32 @p0 $0x1  }
0x13: {  	[smem:$0x3FB1] =	sst s0;
	s0 =	simm.s32 @!p1 $0x0  }
0x14: {  	s2 =	sld [smem:$0x3F95];
	s0 =	simm.s32 @p1 $0x1  }
0x15: {  	[smem:$0x3FB2] =	sst s0;
	s0 =	simm.s32 @!p2 $0x0  }
0x16: {  	s3 =	sld [smem:$0x3FDB];
	s0 =	simm.s32 @p2 $0x1  }
0x17: {  	s4 =	simm.s32 $0x1BF5;
	[smem:$0x3FB4] =	sst s0  }
0x18: {  	s0 =	sld [smem:$0x3F97];
	_ =	swait.ge [sflag:s4], $0x0  }
0x19: {  	s7 =	sld [smem:$0x3F98]  }
0x1a: {  	s8 =	sadd.s32 $0xFFFFE003, lr  }
0x1b: {  	s9 =	sadd.s32 $0xFFFFFEF7, lr;
	s5 =	simm.s32 $0xFFFFFFFF;
	p2 =	slt.u32 s8, $0xFFFFF086  }
0x1c: {  	p1 =	slt.u32 s9, $0xF7A;
	s5 =	simm.s32 @!p2 $0x0  }
0x1d: {  	s5 =	simm.s32 @p1 $0x1;
	p0 =	seq.s32 s7, s2  }
0x1e: {  	s7 =	smul.u32 @!p0 $0xF7A, s2;
	p2 =	seq.s32 @!p0 s5, $0x0  }
0x1f: {  	s9 =	smul.u32 $0xF7A, s1;
	s8 =	simm.s32 @!p0 $0x1BF5;
	p2 =	por !p2, p0  }
0x20: {  	[sflag:s8] =	ssyncset.s32 @!p0 $0xFFFFF086;
	s6 =	sadd.s32 @!p0 s3, s7;
	s7 =	simm.s32 @!p0 $0x108  }
0x21: {  	s3 =	sadd.s32 s3, s9;
	s6 =	sadd.s32 @!p0 $0x88, s6;
	s7 =	simm.s32 @p2 $0x1082  }
0x22: {  	[simem:s7], [sflag:s8] =	dma.local @!p0 [hbm:s6], $0xF7A  }
0x23: {  	s9 =	sor.u32 $0xD0000000, s2;
	s6 =	simm.s32 $0x108;
	_ =	swait.ge @!p0 [sflag:s8], $0x0  }
0x24: {  	s3 =	sadd.s32 $0x88, s3;
	s6 =	simm.s32 @!p1 $0x1082;
	[sflag:s4] =	ssyncset.s32 $0xFFFFF086  }
0x25: {  	[simem:s6], [sflag:s4] =	dma.local [hbm:s3], $0xF7A  }
0x26: {  	[smem:$0x3F98] =	sst s1;
	(tag) =	ssettag s2;
	_ =	strace s9  }
0x27: {  	s1 =	sld [smem:$0x3FA8]  }
0x28: {  	s2 =	sld [smem:$0x3FA9]  }
0x29: {  	s4 =	sld [smem:$0x3FAB]  }
0x2a: {  	p0 =	seq.s32 s5, $0x0;
	s5 =	sld [smem:$0x3FAC]  }
0x2b: {  	s6 =	sld [smem:$0x3FAD]  }
0x2c: {  	s7 =	sld [smem:$0x3FAE]  }
0x2d: {  	s3 =	simm.s32 $0x108;
	s8 =	sld [smem:$0x3FAF]  }
0x2e: {  	s3 =	simm.s32 @!p0 $0x1082;
	s9 =	sld [smem:$0x3FB0]  }
0x2f: {  	lr =	sadd.s32 s0, s3;
	s0 =	sld [smem:$0x3FA7]  }
0x30: {  	s3 =	sld [smem:$0x3FAA]  }
0x31: {  	[smem:$0x3FB3] =	sst s10  }
0x32: {  	s10 =	sld [smem:$0x3FB1];
	_ =	sdelay $0x3  }
0x33: {  	p0 =	seq.s32 s10, $0x1;
	s10 =	sld [smem:$0x3FB3];
	_ =	sdelay $0x3  }
0x34: {  	[smem:$0x3FB3] =	sst s10  }
0x35: {  	s10 =	sld [smem:$0x3FB2];
	_ =	sdelay $0x3  }
0x36: {  	p1 =	seq.s32 s10, $0x1;
	s10 =	sld [smem:$0x3FB3];
	_ =	sdelay $0x3  }
0x37: {  	[smem:$0x3FB3] =	sst s10  }
0x38: {  	s10 =	sld [smem:$0x3FB4]  }
0x39: {  	_ = 	snop;
	(pc) =	sbr.ind lr, $3  }
0x3a: {  	_ = 	snop  }
0x3b: {  	_ = 	snop  }
0x3c: {  	p2 =	seq.s32 s10, $0x1;
	s10 =	sld [smem:$0x3FB3]  }
0x3d: {  	_ =	shalt  }
0x3e: {  	_ =	shalt  }
0x3f: {  	_ =	shalt  }
0x40: {  	_ =	shalt  }
0x41: {  	_ =	shalt  }
0x42: {  	_ =	shalt  }
0x43: {  	_ =	shalt  }
0x44: {  	_ =	shalt  }
0x45: {  	_ =	shalt  }
0x46: {  	_ =	shalt  }
0x47: {  	_ =	shalt  }
0x48: {  	_ =	shalt  }
0x49: {  	_ =	shalt  }
0x4a: {  	_ =	shalt  }
0x4b: {  	_ =	shalt  }
0x4c: {  	_ =	shalt  }
0x4d: {  	_ =	shalt  }
0x4e: {  	_ =	shalt  }
0x4f: {  	_ =	shalt  }
0x50: {  	_ =	shalt  }
0x51: {  	_ =	shalt  }
0x52: {  	_ =	shalt  }
0x53: {  	_ =	shalt  }
0x54: {  	_ =	shalt  }
0x55: {  	_ =	shalt  }
0x56: {  	_ =	shalt  }
0x57: {  	_ =	shalt  }
0x58: {  	_ =	shalt  }
0x59: {  	_ =	shalt  }
0x5a: {  	_ =	shalt  }
0x5b: {  	_ =	shalt  }
0x5c: {  	_ =	shalt  }
0x5d: {  	_ =	shalt  }
0x5e: {  	_ =	shalt  }
0x5f: {  	_ =	shalt  }
0x60: {  	_ =	shalt  }
0x61: {  	_ =	shalt  }
0x62: {  	_ =	shalt  }
0x63: {  	_ =	shalt  }
0x64: {  	_ =	shalt  }
0x65: {  	_ =	shalt  }
0x66: {  	_ =	shalt  }
0x67: {  	_ =	shalt  }
0x68: {  	_ =	shalt  }
0x69: {  	_ =	shalt  }
0x6a: {  	_ =	shalt  }
0x6b: {  	_ =	shalt  }
0x6c: {  	_ =	shalt  }
0x6d: {  	_ =	shalt  }
0x6e: {  	_ =	shalt  }
0x6f: {  	_ =	shalt  }
0x70: {  	_ =	shalt  }
0x71: {  	_ =	shalt  }
0x72: {  	_ =	shalt  }
0x73: {  	_ =	shalt  }
0x74: {  	_ =	shalt  }
0x75: {  	_ =	shalt  }
0x76: {  	_ =	shalt  }
0x77: {  	_ =	shalt  }
0x78: {  	_ =	shalt  }
0x79: {  	_ =	shalt  }
0x7a: {  	_ =	shalt  }
0x7b: {  	_ =	shalt  }
0x7c: {  	_ =	shalt  }
0x7d: {  	_ =	shalt  }
0x7e: {  	_ =	shalt  }
0x7f: {  	_ =	shalt  }
0x80: {  	_ =	shalt  }
0x81: {  	_ =	shalt  }
0x82: {  	_ =	shalt  }
0x83: {  	_ =	shalt  }
0x84: {  	_ =	shalt  }
0x85: {  	_ =	shalt  }
0x86: {  	_ =	shalt  }
0x87: {  	_ =	shalt  }
.Lfunc_end0:
.L_simem_size_0:
called_computation_lowered:
.L_overlay_start_0:
0x88: {  	s2 =	sld [smem:$0x3FD9]  }
0x89: {  	s3 =	sld [smem:$0x3FFE];
	_ =	sdelay $0x1  }
0x8a: {  	s1 =	srdreg.scid  }
0x8b: {  	s0 =	sand.u32 $0x1, s1  }
0x8c: {  	s17 =	sshll.u32 s0, $0xA;
	s2 =	sadd.s32 s3, s2  }
0x8d: {  	s2 =	sadd.s32 s2, s17  }
0x8e: {  	[smem:$0x3FBF] =	sst s2  }
0x8f: {  	_ = 	snop  }
0x90: {  	s2 =	sld [smem:$0x3FD0];
	(tm) =	ssettm $0x1  }
0x91: {  	s18 =	sld [smem:$0x3FFB];
	_ =	sdelay $0x3  }
0x92: {  	_ =	strace s18  }
0x93: {  	s3 =	sld [smem:$0x3FFC];
	_ =	sdelay $0x3  }
0x94: {  	_ =	strace s3  }
0x95: {  	s3 =	sld [smem:$0x3FFD];
	_ =	sdelay $0x3  }
0x96: {  	_ =	strace s3  }
0x97: {  	_ =	strace $0x8FFFFFFF  }
0x98: {  	s19 =	sld [smem:$0x3FDB];
	_ =	sdelay $0x1  }
0x99: {  	s4 =	simm.s32 $_scs_section_size  }
0x9a: {  	s5 =	simm.s32 $_size__tile_overlayer_lowered;
	s6 =	simm.s32 $_tile_overlayer_lowered  }
0x9b: {  	s22 =	simm.s32 $0x1BFF;
	s21 =	sshll.u32 s6, $0x1;
	s3 =	sadd.s32 s4, s19  }
0x9c: {  	s7 =	simm.s32 $0x0;
	s20 =	sshll.u32 s5, $0x1;
	s5 =	sadd.s32 s21, s3  }
0x9d: {  	[timem:s7], [sflag:s22] =	dma.local [hbm:s5], s20  }
0x9e: {  	_ =	swait.ge [sflag:s22], s20  }
0x9f: {  	s4 =	ssub.s32 $0x0, s20;
	[sflag:s22] =	ssyncset.done $0x0  }
0xa0: {  	[sflag:s22] =	ssyncadd.s32 s4;
	_ =	sdelay $0x1  }
0xa1: {  	s23 =	simm.s32 $0x1B8B  }
0xa2: {  	_ =	swait.ge [sflag:s23], $0x1  }
0xa3: {  	[sflag:s23] =	ssyncset.done $0x0  }
0xa4: {  	s25 =	simm.s32 $0x1B8E;
	s24 =	sld [smem:$0x3FFE];
	[sflag:s23] =	ssyncadd.s32 $0xFFFFFFFF  }
0xa5: {  	s26 =	simm.s32 $execute0_lowered;
	[smem:$0x3FD2] =	sst s25  }
0xa6: {  	s5 =	sshll.u32 s26, $0x1;
	_ =	strace $0x80000046;
	[dreg:$0x1] =	wrdreg $0xFFFFFFFF  }
0xa7: {  	s28 =	simm.s32 $_size_execute0_lowered;
	s3 =	sadd.s32 s3, s5;
	[dreg:$0x0] =	wrdreg $0x0  }
0xa8: {  	s5 =	sshll.u32 s28, $0x1;
	[dreg:$0x2] =	wrdreg s3  }
0xa9: {  	[dreg:$0x3] =	wrdreg s5  }
0xaa: {  	[dreg:$0x4] =	wrdreg $0xC0  }
0xab: {  	_ =	task [dreg:s7], $0x5FFFF  }
0xac: {  	[dreg:$0x1] =	wrdreg $0xFFFFFFFF  }
0xad: {  	[dreg:$0x0] =	wrdreg $0x60  }
0xae: {  	[dreg:$0x2] =	wrdreg s24  }
0xaf: {  	[dreg:$0x3] =	wrdreg s2  }
0xb0: {  	[dreg:$0x4] =	wrdreg $0xB8000  }
0xb1: {  	[dreg:$0x5] =	wrdreg $0x9  }
0xb2: {  	_ =	task.clear_ibuf [dreg:s7], $0x6FFFF;
	_ =	strace $0x90000046  }
0xb3: {  	s29 =	simm.s32 $0x9;
	_ =	strace $0x80000048  }
0xb4: {  	_ =	swait.ge [sflag:s29], $0x1  }
0xb5: {  	[sflag:s29] =	ssyncadd.s32 $0xFFFFFFFF  }
0xb6: {  	_ =	strace $0x90000048  }
0xb7: {  	_ =	sfence  }
0xb8: {  	s30 =	sld [smem:$0x0];
	_ =	sdelay $0x2  }
0xb9: {  	s31 =	sshll.u32 s1, $0xD;
	s1 =	sshrl.u32 s1, $0x2  }
0xba: {  	s3 =	sand.u32 $0x4000, s31;
	s1 =	sadd.s32 s1, s30  }
0xbb: {  	s0 =	sor.u32 s3, s0;
	s1 =	sshll.u32 s1, $0x11  }
0xbc: {  	s0 =	sor.u32 s1, s0  }
0xbd: {  	s0 =	sadd.s32 $0x8F2B, s0  }
0xbe: {  	[sflag:s0] =	ssyncadd.remote.s32 $0x1  }
0xbf: {  	_ =	sfence.sel $0xFFFF  }
0xc0: {  	[dreg:$0x0] =	wrdreg $0xFFFFFFFF;
	(pc) =	sbr.abs _section_cstart, $3  }
0xc1: {  	[dreg:$0x1] =	wrdreg $0xFFFFFFFF  }
0xc2: {  	_ =	task.clear_ibuf [dreg:s7], $0x2FFFF;
	_ =	strace $0x9FFFFFFF  }
0xc3: {  	(tm) =	ssettm $0x7FFFFFFF  }
tec
execute0_lowered:
.L_overlay_start_1:
0x0: {  	(tag) =	ssettag $0x1  }
0x1: {  	s0 =	srdreg.scid  }
0x2: {  	s9 =	stileid.u32;
	s1 =	rddreg [dreg:$0x0]  }
0x3: {  	s6 =	rddreg [dreg:$0x1];
	s30 =	simm.s32 $0x5;
	s31 =	simm.s32 $0x1400  }
0x4: {  	s11 =	simm.s32 $0x4;
	s12 =	simm.s32 $0x0;
	s8 =	smul.u32 $0x14000, s9  }
0x5: {  	s0 =	sand.u32 $0x1, s0;
	s2 =	sshll.u32 s9, $0x1;
	s9 =	smul.u32 $0x50000, s9  }
0x6: {  	s4 =	sadd.s32 $0x1600, s1;
	s3 =	sor.u32 s0, s2;
	s5 =	smul.u32 $0x140000, s0  }
0x7: {  	s2 =	rddreg [dreg:$0x2];
	s0 =	ssub.s32 $0x2, s0;
	s7 =	smul.u32 $0x280, s3  }
0x8: {  	s3 =	simm.s32 $0x0;
	s17 =	sshrl.u32 s0, $0x1;
	s9 =	sshrl.u32 s9, $0x2  }
0x9: {  	[smem:$0x7FF] =	sst s3;
	s5 =	sadd.s32 s8, s5;
	s0 =	ssub.s32 s0, s17  }
0xa: {  	s8 =	simm.s32 $0x1;
	_ =	strace $0x80000047;
	s5 =	sshrl.u32 s5, $0x3  }
0xb: {  	s10 =	sadd.s32 s7, s1;
	s6 =	sadd.s32 s6, s7;
	s1 =	sadd.s32 s5, s1  }
0xc: {  	s5 =	sadd.s32 s9, s2;
	[dreg:$0x4] =	wrdreg s6;
	s18 =	sadd.s32 $0x420200, s10  }
0xd: {  	s7 =	simm.s32 $0xA800;
	[dreg:$0x5] =	wrdreg s18;
	s19 =	sadd.s32 $0x1000, s5  }
0xe: {  	s6 =	simm.s32 $0x6800;
	s20 =	sadd.s32 $0x2000, s5;
	[dreg:$0x6] =	wrdreg s19  }
0xf: {  	s9 =	simm.s32 $0x3;
	s21 =	sadd.s32 $0x3000, s5;
	[dreg:$0x7] =	wrdreg s20  }
0x10: {  	s10 =	simm.s32 $0x2;
	s22 =	sadd.s32 $0x4000, s5;
	[dreg:$0x8] =	wrdreg s21  }
0x11: {  	s23 =	sadd.s32 $0x5000, s5;
	s24 =	sadd.s32 $0x6000, s5;
	[dreg:$0x9] =	wrdreg s22  }
0x12: {  	s25 =	sadd.s32 $0x7000, s5;
	s26 =	sadd.s32 $0x8000, s5;
	[dreg:$0xa] =	wrdreg s23  }
0x13: {  	s16 =	sadd.s32 $0x9000, s5;
	s17 =	sadd.s32 $0xA000, s5;
	[dreg:$0xb] =	wrdreg s24  }
0x14: {  	s18 =	sadd.s32 $0xB000, s5;
	s28 =	sadd.s32 $0x12000, s5;
	[dreg:$0xc] =	wrdreg s25  }
0x15: {  	s29 =	sadd.s32 $0x13000, s5;
	[dreg:$0xd] =	wrdreg s26;
	s19 =	sadd.s32 $0xC000, s5  }
0x16: {  	s20 =	sadd.s32 $0xD000, s5;
	s21 =	sadd.s32 $0xE000, s5;
	s22 =	sadd.s32 $0xF000, s5  }
0x17: {  	s23 =	sadd.s32 $0x10000, s5;
	s24 =	sadd.s32 $0x425200, s1;
	s25 =	smax.u32 s0, $0x1  }
0x18: {  	v0 =	vimm.f32 $0.0e+00;
	s26 =	sadd.s32 $0x11000, s5;
	s1 =	simm.s32 $0x80;
	s0 =	simm.s32 $0x2800  }
.LBB2_1:
0x19: {  	s13 =	rddreg [dreg:$0x4]  }
0x1a: {  	[tilespmem:s3], [sflag:$0x5] =	stream.linear.gather [hbm4b:s13+s3], $0x1400, $0x38;
	[tilespmem:$0x1F800] =	vst v63  }
0x1b: {  	_ =	swait.ge [sflag:s30], $0x1400  }
0x1c: {  	[sflag:s30] =	ssyncset.done $0x0  }
0x1d: {  	s15 =	rddreg [dreg:$0x5];
	[sflag:s30] =	ssyncadd.s32 $0xFFFFEC00  }
0x1e: {  	[tilespmem:s31], [sflag:$0x5] =	stream.linear.gather [hbm4b:s15+s3], $0x1400, $0x38;
	[tilespmem:$0x1F800] =	vst v63  }
0x1f: {  	_ =	swait.ge [sflag:s30], $0x1400  }
0x20: {  	[sflag:s30] =	ssyncset.done $0x0  }
0x21: {  	[sflag:s30] =	ssyncadd.s32 $0xFFFFEC00  }
0x22: {  	[tilespmem:s0], [sflag:$0x1] =	stream.indirect.gather [hbm4b:s4+s1], $0x80, s3, s1, $0xb8;
	[tilespmem:$0x1F800] =	vst v63  }
0x23: {  	s14 =	simm.s32 $0x200;
	s13 =	simm.s32 $0x0  }
0x24: {  	[tilespmem:s6], [sflag:$0x2] =	stream.indirect.gather [hbm4b:s4+s1], $0x80, s1, s1, $0xb8;
	[tilespmem:$0x1F800] =	vst v63  }
.LBB2_2:
0x25: {  	p0 =	sne.s32 s14, $0x3E00;
	[tilespmem:s13+$0xA870] =	vst v0  }
0x26: {  	[tilespmem:s13+$0xA800] =	vst v0  }
0x27: {  	[tilespmem:s13+$0xA810] =	vst v0  }
.Ltmp0:
0x28: {  	[tilespmem:s13+$0xA820] =	vst v0;
	(pc) =	sbr.rel @p0 .LBB2_2-.Ltmp0, $4  }
0x29: {  	[tilespmem:s13+$0xA830] =	vst v0  }
0x2a: {  	[tilespmem:s13+$0xA840] =	vst v0  }
0x2b: {  	[tilespmem:s13+$0xA850] =	vst v0  }
0x2c: {  	[tilespmem:s13+$0xA860] =	vst v0;
	s13 =	sshra.s32 s14, $0x2;
	s14 =	sadd.s32 $0x200, s14  }
0x2d: {  	[tilespmem:s13+$0xA870] =	vst v0  }
0x2e: {  	[tilespmem:s13+$0xA800] =	vst v0  }
0x2f: {  	[tilespmem:s13+$0xA810] =	vst v0  }
0x30: {  	[tilespmem:s13+$0xA820] =	vst v0  }
0x31: {  	[tilespmem:s13+$0xA830] =	vst v0  }
0x32: {  	[tilespmem:s13+$0xA840] =	vst v0  }
0x33: {  	[tilespmem:s13+$0xA850] =	vst v0  }
0x34: {  	[tilespmem:s13+$0xA860] =	vst v0  }
0x35: {  	[spmem:s5] =	stream.linear.scatter [tilespmem:s7], [sflag:$0x5], $0x1000, $0x38;
	[tilespmem:$0x1F800] =	vst v63  }
0x36: {  	_ =	swait.ge [sflag:s30], $0x1000  }
0x37: {  	[sflag:s30] =	ssyncset.done $0x0  }
0x38: {  	s15 =	rddreg [dreg:$0x6];
	[sflag:s30] =	ssyncadd.s32 $0xFFFFF000  }
0x39: {  	[spmem:s15] =	stream.linear.scatter [tilespmem:s7], [sflag:$0x5], $0x1000, $0x38;
	[tilespmem:$0x1F800] =	vst v63  }
0x3a: {  	_ =	swait.ge [sflag:s30], $0x1000  }
0x3b: {  	[sflag:s30] =	ssyncset.done $0x0  }
0x3c: {  	s14 =	rddreg [dreg:$0x7];
	[sflag:s30] =	ssyncadd.s32 $0xFFFFF000  }
0x3d: {  	[spmem:s14] =	stream.linear.scatter [tilespmem:s7], [sflag:$0x5], $0x1000, $0x38;
	[tilespmem:$0x1F800] =	vst v63  }
0x3e: {  	_ =	swait.ge [sflag:s30], $0x1000  }
0x3f: {  	[sflag:s30] =	ssyncset.done $0x0  }
0x40: {  	s15 =	rddreg [dreg:$0x8];
	[sflag:s30] =	ssyncadd.s32 $0xFFFFF000  }
0x41: {  	[spmem:s15] =	stream.linear.scatter [tilespmem:s7], [sflag:$0x5], $0x1000, $0x38;
	[tilespmem:$0x1F800] =	vst v63  }
0x42: {  	_ =	swait.ge [sflag:s30], $0x1000  }
0x43: {  	[sflag:s30] =	ssyncset.done $0x0  }
0x44: {  	s14 =	rddreg [dreg:$0x9];
	[sflag:s30] =	ssyncadd.s32 $0xFFFFF000  }
0x45: {  	[spmem:s14] =	stream.linear.scatter [tilespmem:s7], [sflag:$0x5], $0x1000, $0x38;
	[tilespmem:$0x1F800] =	vst v63  }
0x46: {  	_ =	swait.ge [sflag:s30], $0x1000  }
0x47: {  	[sflag:s30] =	ssyncset.done $0x0  }
0x48: {  	s15 =	rddreg [dreg:$0xa];
	[sflag:s30] =	ssyncadd.s32 $0xFFFFF000  }
0x49: {  	[spmem:s15] =	stream.linear.scatter [tilespmem:s7], [sflag:$0x5], $0x1000, $0x38;
	[tilespmem:$0x1F800] =	vst v63  }
0x4a: {  	_ =	swait.ge [sflag:s30], $0x1000  }
0x4b: {  	[sflag:s30] =	ssyncset.done $0x0  }
0x4c: {  	s14 =	rddreg [dreg:$0xb];
	[sflag:s30] =	ssyncadd.s32 $0xFFFFF000  }
0x4d: {  	[spmem:s14] =	stream.linear.scatter [tilespmem:s7], [sflag:$0x5], $0x1000, $0x38;
	[tilespmem:$0x1F800] =	vst v63  }
0x4e: {  	_ =	swait.ge [sflag:s30], $0x1000  }
0x4f: {  	[sflag:s30] =	ssyncset.done $0x0  }
0x50: {  	s15 =	rddreg [dreg:$0xc];
	[sflag:s30] =	ssyncadd.s32 $0xFFFFF000  }
0x51: {  	[spmem:s15] =	stream.linear.scatter [tilespmem:s7], [sflag:$0x5], $0x1000, $0x38;
	[tilespmem:$0x1F800] =	vst v63  }
0x52: {  	_ =	swait.ge [sflag:s30], $0x1000  }
0x53: {  	[sflag:s30] =	ssyncset.done $0x0  }
0x54: {  	s14 =	rddreg [dreg:$0xd];
	[sflag:s30] =	ssyncadd.s32 $0xFFFFF000  }
0x55: {  	[spmem:s14] =	stream.linear.scatter [tilespmem:s7], [sflag:$0x5], $0x1000, $0x38;
	[tilespmem:$0x1F800] =	vst v63  }
0x56: {  	_ =	swait.ge [sflag:s30], $0x1000  }
0x57: {  	[sflag:s30] =	ssyncset.done $0x0  }
0x58: {  	[sflag:s30] =	ssyncadd.s32 $0xFFFFF000  }
0x59: {  	[spmem:s16] =	stream.linear.scatter [tilespmem:s7], [sflag:$0x5], $0x1000, $0x38;
	[tilespmem:$0x1F800] =	vst v63  }
0x5a: {  	_ =	swait.ge [sflag:s30], $0x1000  }
0x5b: {  	[sflag:s30] =	ssyncset.done $0x0  }
0x5c: {  	[sflag:s30] =	ssyncadd.s32 $0xFFFFF000  }
0x5d: {  	[spmem:s17] =	stream.linear.scatter [tilespmem:s7], [sflag:$0x5], $0x1000, $0x38;
	[tilespmem:$0x1F800] =	vst v63  }
0x5e: {  	_ =	swait.ge [sflag:s30], $0x1000  }
0x5f: {  	[sflag:s30] =	ssyncset.done $0x0  }
0x60: {  	[sflag:s30] =	ssyncadd.s32 $0xFFFFF000  }
0x61: {  	[spmem:s18] =	stream.linear.scatter [tilespmem:s7], [sflag:$0x5], $0x1000, $0x38;
	[tilespmem:$0x1F800] =	vst v63  }
0x62: {  	_ =	swait.ge [sflag:s30], $0x1000  }
0x63: {  	[sflag:s30] =	ssyncset.done $0x0  }
0x64: {  	[sflag:s30] =	ssyncadd.s32 $0xFFFFF000  }
0x65: {  	[spmem:s19] =	stream.linear.scatter [tilespmem:s7], [sflag:$0x5], $0x1000, $0x38;
	[tilespmem:$0x1F800] =	vst v63  }
0x66: {  	_ =	swait.ge [sflag:s30], $0x1000  }
0x67: {  	[sflag:s30] =	ssyncset.done $0x0  }
0x68: {  	[sflag:s30] =	ssyncadd.s32 $0xFFFFF000  }
0x69: {  	[spmem:s20] =	stream.linear.scatter [tilespmem:s7], [sflag:$0x5], $0x1000, $0x38;
	[tilespmem:$0x1F800] =	vst v63  }
0x6a: {  	_ =	swait.ge [sflag:s30], $0x1000  }
0x6b: {  	[sflag:s30] =	ssyncset.done $0x0  }
0x6c: {  	[sflag:s30] =	ssyncadd.s32 $0xFFFFF000  }
0x6d: {  	[spmem:s21] =	stream.linear.scatter [tilespmem:s7], [sflag:$0x5], $0x1000, $0x38;
	[tilespmem:$0x1F800] =	vst v63  }
0x6e: {  	_ =	swait.ge [sflag:s30], $0x1000  }
0x6f: {  	[sflag:s30] =	ssyncset.done $0x0  }
0x70: {  	[sflag:s30] =	ssyncadd.s32 $0xFFFFF000  }
0x71: {  	[spmem:s22] =	stream.linear.scatter [tilespmem:s7], [sflag:$0x5], $0x1000, $0x38;
	[tilespmem:$0x1F800] =	vst v63  }
0x72: {  	_ =	swait.ge [sflag:s30], $0x1000  }
0x73: {  	[sflag:s30] =	ssyncset.done $0x0  }
0x74: {  	[sflag:s30] =	ssyncadd.s32 $0xFFFFF000  }
0x75: {  	[spmem:s23] =	stream.linear.scatter [tilespmem:s7], [sflag:$0x5], $0x1000, $0x38;
	[tilespmem:$0x1F800] =	vst v63  }
0x76: {  	_ =	swait.ge [sflag:s30], $0x1000  }
0x77: {  	[sflag:s30] =	ssyncset.done $0x0  }
0x78: {  	[sflag:s30] =	ssyncadd.s32 $0xFFFFF000  }
0x79: {  	[spmem:s26] =	stream.linear.scatter [tilespmem:s7], [sflag:$0x5], $0x1000, $0x38;
	[tilespmem:$0x1F800] =	vst v63  }
0x7a: {  	_ =	swait.ge [sflag:s30], $0x1000  }
0x7b: {  	[sflag:s30] =	ssyncset.done $0x0  }
0x7c: {  	[sflag:s30] =	ssyncadd.s32 $0xFFFFF000  }
0x7d: {  	[spmem:s28] =	stream.linear.scatter [tilespmem:s7], [sflag:$0x5], $0x1000, $0x38;
	[tilespmem:$0x1F800] =	vst v63  }
0x7e: {  	_ =	swait.ge [sflag:s30], $0x1000  }
0x7f: {  	[sflag:s30] =	ssyncset.done $0x0  }
0x80: {  	[sflag:s30] =	ssyncadd.s32 $0xFFFFF000  }
0x81: {  	[spmem:s29] =	stream.linear.scatter [tilespmem:s7], [sflag:$0x5], $0x1000, $0x38;
	[tilespmem:$0x1F800] =	vst v63  }
0x82: {  	_ =	swait.ge [sflag:s30], $0x1000  }
0x83: {  	[sflag:s30] =	ssyncset.done $0x0  }
0x84: {  	[sflag:s30] =	ssyncadd.s32 $0xFFFFF000  }
0x85: {  	[bflag:$0x0] =	sbarrier.arrive $0xFFFF  }
0x86: {  	_ =	swait.ge [sflag:s8], $0x4000  }
0x87: {  	[sflag:s8] =	ssyncset.done $0x0  }
0x88: {  	[sflag:s8] =	ssyncadd.s32 $0xFFFFC000  }
0x89: {  	[spmem:s2] =	stream.indirect.scatter.add.f32 [tilespmem:s0], [sflag:$0x3], $0x80, s31, s1, $0xb8;
	[tilespmem:$0x1F800] =	vst v63  }
0x8a: {  	_ =	swait.ge [sflag:s9], $0x4000  }
0x8b: {  	[sflag:s9] =	ssyncset.done $0x0  }
0x8c: {  	s15 =	simm.s32 $0x100;
	[sflag:s9] =	ssyncadd.s32 $0xFFFFC000  }
0x8d: {  	[tilespmem:s0], [sflag:$0x1] =	stream.indirect.gather [hbm4b:s4+s1], $0x80, s15, s1, $0xb8;
	[tilespmem:$0x1F800] =	vst v63  }
0x8e: {  	_ =	swait.ge [sflag:s10], $0x4000  }
0x8f: {  	[sflag:s10] =	ssyncset.done $0x0  }
0x90: {  	s14 =	simm.s32 $0x1480;
	[sflag:s10] =	ssyncadd.s32 $0xFFFFC000  }
0x91: {  	[spmem:s2] =	stream.indirect.scatter.add.f32 [tilespmem:s6], [sflag:$0x4], $0x80, s14, s1, $0xb8;
	[tilespmem:$0x1F800] =	vst v63  }
0x92: {  	_ =	swait.ge [sflag:s11], $0x4000  }
0x93: {  	[sflag:s11] =	ssyncset.done $0x0  }
0x94: {  	s15 =	simm.s32 $0x180;
	[sflag:s11] =	ssyncadd.s32 $0xFFFFC000  }
0x95: {  	[tilespmem:s6], [sflag:$0x2] =	stream.indirect.gather [hbm4b:s4+s1], $0x80, s15, s1, $0xb8;
	[tilespmem:$0x1F800] =	vst v63  }
0x96: {  	_ =	swait.ge [sflag:s8], $0x4000  }
0x97: {  	[sflag:s8] =	ssyncset.done $0x0  }
0x98: {  	s14 =	simm.s32 $0x1500;
	[sflag:s8] =	ssyncadd.s32 $0xFFFFC000  }
0x99: {  	[spmem:s2] =	stream.indirect.scatter.add.f32 [tilespmem:s0], [sflag:$0x3], $0x80, s14, s1, $0xb8;
	[tilespmem:$0x1F800] =	vst v63  }
0x9a: {  	_ =	swait.ge [sflag:s9], $0x4000  }
0x9b: {  	[sflag:s9] =	ssyncset.done $0x0  }
0x9c: {  	s15 =	simm.s32 $0x200;
	[sflag:s9] =	ssyncadd.s32 $0xFFFFC000  }
0x9d: {  	[tilespmem:s0], [sflag:$0x1] =	stream.indirect.gather [hbm4b:s4+s1], $0x80, s15, s1, $0xb8;
	[tilespmem:$0x1F800] =	vst v63  }
0x9e: {  	_ =	swait.ge [sflag:s10], $0x4000  }
0x9f: {  	[sflag:s10] =	ssyncset.done $0x0  }
0xa0: {  	s13 =	simm.s32 $0xFFFFBC00;
	s14 =	simm.s32 $0x1580;
	[sflag:s10] =	ssyncadd.s32 $0xFFFFC000  }
.LBB2_4:
0xa1: {  	[spmem:s2] =	stream.indirect.scatter.add.f32 [tilespmem:s6], [sflag:$0x4], $0x80, s14, s1, $0xb8;
	[tilespmem:$0x1F800] =	vst v63  }
0xa2: {  	s14 =	smov.u32 s13  }
0xa3: {  	p0 =	sne.s32 s13, $0xFFFFFC00;
	s13 =	sadd.s32 $0x400, s13;
	_ =	swait.ge [sflag:s11], $0x4000  }
0xa4: {  	s14 =	sshra.s32 s14, $0x2;
	[sflag:s11] =	ssyncset.done $0x0  }
0xa5: {  	s15 =	sadd.s32 $0x1380, s14;
	[sflag:s11] =	ssyncadd.s32 $0xFFFFC000  }
0xa6: {  	[tilespmem:s6], [sflag:$0x2] =	stream.indirect.gather [hbm4b:s4+s1], $0x80, s15, s1, $0xb8;
	[tilespmem:$0x1F800] =	vst v63  }
0xa7: {  	_ =	swait.ge [sflag:s8], $0x4000  }
0xa8: {  	[sflag:s8] =	ssyncset.done $0x0  }
0xa9: {  	s15 =	sadd.s32 $0x2700, s14;
	[sflag:s8] =	ssyncadd.s32 $0xFFFFC000  }
0xaa: {  	[spmem:s2] =	stream.indirect.scatter.add.f32 [tilespmem:s0], [sflag:$0x3], $0x80, s15, s1, $0xb8;
	[tilespmem:$0x1F800] =	vst v63  }
0xab: {  	_ =	swait.ge [sflag:s9], $0x4000  }
0xac: {  	[sflag:s9] =	ssyncset.done $0x0  }
.Ltmp1:
0xad: {  	s15 =	sadd.s32 $0x1400, s14;
	[sflag:s9] =	ssyncadd.s32 $0xFFFFC000;
	(pc) =	sbr.rel @p0 .LBB2_4-.Ltmp1, $4  }
0xae: {  	[tilespmem:s0], [sflag:$0x1] =	stream.indirect.gather [hbm4b:s4+s1], $0x80, s15, s1, $0xb8;
	[tilespmem:$0x1F800] =	vst v63  }
0xaf: {  	_ =	swait.ge [sflag:s10], $0x4000  }
0xb0: {  	[sflag:s10] =	ssyncset.done $0x0  }
0xb1: {  	s14 =	sadd.s32 $0x2780, s14;
	[sflag:s10] =	ssyncadd.s32 $0xFFFFC000  }
0xb2: {  	[spmem:s2] =	stream.indirect.scatter.add.f32 [tilespmem:s6], [sflag:$0x4], $0x80, s14, s1, $0xb8;
	[tilespmem:$0x1F800] =	vst v63  }
0xb3: {  	_ =	swait.ge [sflag:s11], $0x4000  }
0xb4: {  	[sflag:s11] =	ssyncset.done $0x0  }
0xb5: {  	s13 =	simm.s32 $0x1380;
	[sflag:s11] =	ssyncadd.s32 $0xFFFFC000  }
0xb6: {  	[tilespmem:s6], [sflag:$0x2] =	stream.indirect.gather [hbm4b:s4+s1], $0x80, s13, s1, $0xb8;
	[tilespmem:$0x1F800] =	vst v63  }
0xb7: {  	_ =	swait.ge [sflag:s8], $0x4000  }
0xb8: {  	[sflag:s8] =	ssyncset.done $0x0  }
0xb9: {  	s14 =	simm.s32 $0x2700;
	[sflag:s8] =	ssyncadd.s32 $0xFFFFC000  }
0xba: {  	[spmem:s2] =	stream.indirect.scatter.add.f32 [tilespmem:s0], [sflag:$0x3], $0x80, s14, s1, $0xb8;
	[tilespmem:$0x1F800] =	vst v63  }
0xbb: {  	_ =	swait.ge [sflag:s9], $0x4000  }
0xbc: {  	[sflag:s9] =	ssyncset.done $0x0  }
0xbd: {  	[sflag:s9] =	ssyncadd.s32 $0xFFFFC000  }
0xbe: {  	_ =	swait.ge [sflag:s10], $0x4000  }
0xbf: {  	[sflag:s10] =	ssyncset.done $0x0  }
0xc0: {  	s15 =	simm.s32 $0x2780;
	[sflag:s10] =	ssyncadd.s32 $0xFFFFC000  }
0xc1: {  	[spmem:s2] =	stream.indirect.scatter.add.f32 [tilespmem:s6], [sflag:$0x4], $0x80, s15, s1, $0xb8;
	[tilespmem:$0x1F800] =	vst v63  }
0xc2: {  	s14 =	stileid.u32;
	_ =	swait.ge [sflag:s11], $0x4000  }
0xc3: {  	s12 =	sadd.s32 $0x1, s12;
	s13 =	sshll.u32 s14, $0x6;
	[sflag:s11] =	ssyncset.done $0x0  }
0xc4: {  	p0 =	sne.s32 s12, s25;
	s13 =	sor.u32 $0x1C05, s13;
	[sflag:s11] =	ssyncadd.s32 $0xFFFFC000  }
.Ltmp2:
0xc5: {  	s15 =	sshrl.u32 s5, $0x3;
	[bflag:$0x0] =	sbarrier.arrive $0xFFFF;
	(pc) =	sbr.rel @p0 .LBB2_1-.Ltmp2, $4  }
0xc6: {  	[hbm:s24], [sflag:s13] =	dma.local [spmem:s15], $0x2800  }
0xc7: {  	_ =	swait.ge [sflag:s30], $0x2800  }
0xc8: {  	[sflag:s30] =	ssyncset.done $0x0  }
0xc9: {  	[sflag:s30] =	ssyncadd.s32 $0xFFFFD800  }
0xca: {  	_ =	sfence.sel $0x180000  }
0xcb: {  	[bflag:$0x0] =	sbarrier.arrive $0xFFFF  }
0xcc: {  	_ =	strace $0x90000047  }
0xcd: {  	s0 =	stileid.u32;
	[bflag:$0x2] =	sbarrier.arrive $0xFFFF  }
0xce: {  	p0 =	sne.s32 s0, $0x0;
	s0 =	rddreg [dreg:$0x3]  }
0xcf: {  	s0 =	sadd.s32 @!p0 $0x100000, s0  }
0xd0: {  	[sflag:s0] =	ssyncadd.tile.s32 @!p0 $0x1;
	_ =	shalt  }
.Lfunc_end2:
_tile_overlayer_lowered:
.L_overlay_start_2:
0xd1: {  	(tag) =	ssettag $0x2  }
0xd2: {  	s0 =	rddreg [dreg:$0x0];
	s2 =	stileid.u32  }
0xd3: {  	s1 =	rddreg [dreg:$0x1];
	p0 =	sne.s32 s2, $0x0  }
0xd4: {  	s3 =	rddreg [dreg:$0x2];
	[bflag:$0x3] =	sbarrier.arrive $0xFFFF;
	s2 =	simm.s32 @!p0 $0x1C05  }
0xd5: {  	[timem:s3], [sflag:s2] =	dma.local @!p0 [hbm:s0], s1  }
0xd6: {  	s0 =	simm.s32 @!p0 $0x5  }
0xd7: {  	_ =	swait.ge @!p0 [sflag:s0], s1  }
0xd8: {  	s1 =	ssub.s32 @!p0 $0x0, s1;
	[sflag:s0] =	ssyncset.done @!p0 $0x0  }
0xd9: {  	[sflag:s0] =	ssyncadd.s32 @!p0 s1  }
0xda: {  	[bflag:$0x3] =	sbarrier.arrive $0xFFFF  }
0xdb: {  	_ =	shalt  }

</sc_bundles>
